<compile_context>
chip_gen: v7x
topology: tpu7x:2x2x1
jax: 0.10.2.dev20260603
libtpu: 0.0.44.dev20260713+nightly
codegen_flags: <defaults>
</compile_context>

<pallas_src>
import functools

import jax
import jax.numpy as jnp
from jax import lax
from jax.experimental import pallas as pl
from jax.experimental.pallas import tpu as pltpu
from jax.experimental.pallas import tpu_sc as plsc

_NCLS = 19
_B, _H, _W = 8, 512, 512
_BH = 256
_NH = _H // _BH

_NC, _NS, _L = 2, 16, 16
_NW = _NC * _NS
_CHUNK = (_B * _H * _W) // _NW


def _nll_body(bins_ref, x_ref, t_ref, out_ref, acc_ref):
    b = pl.program_id(0)
    h = pl.program_id(1)
    x = x_ref[0]
    t = t_ref[0]

    lse = jnp.log(jnp.sum(jnp.exp(x), axis=0))

    total = bins_ref[0]
    for c in range(1, _NCLS):
        total = total + bins_ref[c]

    wsel = jnp.zeros((_BH, _W), jnp.float32)
    picked = jnp.zeros((_BH, _W), jnp.float32)
    for c in range(_NCLS):
        nc = bins_ref[c]
        wc = jnp.where(nc != 0.0, 1.0 - nc / total, 0.0) + 1.0
        mask = t == c
        wsel = jnp.where(mask, wc, wsel)
        picked = jnp.where(mask, x[c], picked)

    num_t = jnp.sum(wsel * (picked - lse))
    den_t = jnp.sum(wsel)

    @pl.when(h == 0)
    def _():
        acc_ref[0] = num_t
        acc_ref[1] = den_t

    @pl.when(h != 0)
    def _():
        acc_ref[0] += num_t
        acc_ref[1] += den_t

    @pl.when(h == _NH - 1)
    def _():
        img = -acc_ref[0] / acc_ref[1]

        @pl.when(b == 0)
        def _():
            acc_ref[2] = img

        @pl.when(b != 0)
        def _():
            acc_ref[2] += img

        @pl.when(b == _B - 1)
        def _():
            out_ref[0] = acc_ref[2]


def _nll_call(bins, inputs, targets):
    return pl.pallas_call(
        _nll_body,
        grid=(_B, _NH),
        in_specs=[
            pl.BlockSpec(memory_space=pltpu.SMEM),
            pl.BlockSpec((1, _NCLS, _BH, _W), lambda b, h: (b, 0, h, 0)),
            pl.BlockSpec((1, _BH, _W), lambda b, h: (b, h, 0)),
        ],
        out_specs=pl.BlockSpec(memory_space=pltpu.SMEM),
        out_shape=jax.ShapeDtypeStruct((1,), jnp.float32),
        scratch_shapes=[pltpu.SMEM((3,), jnp.float32)],
        compiler_params=pltpu.CompilerParams(
            dimension_semantics=("arbitrary", "arbitrary")
        ),
    )(bins, inputs, targets)


_NBANDS = _NW // _B
_BROWS = _H // _NBANDS
_NSUB = 4


def _sc_hist_body(t_hbm, out_hbm, chunk_v, bins_v, outbuf_v):
    wid = lax.axis_index("s") * _NC + lax.axis_index("c")
    img = wid // _NBANDS
    band = wid % _NBANDS
    pltpu.sync_copy(t_hbm.at[img, pl.ds(band * _BROWS, _BROWS)], chunk_v)
    zeros = jnp.zeros((_L,), jnp.float32)
    for k in range(_NSUB * _NCLS):
        bins_v[pl.ds(k * _L, _L)] = zeros
    lanes = lax.iota(jnp.int32, _L)
    ones = jnp.ones((_L,), jnp.float32)

    @plsc.parallel_loop(0, _BROWS)
    def _(r):
        for j in range(_W // _L):
            v = chunk_v[r, pl.ds(j * _L, _L)]
            off = (j % _NSUB) * (_NCLS * _L)
            plsc.addupdate_scatter(bins_v, [v * _L + lanes + off], ones)

    for c in range(_NCLS):
        acc = bins_v[pl.ds(c * _L, _L)]
        for k in range(1, _NSUB):
            acc = acc + bins_v[pl.ds(k * _NCLS * _L + c * _L, _L)]
        outbuf_v[pl.ds(c * _L, _L)] = acc
    pltpu.sync_copy(outbuf_v, out_hbm.at[wid])


def _histogram(targets):
    mesh = plsc.VectorSubcoreMesh(
        core_axis_name="c", subcore_axis_name="s",
        num_cores=_NC, num_subcores=_NS,
    )
    partials = pl.kernel(
        _sc_hist_body,
        out_type=jax.ShapeDtypeStruct((_NW, _NCLS * _L), jnp.float32),
        mesh=mesh,
        scratch_types=[
            pltpu.VMEM((_BROWS, _W), jnp.int32),
            pltpu.VMEM((_NSUB * _NCLS * _L,), jnp.float32),
            pltpu.VMEM((_NCLS * _L,), jnp.float32),
        ],
        compiler_params=pltpu.CompilerParams(needs_layout_passes=False),
    )(targets)
    return partials.reshape(_NW, _NCLS, _L).sum(axis=(0, 2))


def kernel(inputs, targets):
    t32 = targets.astype(jnp.int32)
    bins = _histogram(t32)
    out = _nll_call(bins, inputs, t32)
    return out[0]

# --- scband reference (transcript-rebuilt; emitter-appended) ---
"""Pipeline reference for scband-image-based-cross-entropy-loss2d-30296699306603 (READ-ONLY COPY).

The authoritative reference and input builder live on the scoring server;
editing this copy changes nothing except your own understanding.
"""

import jax, jax.numpy as jnp
import numpy as np

NUM_CLASSES = 19
IGNORE_INDEX = 255
UPPER_BOUND = 1.0
NORM = False


def setup_inputs(seed: int = 0) -> dict:
    key = jax.random.key(seed)
    k1, k2 = jax.random.split(key)
    inputs = jax.random.normal(k1, (8, NUM_CLASSES, 512, 512), dtype=jnp.float32)
    targets = jax.random.randint(k2, (8, 512, 512), 0, NUM_CLASSES, dtype=jnp.int64)
    return {"inputs": inputs, "targets": targets}


def _calculate_weights(targets):
    # torch.histc(target, bins=num_classes, min=0, max=num_classes) with unit bins
    t = targets.ravel()
    in_range = (t >= 0) & (t < NUM_CLASSES)
    t_safe = jnp.where(in_range, t, 0)
    bins = jnp.bincount(t_safe, weights=in_range.astype(jnp.float32), length=NUM_CLASSES)
    hist_norm = bins / bins.sum()
    if NORM:
        hist = (bins != 0).astype(jnp.float32) * UPPER_BOUND * (1.0 / hist_norm) + 1.0
    else:
        hist = (bins != 0).astype(jnp.float32) * UPPER_BOUND * (1.0 - hist_norm) + 1.0
    return hist


def reference(inputs, targets):
    # weights are computed from the FULL targets tensor on every loop iteration
    # (as in the original module), so they are identical for each image.
    weights = _calculate_weights(targets)
    logp = jax.nn.log_softmax(inputs, axis=1)  # [B, C, H, W]
    valid = (targets != IGNORE_INDEX)
    t_safe = jnp.where(valid, targets, 0)
    picked = jnp.take_along_axis(logp, t_safe[:, None, :, :], axis=1)[:, 0]  # [B, H, W]
    w = weights[t_safe] * valid.astype(jnp.float32)  # [B, H, W]
    # per-image weighted-mean NLL (NLLLoss default reduction='mean' with class weights),
    # summed over the batch loop
    per_image = -(w * picked).sum(axis=(1, 2)) / w.sum(axis=(1, 2))
    loss = per_image.sum()
    return loss

if __name__ == "__main__":
    import jax
    _d = setup_inputs()
    print(jax.jit(kernel)(*tuple(_d.values())))

</pallas_src>

<mosaic_0001>
#map = affine_map<(d0, d1) -> (0, 0, 0)>
#map1 = affine_map<(d0, d1) -> (0, 0)>
module attributes {stable_mosaic.version = 14 : i64} {
  func.func @_sc_hist_body(%arg0: i32, %arg1: i32, %arg2: memref<8x512x512xi32, #tpu.memory_space<hbm>>, %arg3: memref<32x304xf32, #tpu.memory_space<hbm>>, %arg4: memref<128x512xi32, #tpu.memory_space<vmem>>, %arg5: memref<1216xf32, #tpu.memory_space<vmem>>, %arg6: memref<304xf32, #tpu.memory_space<vmem>>) attributes {dimension_semantics = [#tpu.dimension_semantics<core_parallel>, #tpu.dimension_semantics<subcore_parallel>], iteration_bounds = array<i64: 2, 16>, scalar_prefetch = 0 : i64, scratch_operands = 3 : i64, tpu.core_type = #tpu.core_type<sc_vector_subcore>, window_params = [{transform_indices = #map}, {transform_indices = #map1}]} {
    %mul3A = arith.constant 2 : i32
    %mul3A_0 = arith.muli %arg1, %mul3A : i32
    %add3A = arith.addi %mul3A_0, %arg0 : i32
    %jit3A = arith.constant 4 : i32
    %div3A = arith.divsi %add3A, %jit3A : i32
    %sign3A = arith.constant 0 : i32
    %sign3A_1 = arith.cmpi sgt, %add3A, %sign3A : i32
    %sign3A_2 = arith.extui %sign3A_1 : i1 to i32
    %sign3A_3 = arith.constant 0 : i32
    %sign3A_4 = arith.cmpi slt, %add3A, %sign3A_3 : i32
    %sign3A_5 = arith.extui %sign3A_4 : i1 to i32
    %sign3A_6 = arith.subi %sign3A_2, %sign3A_5 : i32
    %sign3A_7 = arith.constant 0 : i32
    %sign3A_8 = arith.cmpi sgt, %jit3A, %sign3A_7 : i32
    %sign3A_9 = arith.extui %sign3A_8 : i1 to i32
    %sign3A_10 = arith.constant 0 : i32
    %sign3A_11 = arith.cmpi slt, %jit3A, %sign3A_10 : i32
    %sign3A_12 = arith.extui %sign3A_11 : i1 to i32
    %sign3A_13 = arith.subi %sign3A_9, %sign3A_12 : i32
    %ne3A = arith.cmpi ne, %sign3A_6, %sign3A_13 : i32
    %rem3A = arith.remsi %add3A, %jit3A : i32
    %ne3A_14 = arith.constant 0 : i32
    %ne3A_15 = arith.cmpi ne, %rem3A, %ne3A_14 : i32
    %and3A = arith.andi %ne3A, %ne3A_15 : i1
    %sub3A = arith.constant 1 : i32
    %sub3A_16 = arith.subi %div3A, %sub3A : i32
    %select_n3A = arith.select %and3A, %sub3A_16, %div3A : i32
    %jit3A_17 = arith.constant 4 : i32
    %eq3A = arith.constant 0 : i32
    %eq3A_18 = arith.cmpi eq, %jit3A_17, %eq3A : i32
    %jit3A_19 = arith.constant 1 : i32
    %select_n3A_20 = arith.select %eq3A_18, %jit3A_19, %jit3A_17 : i32
    %rem3A_21 = arith.remsi %add3A, %select_n3A_20 : i32
    %ne3A_22 = arith.constant 0 : i32
    %ne3A_23 = arith.cmpi ne, %rem3A_21, %ne3A_22 : i32
    %lt3A = arith.constant 0 : i32
    %lt3A_24 = arith.cmpi slt, %rem3A_21, %lt3A : i32
    %lt3A_25 = arith.constant 0 : i32
    %lt3A_26 = arith.cmpi slt, %select_n3A_20, %lt3A_25 : i32
    %ne3A_27 = arith.xori %lt3A_24, %lt3A_26 : i1
    %and3A_28 = arith.andi %ne3A_27, %ne3A_23 : i1
    %add3A_29 = arith.addi %rem3A_21, %select_n3A_20 : i32
    %select_n3A_30 = arith.select %and3A_28, %add3A_29, %rem3A_21 : i32
    %mul3A_31 = arith.constant 128 : i32
    %mul3A_32 = arith.muli %select_n3A_30, %mul3A_31 : i32
    "tpu.region"() ({
      %run_scoped3A = tpu.sem_alloc : memref<!tpu.dma_semaphore, #tpu.memory_space<semaphore_mem>>
      %dma_start3A = arith.constant 0 : i32
      %dma_start3A_435 = tpu.memref_slice %arg2[%select_n3A, %mul3A_32, %dma_start3A] : memref<8x512x512xi32, #tpu.memory_space<hbm>> -> memref<1x128x512xi32, #tpu.memory_space<hbm>>
      %dma_start3A_436 = tpu.memref_squeeze %dma_start3A_435 : memref<1x128x512xi32, #tpu.memory_space<hbm>> -> memref<128x512xi32, #tpu.memory_space<hbm>>
      %dma_start3A_437 = arith.constant 0 : i32
      %dma_start3A_438 = tpu.memref_slice %arg2[%select_n3A, %mul3A_32, %dma_start3A_437] : memref<8x512x512xi32, #tpu.memory_space<hbm>> -> memref<1x128x512xi32, #tpu.memory_space<hbm>>
      %dma_start3A_439 = tpu.memref_squeeze %dma_start3A_438 : memref<1x128x512xi32, #tpu.memory_space<hbm>> -> memref<128x512xi32, #tpu.memory_space<hbm>>
      tpu.enqueue_dma source(%dma_start3A_439 : memref<128x512xi32, #tpu.memory_space<hbm>>) target(%arg4 : memref<128x512xi32, #tpu.memory_space<vmem>>) target_semaphore(%run_scoped3A : memref<!tpu.dma_semaphore, #tpu.memory_space<semaphore_mem>>)
      %dma_wait3A = arith.constant 0 : i32
      %dma_wait3A_440 = tpu.memref_slice %arg2[%select_n3A, %mul3A_32, %dma_wait3A] : memref<8x512x512xi32, #tpu.memory_space<hbm>> -> memref<1x128x512xi32, #tpu.memory_space<hbm>>
      %dma_wait3A_441 = tpu.memref_squeeze %dma_wait3A_440 : memref<1x128x512xi32, #tpu.memory_space<hbm>> -> memref<128x512xi32, #tpu.memory_space<hbm>>
      %dma_wait3A_442 = arith.constant 0 : i32
      %dma_wait3A_443 = tpu.memref_slice %arg2[%select_n3A, %mul3A_32, %dma_wait3A_442] : memref<8x512x512xi32, #tpu.memory_space<hbm>> -> memref<1x128x512xi32, #tpu.memory_space<hbm>>
      %dma_wait3A_444 = tpu.memref_squeeze %dma_wait3A_443 : memref<1x128x512xi32, #tpu.memory_space<hbm>> -> memref<128x512xi32, #tpu.memory_space<hbm>>
      tpu.wait_dma2 semaphore(%run_scoped3A : memref<!tpu.dma_semaphore, #tpu.memory_space<semaphore_mem>>) src(%dma_wait3A_444 : memref<128x512xi32, #tpu.memory_space<hbm>>) dst(%arg4 : memref<128x512xi32, #tpu.memory_space<vmem>>)
      tpu.yield
    }) : () -> ()
    %broadcast_in_dim3A = arith.constant 0.000000e+00 : f32
    %broadcast_in_dim3A_33 = vector.broadcast %broadcast_in_dim3A : f32 to vector<16xf32>
    %swap3A = arith.constant 0 : index
    %swap3A_34 = tpu.vector_load %arg5[%swap3A] {strides = array<i32>} : memref<1216xf32, #tpu.memory_space<vmem>>, vector<16xf32>,
    tpu.vector_store %arg5[%swap3A], %broadcast_in_dim3A_33 {strides = array<i32>} : memref<1216xf32, #tpu.memory_space<vmem>>, vector<16xf32>,
    %swap3A_35 = arith.constant 16 : index
    %swap3A_36 = tpu.vector_load %arg5[%swap3A_35] {strides = array<i32>} : memref<1216xf32, #tpu.memory_space<vmem>>, vector<16xf32>,
    tpu.vector_store %arg5[%swap3A_35], %broadcast_in_dim3A_33 {strides = array<i32>} : memref<1216xf32, #tpu.memory_space<vmem>>, vector<16xf32>,
    %swap3A_37 = arith.constant 32 : index
    %swap3A_38 = tpu.vector_load %arg5[%swap3A_37] {strides = array<i32>} : memref<1216xf32, #tpu.memory_space<vmem>>, vector<16xf32>,
    tpu.vector_store %arg5[%swap3A_37], %broadcast_in_dim3A_33 {strides = array<i32>} : memref<1216xf32, #tpu.memory_space<vmem>>, vector<16xf32>,
    %swap3A_39 = arith.constant 48 : index
    %swap3A_40 = tpu.vector_load %arg5[%swap3A_39] {strides = array<i32>} : memref<1216xf32, #tpu.memory_space<vmem>>, vector<16xf32>,
    tpu.vector_store %arg5[%swap3A_39], %broadcast_in_dim3A_33 {strides = array<i32>} : memref<1216xf32, #tpu.memory_space<vmem>>, vector<16xf32>,
    %swap3A_41 = arith.constant 64 : index
    %swap3A_42 = tpu.vector_load %arg5[%swap3A_41] {strides = array<i32>} : memref<1216xf32, #tpu.memory_space<vmem>>, vector<16xf32>,
    tpu.vector_store %arg5[%swap3A_41], %broadcast_in_dim3A_33 {strides = array<i32>} : memref<1216xf32, #tpu.memory_space<vmem>>, vector<16xf32>,
    %swap3A_43 = arith.constant 80 : index
    %swap3A_44 = tpu.vector_load %arg5[%swap3A_43] {strides = array<i32>} : memref<1216xf32, #tpu.memory_space<vmem>>, vector<16xf32>,
    tpu.vector_store %arg5[%swap3A_43], %broadcast_in_dim3A_33 {strides = array<i32>} : memref<1216xf32, #tpu.memory_space<vmem>>, vector<16xf32>,
    %swap3A_45 = arith.constant 96 : index
    %swap3A_46 = tpu.vector_load %arg5[%swap3A_45] {strides = array<i32>} : memref<1216xf32, #tpu.memory_space<vmem>>, vector<16xf32>,
    tpu.vector_store %arg5[%swap3A_45], %broadcast_in_dim3A_33 {strides = array<i32>} : memref<1216xf32, #tpu.memory_space<vmem>>, vector<16xf32>,
    %swap3A_47 = arith.constant 112 : index
    %swap3A_48 = tpu.vector_load %arg5[%swap3A_47] {strides = array<i32>} : memref<1216xf32, #tpu.memory_space<vmem>>, vector<16xf32>,
    tpu.vector_store %arg5[%swap3A_47], %broadcast_in_dim3A_33 {strides = array<i32>} : memref<1216xf32, #tpu.memory_space<vmem>>, vector<16xf32>,
    %swap3A_49 = arith.constant 128 : index
    %swap3A_50 = tpu.vector_load %arg5[%swap3A_49] {strides = array<i32>} : memref<1216xf32, #tpu.memory_space<vmem>>, vector<16xf32>,
    tpu.vector_store %arg5[%swap3A_49], %broadcast_in_dim3A_33 {strides = array<i32>} : memref<1216xf32, #tpu.memory_space<vmem>>, vector<16xf32>,
    %swap3A_51 = arith.constant 144 : index
    %swap3A_52 = tpu.vector_load %arg5[%swap3A_51] {strides = array<i32>} : memref<1216xf32, #tpu.memory_space<vmem>>, vector<16xf32>,
    tpu.vector_store %arg5[%swap3A_51], %broadcast_in_dim3A_33 {strides = array<i32>} : memref<1216xf32, #tpu.memory_space<vmem>>, vector<16xf32>,
    %swap3A_53 = arith.constant 160 : index
    %swap3A_54 = tpu.vector_load %arg5[%swap3A_53] {strides = array<i32>} : memref<1216xf32, #tpu.memory_space<vmem>>, vector<16xf32>,
    tpu.vector_store %arg5[%swap3A_53], %broadcast_in_dim3A_33 {strides = array<i32>} : memref<1216xf32, #tpu.memory_space<vmem>>, vector<16xf32>,
    %swap3A_55 = arith.constant 176 : index
    %swap3A_56 = tpu.vector_load %arg5[%swap3A_55] {strides = array<i32>} : memref<1216xf32, #tpu.memory_space<vmem>>, vector<16xf32>,
    tpu.vector_store %arg5[%swap3A_55], %broadcast_in_dim3A_33 {strides = array<i32>} : memref<1216xf32, #tpu.memory_space<vmem>>, vector<16xf32>,
    %swap3A_57 = arith.constant 192 : index
    %swap3A_58 = tpu.vector_load %arg5[%swap3A_57] {strides = array<i32>} : memref<1216xf32, #tpu.memory_space<vmem>>, vector<16xf32>,
    tpu.vector_store %arg5[%swap3A_57], %broadcast_in_dim3A_33 {strides = array<i32>} : memref<1216xf32, #tpu.memory_space<vmem>>, vector<16xf32>,
    %swap3A_59 = arith.constant 208 : index
    %swap3A_60 = tpu.vector_load %arg5[%swap3A_59] {strides = array<i32>} : memref<1216xf32, #tpu.memory_space<vmem>>, vector<16xf32>,
    tpu.vector_store %arg5[%swap3A_59], %broadcast_in_dim3A_33 {strides = array<i32>} : memref<1216xf32, #tpu.memory_space<vmem>>, vector<16xf32>,
    %swap3A_61 = arith.constant 224 : index
    %swap3A_62 = tpu.vector_load %arg5[%swap3A_61] {strides = array<i32>} : memref<1216xf32, #tpu.memory_space<vmem>>, vector<16xf32>,
    tpu.vector_store %arg5[%swap3A_61], %broadcast_in_dim3A_33 {strides = array<i32>} : memref<1216xf32, #tpu.memory_space<vmem>>, vector<16xf32>,
    %swap3A_63 = arith.constant 240 : index
    %swap3A_64 = tpu.vector_load %arg5[%swap3A_63] {strides = array<i32>} : memref<1216xf32, #tpu.memory_space<vmem>>, vector<16xf32>,
    tpu.vector_store %arg5[%swap3A_63], %broadcast_in_dim3A_33 {strides = array<i32>} : memref<1216xf32, #tpu.memory_space<vmem>>, vector<16xf32>,
    %swap3A_65 = arith.constant 256 : index
    %swap3A_66 = tpu.vector_load %arg5[%swap3A_65] {strides = array<i32>} : memref<1216xf32, #tpu.memory_space<vmem>>, vector<16xf32>,
    tpu.vector_store %arg5[%swap3A_65], %broadcast_in_dim3A_33 {strides = array<i32>} : memref<1216xf32, #tpu.memory_space<vmem>>, vector<16xf32>,
    %swap3A_67 = arith.constant 272 : index
    %swap3A_68 = tpu.vector_load %arg5[%swap3A_67] {strides = array<i32>} : memref<1216xf32, #tpu.memory_space<vmem>>, vector<16xf32>,
    tpu.vector_store %arg5[%swap3A_67], %broadcast_in_dim3A_33 {strides = array<i32>} : memref<1216xf32, #tpu.memory_space<vmem>>, vector<16xf32>,
    %swap3A_69 = arith.constant 288 : index
    %swap3A_70 = tpu.vector_load %arg5[%swap3A_69] {strides = array<i32>} : memref<1216xf32, #tpu.memory_space<vmem>>, vector<16xf32>,
    tpu.vector_store %arg5[%swap3A_69], %broadcast_in_dim3A_33 {strides = array<i32>} : memref<1216xf32, #tpu.memory_space<vmem>>, vector<16xf32>,
    %swap3A_71 = arith.constant 304 : index
    %swap3A_72 = tpu.vector_load %arg5[%swap3A_71] {strides = array<i32>} : memref<1216xf32, #tpu.memory_space<vmem>>, vector<16xf32>,
    tpu.vector_store %arg5[%swap3A_71], %broadcast_in_dim3A_33 {strides = array<i32>} : memref<1216xf32, #tpu.memory_space<vmem>>, vector<16xf32>,
    %swap3A_73 = arith.constant 320 : index
    %swap3A_74 = tpu.vector_load %arg5[%swap3A_73] {strides = array<i32>} : memref<1216xf32, #tpu.memory_space<vmem>>, vector<16xf32>,
    tpu.vector_store %arg5[%swap3A_73], %broadcast_in_dim3A_33 {strides = array<i32>} : memref<1216xf32, #tpu.memory_space<vmem>>, vector<16xf32>,
    %swap3A_75 = arith.constant 336 : index
    %swap3A_76 = tpu.vector_load %arg5[%swap3A_75] {strides = array<i32>} : memref<1216xf32, #tpu.memory_space<vmem>>, vector<16xf32>,
    tpu.vector_store %arg5[%swap3A_75], %broadcast_in_dim3A_33 {strides = array<i32>} : memref<1216xf32, #tpu.memory_space<vmem>>, vector<16xf32>,
    %swap3A_77 = arith.constant 352 : index
    %swap3A_78 = tpu.vector_load %arg5[%swap3A_77] {strides = array<i32>} : memref<1216xf32, #tpu.memory_space<vmem>>, vector<16xf32>,
    tpu.vector_store %arg5[%swap3A_77], %broadcast_in_dim3A_33 {strides = array<i32>} : memref<1216xf32, #tpu.memory_space<vmem>>, vector<16xf32>,
    %swap3A_79 = arith.constant 368 : index
    %swap3A_80 = tpu.vector_load %arg5[%swap3A_79] {strides = array<i32>} : memref<1216xf32, #tpu.memory_space<vmem>>, vector<16xf32>,
    tpu.vector_store %arg5[%swap3A_79], %broadcast_in_dim3A_33 {strides = array<i32>} : memref<1216xf32, #tpu.memory_space<vmem>>, vector<16xf32>,
    %swap3A_81 = arith.constant 384 : index
    %swap3A_82 = tpu.vector_load %arg5[%swap3A_81] {strides = array<i32>} : memref<1216xf32, #tpu.memory_space<vmem>>, vector<16xf32>,
    tpu.vector_store %arg5[%swap3A_81], %broadcast_in_dim3A_33 {strides = array<i32>} : memref<1216xf32, #tpu.memory_space<vmem>>, vector<16xf32>,
    %swap3A_83 = arith.constant 400 : index
    %swap3A_84 = tpu.vector_load %arg5[%swap3A_83] {strides = array<i32>} : memref<1216xf32, #tpu.memory_space<vmem>>, vector<16xf32>,
    tpu.vector_store %arg5[%swap3A_83], %broadcast_in_dim3A_33 {strides = array<i32>} : memref<1216xf32, #tpu.memory_space<vmem>>, vector<16xf32>,
    %swap3A_85 = arith.constant 416 : index
    %swap3A_86 = tpu.vector_load %arg5[%swap3A_85] {strides = array<i32>} : memref<1216xf32, #tpu.memory_space<vmem>>, vector<16xf32>,
    tpu.vector_store %arg5[%swap3A_85], %broadcast_in_dim3A_33 {strides = array<i32>} : memref<1216xf32, #tpu.memory_space<vmem>>, vector<16xf32>,
    %swap3A_87 = arith.constant 432 : index
    %swap3A_88 = tpu.vector_load %arg5[%swap3A_87] {strides = array<i32>} : memref<1216xf32, #tpu.memory_space<vmem>>, vector<16xf32>,
    tpu.vector_store %arg5[%swap3A_87], %broadcast_in_dim3A_33 {strides = array<i32>} : memref<1216xf32, #tpu.memory_space<vmem>>, vector<16xf32>,
    %swap3A_89 = arith.constant 448 : index
    %swap3A_90 = tpu.vector_load %arg5[%swap3A_89] {strides = array<i32>} : memref<1216xf32, #tpu.memory_space<vmem>>, vector<16xf32>,
    tpu.vector_store %arg5[%swap3A_89], %broadcast_in_dim3A_33 {strides = array<i32>} : memref<1216xf32, #tpu.memory_space<vmem>>, vector<16xf32>,
    %swap3A_91 = arith.constant 464 : index
    %swap3A_92 = tpu.vector_load %arg5[%swap3A_91] {strides = array<i32>} : memref<1216xf32, #tpu.memory_space<vmem>>, vector<16xf32>,
    tpu.vector_store %arg5[%swap3A_91], %broadcast_in_dim3A_33 {strides = array<i32>} : memref<1216xf32, #tpu.memory_space<vmem>>, vector<16xf32>,
    %swap3A_93 = arith.constant 480 : index
    %swap3A_94 = tpu.vector_load %arg5[%swap3A_93] {strides = array<i32>} : memref<1216xf32, #tpu.memory_space<vmem>>, vector<16xf32>,
    tpu.vector_store %arg5[%swap3A_93], %broadcast_in_dim3A_33 {strides = array<i32>} : memref<1216xf32, #tpu.memory_space<vmem>>, vector<16xf32>,
    %swap3A_95 = arith.constant 496 : index
    %swap3A_96 = tpu.vector_load %arg5[%swap3A_95] {strides = array<i32>} : memref<1216xf32, #tpu.memory_space<vmem>>, vector<16xf32>,
    tpu.vector_store %arg5[%swap3A_95], %broadcast_in_dim3A_33 {strides = array<i32>} : memref<1216xf32, #tpu.memory_space<vmem>>, vector<16xf32>,
    %swap3A_97 = arith.constant 512 : index
    %swap3A_98 = tpu.vector_load %arg5[%swap3A_97] {strides = array<i32>} : memref<1216xf32, #tpu.memory_space<vmem>>, vector<16xf32>,
    tpu.vector_store %arg5[%swap3A_97], %broadcast_in_dim3A_33 {strides = array<i32>} : memref<1216xf32, #tpu.memory_space<vmem>>, vector<16xf32>,
    %swap3A_99 = arith.constant 528 : index
    %swap3A_100 = tpu.vector_load %arg5[%swap3A_99] {strides = array<i32>} : memref<1216xf32, #tpu.memory_space<vmem>>, vector<16xf32>,
    tpu.vector_store %arg5[%swap3A_99], %broadcast_in_dim3A_33 {strides = array<i32>} : memref<1216xf32, #tpu.memory_space<vmem>>, vector<16xf32>,
    %swap3A_101 = arith.constant 544 : index
    %swap3A_102 = tpu.vector_load %arg5[%swap3A_101] {strides = array<i32>} : memref<1216xf32, #tpu.memory_space<vmem>>, vector<16xf32>,
    tpu.vector_store %arg5[%swap3A_101], %broadcast_in_dim3A_33 {strides = array<i32>} : memref<1216xf32, #tpu.memory_space<vmem>>, vector<16xf32>,
    %swap3A_103 = arith.constant 560 : index
    %swap3A_104 = tpu.vector_load %arg5[%swap3A_103] {strides = array<i32>} : memref<1216xf32, #tpu.memory_space<vmem>>, vector<16xf32>,
    tpu.vector_store %arg5[%swap3A_103], %broadcast_in_dim3A_33 {strides = array<i32>} : memref<1216xf32, #tpu.memory_space<vmem>>, vector<16xf32>,
    %swap3A_105 = arith.constant 576 : index
    %swap3A_106 = tpu.vector_load %arg5[%swap3A_105] {strides = array<i32>} : memref<1216xf32, #tpu.memory_space<vmem>>, vector<16xf32>,
    tpu.vector_store %arg5[%swap3A_105], %broadcast_in_dim3A_33 {strides = array<i32>} : memref<1216xf32, #tpu.memory_space<vmem>>, vector<16xf32>,
    %swap3A_107 = arith.constant 592 : index
    %swap3A_108 = tpu.vector_load %arg5[%swap3A_107] {strides = array<i32>} : memref<1216xf32, #tpu.memory_space<vmem>>, vector<16xf32>,
    tpu.vector_store %arg5[%swap3A_107], %broadcast_in_dim3A_33 {strides = array<i32>} : memref<1216xf32, #tpu.memory_space<vmem>>, vector<16xf32>,
    %swap3A_109 = arith.constant 608 : index
    %swap3A_110 = tpu.vector_load %arg5[%swap3A_109] {strides = array<i32>} : memref<1216xf32, #tpu.memory_space<vmem>>, vector<16xf32>,
    tpu.vector_store %arg5[%swap3A_109], %broadcast_in_dim3A_33 {strides = array<i32>} : memref<1216xf32, #tpu.memory_space<vmem>>, vector<16xf32>,
    %swap3A_111 = arith.constant 624 : index
    %swap3A_112 = tpu.vector_load %arg5[%swap3A_111] {strides = array<i32>} : memref<1216xf32, #tpu.memory_space<vmem>>, vector<16xf32>,
    tpu.vector_store %arg5[%swap3A_111], %broadcast_in_dim3A_33 {strides = array<i32>} : memref<1216xf32, #tpu.memory_space<vmem>>, vector<16xf32>,
    %swap3A_113 = arith.constant 640 : index
    %swap3A_114 = tpu.vector_load %arg5[%swap3A_113] {strides = array<i32>} : memref<1216xf32, #tpu.memory_space<vmem>>, vector<16xf32>,
    tpu.vector_store %arg5[%swap3A_113], %broadcast_in_dim3A_33 {strides = array<i32>} : memref<1216xf32, #tpu.memory_space<vmem>>, vector<16xf32>,
    %swap3A_115 = arith.constant 656 : index
    %swap3A_116 = tpu.vector_load %arg5[%swap3A_115] {strides = array<i32>} : memref<1216xf32, #tpu.memory_space<vmem>>, vector<16xf32>,
    tpu.vector_store %arg5[%swap3A_115], %broadcast_in_dim3A_33 {strides = array<i32>} : memref<1216xf32, #tpu.memory_space<vmem>>, vector<16xf32>,
    %swap3A_117 = arith.constant 672 : index
    %swap3A_118 = tpu.vector_load %arg5[%swap3A_117] {strides = array<i32>} : memref<1216xf32, #tpu.memory_space<vmem>>, vector<16xf32>,
    tpu.vector_store %arg5[%swap3A_117], %broadcast_in_dim3A_33 {strides = array<i32>} : memref<1216xf32, #tpu.memory_space<vmem>>, vector<16xf32>,
    %swap3A_119 = arith.constant 688 : index
    %swap3A_120 = tpu.vector_load %arg5[%swap3A_119] {strides = array<i32>} : memref<1216xf32, #tpu.memory_space<vmem>>, vector<16xf32>,
    tpu.vector_store %arg5[%swap3A_119], %broadcast_in_dim3A_33 {strides = array<i32>} : memref<1216xf32, #tpu.memory_space<vmem>>, vector<16xf32>,
    %swap3A_121 = arith.constant 704 : index
    %swap3A_122 = tpu.vector_load %arg5[%swap3A_121] {strides = array<i32>} : memref<1216xf32, #tpu.memory_space<vmem>>, vector<16xf32>,
    tpu.vector_store %arg5[%swap3A_121], %broadcast_in_dim3A_33 {strides = array<i32>} : memref<1216xf32, #tpu.memory_space<vmem>>, vector<16xf32>,
    %swap3A_123 = arith.constant 720 : index
    %swap3A_124 = tpu.vector_load %arg5[%swap3A_123] {strides = array<i32>} : memref<1216xf32, #tpu.memory_space<vmem>>, vector<16xf32>,
    tpu.vector_store %arg5[%swap3A_123], %broadcast_in_dim3A_33 {strides = array<i32>} : memref<1216xf32, #tpu.memory_space<vmem>>, vector<16xf32>,
    %swap3A_125 = arith.constant 736 : index
    %swap3A_126 = tpu.vector_load %arg5[%swap3A_125] {strides = array<i32>} : memref<1216xf32, #tpu.memory_space<vmem>>, vector<16xf32>,
    tpu.vector_store %arg5[%swap3A_125], %broadcast_in_dim3A_33 {strides = array<i32>} : memref<1216xf32, #tpu.memory_space<vmem>>, vector<16xf32>,
    %swap3A_127 = arith.constant 752 : index
    %swap3A_128 = tpu.vector_load %arg5[%swap3A_127] {strides = array<i32>} : memref<1216xf32, #tpu.memory_space<vmem>>, vector<16xf32>,
    tpu.vector_store %arg5[%swap3A_127], %broadcast_in_dim3A_33 {strides = array<i32>} : memref<1216xf32, #tpu.memory_space<vmem>>, vector<16xf32>,
    %swap3A_129 = arith.constant 768 : index
    %swap3A_130 = tpu.vector_load %arg5[%swap3A_129] {strides = array<i32>} : memref<1216xf32, #tpu.memory_space<vmem>>, vector<16xf32>,
    tpu.vector_store %arg5[%swap3A_129], %broadcast_in_dim3A_33 {strides = array<i32>} : memref<1216xf32, #tpu.memory_space<vmem>>, vector<16xf32>,
    %swap3A_131 = arith.constant 784 : index
    %swap3A_132 = tpu.vector_load %arg5[%swap3A_131] {strides = array<i32>} : memref<1216xf32, #tpu.memory_space<vmem>>, vector<16xf32>,
    tpu.vector_store %arg5[%swap3A_131], %broadcast_in_dim3A_33 {strides = array<i32>} : memref<1216xf32, #tpu.memory_space<vmem>>, vector<16xf32>,
    %swap3A_133 = arith.constant 800 : index
    %swap3A_134 = tpu.vector_load %arg5[%swap3A_133] {strides = array<i32>} : memref<1216xf32, #tpu.memory_space<vmem>>, vector<16xf32>,
    tpu.vector_store %arg5[%swap3A_133], %broadcast_in_dim3A_33 {strides = array<i32>} : memref<1216xf32, #tpu.memory_space<vmem>>, vector<16xf32>,
    %swap3A_135 = arith.constant 816 : index
    %swap3A_136 = tpu.vector_load %arg5[%swap3A_135] {strides = array<i32>} : memref<1216xf32, #tpu.memory_space<vmem>>, vector<16xf32>,
    tpu.vector_store %arg5[%swap3A_135], %broadcast_in_dim3A_33 {strides = array<i32>} : memref<1216xf32, #tpu.memory_space<vmem>>, vector<16xf32>,
    %swap3A_137 = arith.constant 832 : index
    %swap3A_138 = tpu.vector_load %arg5[%swap3A_137] {strides = array<i32>} : memref<1216xf32, #tpu.memory_space<vmem>>, vector<16xf32>,
    tpu.vector_store %arg5[%swap3A_137], %broadcast_in_dim3A_33 {strides = array<i32>} : memref<1216xf32, #tpu.memory_space<vmem>>, vector<16xf32>,
    %swap3A_139 = arith.constant 848 : index
    %swap3A_140 = tpu.vector_load %arg5[%swap3A_139] {strides = array<i32>} : memref<1216xf32, #tpu.memory_space<vmem>>, vector<16xf32>,
    tpu.vector_store %arg5[%swap3A_139], %broadcast_in_dim3A_33 {strides = array<i32>} : memref<1216xf32, #tpu.memory_space<vmem>>, vector<16xf32>,
    %swap3A_141 = arith.constant 864 : index
    %swap3A_142 = tpu.vector_load %arg5[%swap3A_141] {strides = array<i32>} : memref<1216xf32, #tpu.memory_space<vmem>>, vector<16xf32>,
    tpu.vector_store %arg5[%swap3A_141], %broadcast_in_dim3A_33 {strides = array<i32>} : memref<1216xf32, #tpu.memory_space<vmem>>, vector<16xf32>,
    %swap3A_143 = arith.constant 880 : index
    %swap3A_144 = tpu.vector_load %arg5[%swap3A_143] {strides = array<i32>} : memref<1216xf32, #tpu.memory_space<vmem>>, vector<16xf32>,
    tpu.vector_store %arg5[%swap3A_143], %broadcast_in_dim3A_33 {strides = array<i32>} : memref<1216xf32, #tpu.memory_space<vmem>>, vector<16xf32>,
    %swap3A_145 = arith.constant 896 : index
    %swap3A_146 = tpu.vector_load %arg5[%swap3A_145] {strides = array<i32>} : memref<1216xf32, #tpu.memory_space<vmem>>, vector<16xf32>,
    tpu.vector_store %arg5[%swap3A_145], %broadcast_in_dim3A_33 {strides = array<i32>} : memref<1216xf32, #tpu.memory_space<vmem>>, vector<16xf32>,
    %swap3A_147 = arith.constant 912 : index
    %swap3A_148 = tpu.vector_load %arg5[%swap3A_147] {strides = array<i32>} : memref<1216xf32, #tpu.memory_space<vmem>>, vector<16xf32>,
    tpu.vector_store %arg5[%swap3A_147], %broadcast_in_dim3A_33 {strides = array<i32>} : memref<1216xf32, #tpu.memory_space<vmem>>, vector<16xf32>,
    %swap3A_149 = arith.constant 928 : index
    %swap3A_150 = tpu.vector_load %arg5[%swap3A_149] {strides = array<i32>} : memref<1216xf32, #tpu.memory_space<vmem>>, vector<16xf32>,
    tpu.vector_store %arg5[%swap3A_149], %broadcast_in_dim3A_33 {strides = array<i32>} : memref<1216xf32, #tpu.memory_space<vmem>>, vector<16xf32>,
    %swap3A_151 = arith.constant 944 : index
    %swap3A_152 = tpu.vector_load %arg5[%swap3A_151] {strides = array<i32>} : memref<1216xf32, #tpu.memory_space<vmem>>, vector<16xf32>,
    tpu.vector_store %arg5[%swap3A_151], %broadcast_in_dim3A_33 {strides = array<i32>} : memref<1216xf32, #tpu.memory_space<vmem>>, vector<16xf32>,
    %swap3A_153 = arith.constant 960 : index
    %swap3A_154 = tpu.vector_load %arg5[%swap3A_153] {strides = array<i32>} : memref<1216xf32, #tpu.memory_space<vmem>>, vector<16xf32>,
    tpu.vector_store %arg5[%swap3A_153], %broadcast_in_dim3A_33 {strides = array<i32>} : memref<1216xf32, #tpu.memory_space<vmem>>, vector<16xf32>,
    %swap3A_155 = arith.constant 976 : index
    %swap3A_156 = tpu.vector_load %arg5[%swap3A_155] {strides = array<i32>} : memref<1216xf32, #tpu.memory_space<vmem>>, vector<16xf32>,
    tpu.vector_store %arg5[%swap3A_155], %broadcast_in_dim3A_33 {strides = array<i32>} : memref<1216xf32, #tpu.memory_space<vmem>>, vector<16xf32>,
    %swap3A_157 = arith.constant 992 : index
    %swap3A_158 = tpu.vector_load %arg5[%swap3A_157] {strides = array<i32>} : memref<1216xf32, #tpu.memory_space<vmem>>, vector<16xf32>,
    tpu.vector_store %arg5[%swap3A_157], %broadcast_in_dim3A_33 {strides = array<i32>} : memref<1216xf32, #tpu.memory_space<vmem>>, vector<16xf32>,
    %swap3A_159 = arith.constant 1008 : index
    %swap3A_160 = tpu.vector_load %arg5[%swap3A_159] {strides = array<i32>} : memref<1216xf32, #tpu.memory_space<vmem>>, vector<16xf32>,
    tpu.vector_store %arg5[%swap3A_159], %broadcast_in_dim3A_33 {strides = array<i32>} : memref<1216xf32, #tpu.memory_space<vmem>>, vector<16xf32>,
    %swap3A_161 = arith.constant 1024 : index
    %swap3A_162 = tpu.vector_load %arg5[%swap3A_161] {strides = array<i32>} : memref<1216xf32, #tpu.memory_space<vmem>>, vector<16xf32>,
    tpu.vector_store %arg5[%swap3A_161], %broadcast_in_dim3A_33 {strides = array<i32>} : memref<1216xf32, #tpu.memory_space<vmem>>, vector<16xf32>,
    %swap3A_163 = arith.constant 1040 : index
    %swap3A_164 = tpu.vector_load %arg5[%swap3A_163] {strides = array<i32>} : memref<1216xf32, #tpu.memory_space<vmem>>, vector<16xf32>,
    tpu.vector_store %arg5[%swap3A_163], %broadcast_in_dim3A_33 {strides = array<i32>} : memref<1216xf32, #tpu.memory_space<vmem>>, vector<16xf32>,
    %swap3A_165 = arith.constant 1056 : index
    %swap3A_166 = tpu.vector_load %arg5[%swap3A_165] {strides = array<i32>} : memref<1216xf32, #tpu.memory_space<vmem>>, vector<16xf32>,
    tpu.vector_store %arg5[%swap3A_165], %broadcast_in_dim3A_33 {strides = array<i32>} : memref<1216xf32, #tpu.memory_space<vmem>>, vector<16xf32>,
    %swap3A_167 = arith.constant 1072 : index
    %swap3A_168 = tpu.vector_load %arg5[%swap3A_167] {strides = array<i32>} : memref<1216xf32, #tpu.memory_space<vmem>>, vector<16xf32>,
    tpu.vector_store %arg5[%swap3A_167], %broadcast_in_dim3A_33 {strides = array<i32>} : memref<1216xf32, #tpu.memory_space<vmem>>, vector<16xf32>,
    %swap3A_169 = arith.constant 1088 : index
    %swap3A_170 = tpu.vector_load %arg5[%swap3A_169] {strides = array<i32>} : memref<1216xf32, #tpu.memory_space<vmem>>, vector<16xf32>,
    tpu.vector_store %arg5[%swap3A_169], %broadcast_in_dim3A_33 {strides = array<i32>} : memref<1216xf32, #tpu.memory_space<vmem>>, vector<16xf32>,
    %swap3A_171 = arith.constant 1104 : index
    %swap3A_172 = tpu.vector_load %arg5[%swap3A_171] {strides = array<i32>} : memref<1216xf32, #tpu.memory_space<vmem>>, vector<16xf32>,
    tpu.vector_store %arg5[%swap3A_171], %broadcast_in_dim3A_33 {strides = array<i32>} : memref<1216xf32, #tpu.memory_space<vmem>>, vector<16xf32>,
    %swap3A_173 = arith.constant 1120 : index
    %swap3A_174 = tpu.vector_load %arg5[%swap3A_173] {strides = array<i32>} : memref<1216xf32, #tpu.memory_space<vmem>>, vector<16xf32>,
    tpu.vector_store %arg5[%swap3A_173], %broadcast_in_dim3A_33 {strides = array<i32>} : memref<1216xf32, #tpu.memory_space<vmem>>, vector<16xf32>,
    %swap3A_175 = arith.constant 1136 : index
    %swap3A_176 = tpu.vector_load %arg5[%swap3A_175] {strides = array<i32>} : memref<1216xf32, #tpu.memory_space<vmem>>, vector<16xf32>,
    tpu.vector_store %arg5[%swap3A_175], %broadcast_in_dim3A_33 {strides = array<i32>} : memref<1216xf32, #tpu.memory_space<vmem>>, vector<16xf32>,
    %swap3A_177 = arith.constant 1152 : index
    %swap3A_178 = tpu.vector_load %arg5[%swap3A_177] {strides = array<i32>} : memref<1216xf32, #tpu.memory_space<vmem>>, vector<16xf32>,
    tpu.vector_store %arg5[%swap3A_177], %broadcast_in_dim3A_33 {strides = array<i32>} : memref<1216xf32, #tpu.memory_space<vmem>>, vector<16xf32>,
    %swap3A_179 = arith.constant 1168 : index
    %swap3A_180 = tpu.vector_load %arg5[%swap3A_179] {strides = array<i32>} : memref<1216xf32, #tpu.memory_space<vmem>>, vector<16xf32>,
    tpu.vector_store %arg5[%swap3A_179], %broadcast_in_dim3A_33 {strides = array<i32>} : memref<1216xf32, #tpu.memory_space<vmem>>, vector<16xf32>,
    %swap3A_181 = arith.constant 1184 : index
    %swap3A_182 = tpu.vector_load %arg5[%swap3A_181] {strides = array<i32>} : memref<1216xf32, #tpu.memory_space<vmem>>, vector<16xf32>,
    tpu.vector_store %arg5[%swap3A_181], %broadcast_in_dim3A_33 {strides = array<i32>} : memref<1216xf32, #tpu.memory_space<vmem>>, vector<16xf32>,
    %swap3A_183 = arith.constant 1200 : index
    %swap3A_184 = tpu.vector_load %arg5[%swap3A_183] {strides = array<i32>} : memref<1216xf32, #tpu.memory_space<vmem>>, vector<16xf32>,
    tpu.vector_store %arg5[%swap3A_183], %broadcast_in_dim3A_33 {strides = array<i32>} : memref<1216xf32, #tpu.memory_space<vmem>>, vector<16xf32>,
    %iota3A = tpu.iota {dimensions = array<i32: 0>} : vector<16xi32>
    %broadcast_in_dim3A_185 = arith.constant 1.000000e+00 : f32
    %broadcast_in_dim3A_186 = vector.broadcast %broadcast_in_dim3A_185 : f32 to vector<16xf32>
    %parallel_loop3A = arith.constant 0 : i32
    %parallel_loop3A_187 = arith.constant 128 : i32
    %parallel_loop3A_188 = arith.constant 1 : i32
    scf.for %parallel_loop3A_435 = %parallel_loop3A to %parallel_loop3A_187 step %parallel_loop3A_188  : i32 {
      %parallel_loop3A_436 = arith.index_cast %parallel_loop3A_435 : i32 to index
      %parallel_loop3A_437 = arith.constant 0 : index
      %parallel_loop3A_438 = tpu.vector_load %arg4[%parallel_loop3A_436, %parallel_loop3A_437] {strides = array<i32>} : memref<128x512xi32, #tpu.memory_space<vmem>>, vector<16xi32>,
      %parallel_loop3A_439 = arith.constant 16 : i32
      %parallel_loop3A_440 = vector.broadcast %parallel_loop3A_439 : i32 to vector<16xi32>
      %parallel_loop3A_441 = arith.muli %parallel_loop3A_438, %parallel_loop3A_440 : vector<16xi32>
      %parallel_loop3A_442 = arith.addi %parallel_loop3A_441, %iota3A : vector<16xi32>
      %parallel_loop3A_443 = arith.constant 0 : i32
      %parallel_loop3A_444 = vector.broadcast %parallel_loop3A_443 : i32 to vector<16xi32>
      %parallel_loop3A_445 = arith.addi %parallel_loop3A_442, %parallel_loop3A_444 : vector<16xi32>
      tpu.vector_store_idx %arg5[%parallel_loop3A_445], %broadcast_in_dim3A_186 {add = true} : memref<1216xf32, #tpu.memory_space<vmem>>[vector<16xi32>], vector<16xf32>,
      %parallel_loop3A_446 = arith.index_cast %parallel_loop3A_435 : i32 to index
      %parallel_loop3A_447 = arith.constant 16 : index
      %parallel_loop3A_448 = tpu.vector_load %arg4[%parallel_loop3A_446, %parallel_loop3A_447] {strides = array<i32>} : memref<128x512xi32, #tpu.memory_space<vmem>>, vector<16xi32>,
      %parallel_loop3A_449 = arith.constant 16 : i32
      %parallel_loop3A_450 = vector.broadcast %parallel_loop3A_449 : i32 to vector<16xi32>
      %parallel_loop3A_451 = arith.muli %parallel_loop3A_448, %parallel_loop3A_450 : vector<16xi32>
      %parallel_loop3A_452 = arith.addi %parallel_loop3A_451, %iota3A : vector<16xi32>
      %parallel_loop3A_453 = arith.constant 304 : i32
      %parallel_loop3A_454 = vector.broadcast %parallel_loop3A_453 : i32 to vector<16xi32>
      %parallel_loop3A_455 = arith.addi %parallel_loop3A_452, %parallel_loop3A_454 : vector<16xi32>
      tpu.vector_store_idx %arg5[%parallel_loop3A_455], %broadcast_in_dim3A_186 {add = true} : memref<1216xf32, #tpu.memory_space<vmem>>[vector<16xi32>], vector<16xf32>,
      %parallel_loop3A_456 = arith.index_cast %parallel_loop3A_435 : i32 to index
      %parallel_loop3A_457 = arith.constant 32 : index
      %parallel_loop3A_458 = tpu.vector_load %arg4[%parallel_loop3A_456, %parallel_loop3A_457] {strides = array<i32>} : memref<128x512xi32, #tpu.memory_space<vmem>>, vector<16xi32>,
      %parallel_loop3A_459 = arith.constant 16 : i32
      %parallel_loop3A_460 = vector.broadcast %parallel_loop3A_459 : i32 to vector<16xi32>
      %parallel_loop3A_461 = arith.muli %parallel_loop3A_458, %parallel_loop3A_460 : vector<16xi32>
      %parallel_loop3A_462 = arith.addi %parallel_loop3A_461, %iota3A : vector<16xi32>
      %parallel_loop3A_463 = arith.constant 608 : i32
      %parallel_loop3A_464 = vector.broadcast %parallel_loop3A_463 : i32 to vector<16xi32>
      %parallel_loop3A_465 = arith.addi %parallel_loop3A_462, %parallel_loop3A_464 : vector<16xi32>
      tpu.vector_store_idx %arg5[%parallel_loop3A_465], %broadcast_in_dim3A_186 {add = true} : memref<1216xf32, #tpu.memory_space<vmem>>[vector<16xi32>], vector<16xf32>,
      %parallel_loop3A_466 = arith.index_cast %parallel_loop3A_435 : i32 to index
      %parallel_loop3A_467 = arith.constant 48 : index
      %parallel_loop3A_468 = tpu.vector_load %arg4[%parallel_loop3A_466, %parallel_loop3A_467] {strides = array<i32>} : memref<128x512xi32, #tpu.memory_space<vmem>>, vector<16xi32>,
      %parallel_loop3A_469 = arith.constant 16 : i32
      %parallel_loop3A_470 = vector.broadcast %parallel_loop3A_469 : i32 to vector<16xi32>
      %parallel_loop3A_471 = arith.muli %parallel_loop3A_468, %parallel_loop3A_470 : vector<16xi32>
      %parallel_loop3A_472 = arith.addi %parallel_loop3A_471, %iota3A : vector<16xi32>
      %parallel_loop3A_473 = arith.constant 912 : i32
      %parallel_loop3A_474 = vector.broadcast %parallel_loop3A_473 : i32 to vector<16xi32>
      %parallel_loop3A_475 = arith.addi %parallel_loop3A_472, %parallel_loop3A_474 : vector<16xi32>
      tpu.vector_store_idx %arg5[%parallel_loop3A_475], %broadcast_in_dim3A_186 {add = true} : memref<1216xf32, #tpu.memory_space<vmem>>[vector<16xi32>], vector<16xf32>,
      %parallel_loop3A_476 = arith.index_cast %parallel_loop3A_435 : i32 to index
      %parallel_loop3A_477 = arith.constant 64 : index
      %parallel_loop3A_478 = tpu.vector_load %arg4[%parallel_loop3A_476, %parallel_loop3A_477] {strides = array<i32>} : memref<128x512xi32, #tpu.memory_space<vmem>>, vector<16xi32>,
      %parallel_loop3A_479 = arith.constant 16 : i32
      %parallel_loop3A_480 = vector.broadcast %parallel_loop3A_479 : i32 to vector<16xi32>
      %parallel_loop3A_481 = arith.muli %parallel_loop3A_478, %parallel_loop3A_480 : vector<16xi32>
      %parallel_loop3A_482 = arith.addi %parallel_loop3A_481, %iota3A : vector<16xi32>
      %parallel_loop3A_483 = arith.constant 0 : i32
      %parallel_loop3A_484 = vector.broadcast %parallel_loop3A_483 : i32 to vector<16xi32>
      %parallel_loop3A_485 = arith.addi %parallel_loop3A_482, %parallel_loop3A_484 : vector<16xi32>
      tpu.vector_store_idx %arg5[%parallel_loop3A_485], %broadcast_in_dim3A_186 {add = true} : memref<1216xf32, #tpu.memory_space<vmem>>[vector<16xi32>], vector<16xf32>,
      %parallel_loop3A_486 = arith.index_cast %parallel_loop3A_435 : i32 to index
      %parallel_loop3A_487 = arith.constant 80 : index
      %parallel_loop3A_488 = tpu.vector_load %arg4[%parallel_loop3A_486, %parallel_loop3A_487] {strides = array<i32>} : memref<128x512xi32, #tpu.memory_space<vmem>>, vector<16xi32>,
      %parallel_loop3A_489 = arith.constant 16 : i32
      %parallel_loop3A_490 = vector.broadcast %parallel_loop3A_489 : i32 to vector<16xi32>
      %parallel_loop3A_491 = arith.muli %parallel_loop3A_488, %parallel_loop3A_490 : vector<16xi32>
      %parallel_loop3A_492 = arith.addi %parallel_loop3A_491, %iota3A : vector<16xi32>
      %parallel_loop3A_493 = arith.constant 304 : i32
      %parallel_loop3A_494 = vector.broadcast %parallel_loop3A_493 : i32 to vector<16xi32>
      %parallel_loop3A_495 = arith.addi %parallel_loop3A_492, %parallel_loop3A_494 : vector<16xi32>
      tpu.vector_store_idx %arg5[%parallel_loop3A_495], %broadcast_in_dim3A_186 {add = true} : memref<1216xf32, #tpu.memory_space<vmem>>[vector<16xi32>], vector<16xf32>,
      %parallel_loop3A_496 = arith.index_cast %parallel_loop3A_435 : i32 to index
      %parallel_loop3A_497 = arith.constant 96 : index
      %parallel_loop3A_498 = tpu.vector_load %arg4[%parallel_loop3A_496, %parallel_loop3A_497] {strides = array<i32>} : memref<128x512xi32, #tpu.memory_space<vmem>>, vector<16xi32>,
      %parallel_loop3A_499 = arith.constant 16 : i32
      %parallel_loop3A_500 = vector.broadcast %parallel_loop3A_499 : i32 to vector<16xi32>
      %parallel_loop3A_501 = arith.muli %parallel_loop3A_498, %parallel_loop3A_500 : vector<16xi32>
      %parallel_loop3A_502 = arith.addi %parallel_loop3A_501, %iota3A : vector<16xi32>
      %parallel_loop3A_503 = arith.constant 608 : i32
      %parallel_loop3A_504 = vector.broadcast %parallel_loop3A_503 : i32 to vector<16xi32>
      %parallel_loop3A_505 = arith.addi %parallel_loop3A_502, %parallel_loop3A_504 : vector<16xi32>
      tpu.vector_store_idx %arg5[%parallel_loop3A_505], %broadcast_in_dim3A_186 {add = true} : memref<1216xf32, #tpu.memory_space<vmem>>[vector<16xi32>], vector<16xf32>,
      %parallel_loop3A_506 = arith.index_cast %parallel_loop3A_435 : i32 to index
      %parallel_loop3A_507 = arith.constant 112 : index
      %parallel_loop3A_508 = tpu.vector_load %arg4[%parallel_loop3A_506, %parallel_loop3A_507] {strides = array<i32>} : memref<128x512xi32, #tpu.memory_space<vmem>>, vector<16xi32>,
      %parallel_loop3A_509 = arith.constant 16 : i32
      %parallel_loop3A_510 = vector.broadcast %parallel_loop3A_509 : i32 to vector<16xi32>
      %parallel_loop3A_511 = arith.muli %parallel_loop3A_508, %parallel_loop3A_510 : vector<16xi32>
      %parallel_loop3A_512 = arith.addi %parallel_loop3A_511, %iota3A : vector<16xi32>
      %parallel_loop3A_513 = arith.constant 912 : i32
      %parallel_loop3A_514 = vector.broadcast %parallel_loop3A_513 : i32 to vector<16xi32>
      %parallel_loop3A_515 = arith.addi %parallel_loop3A_512, %parallel_loop3A_514 : vector<16xi32>
      tpu.vector_store_idx %arg5[%parallel_loop3A_515], %broadcast_in_dim3A_186 {add = true} : memref<1216xf32, #tpu.memory_space<vmem>>[vector<16xi32>], vector<16xf32>,
      %parallel_loop3A_516 = arith.index_cast %parallel_loop3A_435 : i32 to index
      %parallel_loop3A_517 = arith.constant 128 : index
      %parallel_loop3A_518 = tpu.vector_load %arg4[%parallel_loop3A_516, %parallel_loop3A_517] {strides = array<i32>} : memref<128x512xi32, #tpu.memory_space<vmem>>, vector<16xi32>,
      %parallel_loop3A_519 = arith.constant 16 : i32
      %parallel_loop3A_520 = vector.broadcast %parallel_loop3A_519 : i32 to vector<16xi32>
      %parallel_loop3A_521 = arith.muli %parallel_loop3A_518, %parallel_loop3A_520 : vector<16xi32>
      %parallel_loop3A_522 = arith.addi %parallel_loop3A_521, %iota3A : vector<16xi32>
      %parallel_loop3A_523 = arith.constant 0 : i32
      %parallel_loop3A_524 = vector.broadcast %parallel_loop3A_523 : i32 to vector<16xi32>
      %parallel_loop3A_525 = arith.addi %parallel_loop3A_522, %parallel_loop3A_524 : vector<16xi32>
      tpu.vector_store_idx %arg5[%parallel_loop3A_525], %broadcast_in_dim3A_186 {add = true} : memref<1216xf32, #tpu.memory_space<vmem>>[vector<16xi32>], vector<16xf32>,
      %parallel_loop3A_526 = arith.index_cast %parallel_loop3A_435 : i32 to index
      %parallel_loop3A_527 = arith.constant 144 : index
      %parallel_loop3A_528 = tpu.vector_load %arg4[%parallel_loop3A_526, %parallel_loop3A_527] {strides = array<i32>} : memref<128x512xi32, #tpu.memory_space<vmem>>, vector<16xi32>,
      %parallel_loop3A_529 = arith.constant 16 : i32
      %parallel_loop3A_530 = vector.broadcast %parallel_loop3A_529 : i32 to vector<16xi32>
      %parallel_loop3A_531 = arith.muli %parallel_loop3A_528, %parallel_loop3A_530 : vector<16xi32>
      %parallel_loop3A_532 = arith.addi %parallel_loop3A_531, %iota3A : vector<16xi32>
      %parallel_loop3A_533 = arith.constant 304 : i32
      %parallel_loop3A_534 = vector.broadcast %parallel_loop3A_533 : i32 to vector<16xi32>
      %parallel_loop3A_535 = arith.addi %parallel_loop3A_532, %parallel_loop3A_534 : vector<16xi32>
      tpu.vector_store_idx %arg5[%parallel_loop3A_535], %broadcast_in_dim3A_186 {add = true} : memref<1216xf32, #tpu.memory_space<vmem>>[vector<16xi32>], vector<16xf32>,
      %parallel_loop3A_536 = arith.index_cast %parallel_loop3A_435 : i32 to index
      %parallel_loop3A_537 = arith.constant 160 : index
      %parallel_loop3A_538 = tpu.vector_load %arg4[%parallel_loop3A_536, %parallel_loop3A_537] {strides = array<i32>} : memref<128x512xi32, #tpu.memory_space<vmem>>, vector<16xi32>,
      %parallel_loop3A_539 = arith.constant 16 : i32
      %parallel_loop3A_540 = vector.broadcast %parallel_loop3A_539 : i32 to vector<16xi32>
      %parallel_loop3A_541 = arith.muli %parallel_loop3A_538, %parallel_loop3A_540 : vector<16xi32>
      %parallel_loop3A_542 = arith.addi %parallel_loop3A_541, %iota3A : vector<16xi32>
      %parallel_loop3A_543 = arith.constant 608 : i32
      %parallel_loop3A_544 = vector.broadcast %parallel_loop3A_543 : i32 to vector<16xi32>
      %parallel_loop3A_545 = arith.addi %parallel_loop3A_542, %parallel_loop3A_544 : vector<16xi32>
      tpu.vector_store_idx %arg5[%parallel_loop3A_545], %broadcast_in_dim3A_186 {add = true} : memref<1216xf32, #tpu.memory_space<vmem>>[vector<16xi32>], vector<16xf32>,
      %parallel_loop3A_546 = arith.index_cast %parallel_loop3A_435 : i32 to index
      %parallel_loop3A_547 = arith.constant 176 : index
      %parallel_loop3A_548 = tpu.vector_load %arg4[%parallel_loop3A_546, %parallel_loop3A_547] {strides = array<i32>} : memref<128x512xi32, #tpu.memory_space<vmem>>, vector<16xi32>,
      %parallel_loop3A_549 = arith.constant 16 : i32
      %parallel_loop3A_550 = vector.broadcast %parallel_loop3A_549 : i32 to vector<16xi32>
      %parallel_loop3A_551 = arith.muli %parallel_loop3A_548, %parallel_loop3A_550 : vector<16xi32>
      %parallel_loop3A_552 = arith.addi %parallel_loop3A_551, %iota3A : vector<16xi32>
      %parallel_loop3A_553 = arith.constant 912 : i32
      %parallel_loop3A_554 = vector.broadcast %parallel_loop3A_553 : i32 to vector<16xi32>
      %parallel_loop3A_555 = arith.addi %parallel_loop3A_552, %parallel_loop3A_554 : vector<16xi32>
      tpu.vector_store_idx %arg5[%parallel_loop3A_555], %broadcast_in_dim3A_186 {add = true} : memref<1216xf32, #tpu.memory_space<vmem>>[vector<16xi32>], vector<16xf32>,
      %parallel_loop3A_556 = arith.index_cast %parallel_loop3A_435 : i32 to index
      %parallel_loop3A_557 = arith.constant 192 : index
      %parallel_loop3A_558 = tpu.vector_load %arg4[%parallel_loop3A_556, %parallel_loop3A_557] {strides = array<i32>} : memref<128x512xi32, #tpu.memory_space<vmem>>, vector<16xi32>,
      %parallel_loop3A_559 = arith.constant 16 : i32
      %parallel_loop3A_560 = vector.broadcast %parallel_loop3A_559 : i32 to vector<16xi32>
      %parallel_loop3A_561 = arith.muli %parallel_loop3A_558, %parallel_loop3A_560 : vector<16xi32>
      %parallel_loop3A_562 = arith.addi %parallel_loop3A_561, %iota3A : vector<16xi32>
      %parallel_loop3A_563 = arith.constant 0 : i32
      %parallel_loop3A_564 = vector.broadcast %parallel_loop3A_563 : i32 to vector<16xi32>
      %parallel_loop3A_565 = arith.addi %parallel_loop3A_562, %parallel_loop3A_564 : vector<16xi32>
      tpu.vector_store_idx %arg5[%parallel_loop3A_565], %broadcast_in_dim3A_186 {add = true} : memref<1216xf32, #tpu.memory_space<vmem>>[vector<16xi32>], vector<16xf32>,
      %parallel_loop3A_566 = arith.index_cast %parallel_loop3A_435 : i32 to index
      %parallel_loop3A_567 = arith.constant 208 : index
      %parallel_loop3A_568 = tpu.vector_load %arg4[%parallel_loop3A_566, %parallel_loop3A_567] {strides = array<i32>} : memref<128x512xi32, #tpu.memory_space<vmem>>, vector<16xi32>,
      %parallel_loop3A_569 = arith.constant 16 : i32
      %parallel_loop3A_570 = vector.broadcast %parallel_loop3A_569 : i32 to vector<16xi32>
      %parallel_loop3A_571 = arith.muli %parallel_loop3A_568, %parallel_loop3A_570 : vector<16xi32>
      %parallel_loop3A_572 = arith.addi %parallel_loop3A_571, %iota3A : vector<16xi32>
      %parallel_loop3A_573 = arith.constant 304 : i32
      %parallel_loop3A_574 = vector.broadcast %parallel_loop3A_573 : i32 to vector<16xi32>
      %parallel_loop3A_575 = arith.addi %parallel_loop3A_572, %parallel_loop3A_574 : vector<16xi32>
      tpu.vector_store_idx %arg5[%parallel_loop3A_575], %broadcast_in_dim3A_186 {add = true} : memref<1216xf32, #tpu.memory_space<vmem>>[vector<16xi32>], vector<16xf32>,
      %parallel_loop3A_576 = arith.index_cast %parallel_loop3A_435 : i32 to index
      %parallel_loop3A_577 = arith.constant 224 : index
      %parallel_loop3A_578 = tpu.vector_load %arg4[%parallel_loop3A_576, %parallel_loop3A_577] {strides = array<i32>} : memref<128x512xi32, #tpu.memory_space<vmem>>, vector<16xi32>,
      %parallel_loop3A_579 = arith.constant 16 : i32
      %parallel_loop3A_580 = vector.broadcast %parallel_loop3A_579 : i32 to vector<16xi32>
      %parallel_loop3A_581 = arith.muli %parallel_loop3A_578, %parallel_loop3A_580 : vector<16xi32>
      %parallel_loop3A_582 = arith.addi %parallel_loop3A_581, %iota3A : vector<16xi32>
      %parallel_loop3A_583 = arith.constant 608 : i32
      %parallel_loop3A_584 = vector.broadcast %parallel_loop3A_583 : i32 to vector<16xi32>
      %parallel_loop3A_585 = arith.addi %parallel_loop3A_582, %parallel_loop3A_584 : vector<16xi32>
      tpu.vector_store_idx %arg5[%parallel_loop3A_585], %broadcast_in_dim3A_186 {add = true} : memref<1216xf32, #tpu.memory_space<vmem>>[vector<16xi32>], vector<16xf32>,
      %parallel_loop3A_586 = arith.index_cast %parallel_loop3A_435 : i32 to index
      %parallel_loop3A_587 = arith.constant 240 : index
      %parallel_loop3A_588 = tpu.vector_load %arg4[%parallel_loop3A_586, %parallel_loop3A_587] {strides = array<i32>} : memref<128x512xi32, #tpu.memory_space<vmem>>, vector<16xi32>,
      %parallel_loop3A_589 = arith.constant 16 : i32
      %parallel_loop3A_590 = vector.broadcast %parallel_loop3A_589 : i32 to vector<16xi32>
      %parallel_loop3A_591 = arith.muli %parallel_loop3A_588, %parallel_loop3A_590 : vector<16xi32>
      %parallel_loop3A_592 = arith.addi %parallel_loop3A_591, %iota3A : vector<16xi32>
      %parallel_loop3A_593 = arith.constant 912 : i32
      %parallel_loop3A_594 = vector.broadcast %parallel_loop3A_593 : i32 to vector<16xi32>
      %parallel_loop3A_595 = arith.addi %parallel_loop3A_592, %parallel_loop3A_594 : vector<16xi32>
      tpu.vector_store_idx %arg5[%parallel_loop3A_595], %broadcast_in_dim3A_186 {add = true} : memref<1216xf32, #tpu.memory_space<vmem>>[vector<16xi32>], vector<16xf32>,
      %parallel_loop3A_596 = arith.index_cast %parallel_loop3A_435 : i32 to index
      %parallel_loop3A_597 = arith.constant 256 : index
      %parallel_loop3A_598 = tpu.vector_load %arg4[%parallel_loop3A_596, %parallel_loop3A_597] {strides = array<i32>} : memref<128x512xi32, #tpu.memory_space<vmem>>, vector<16xi32>,
      %parallel_loop3A_599 = arith.constant 16 : i32
      %parallel_loop3A_600 = vector.broadcast %parallel_loop3A_599 : i32 to vector<16xi32>
      %parallel_loop3A_601 = arith.muli %parallel_loop3A_598, %parallel_loop3A_600 : vector<16xi32>
      %parallel_loop3A_602 = arith.addi %parallel_loop3A_601, %iota3A : vector<16xi32>
      %parallel_loop3A_603 = arith.constant 0 : i32
      %parallel_loop3A_604 = vector.broadcast %parallel_loop3A_603 : i32 to vector<16xi32>
      %parallel_loop3A_605 = arith.addi %parallel_loop3A_602, %parallel_loop3A_604 : vector<16xi32>
      tpu.vector_store_idx %arg5[%parallel_loop3A_605], %broadcast_in_dim3A_186 {add = true} : memref<1216xf32, #tpu.memory_space<vmem>>[vector<16xi32>], vector<16xf32>,
      %parallel_loop3A_606 = arith.index_cast %parallel_loop3A_435 : i32 to index
      %parallel_loop3A_607 = arith.constant 272 : index
      %parallel_loop3A_608 = tpu.vector_load %arg4[%parallel_loop3A_606, %parallel_loop3A_607] {strides = array<i32>} : memref<128x512xi32, #tpu.memory_space<vmem>>, vector<16xi32>,
      %parallel_loop3A_609 = arith.constant 16 : i32
      %parallel_loop3A_610 = vector.broadcast %parallel_loop3A_609 : i32 to vector<16xi32>
      %parallel_loop3A_611 = arith.muli %parallel_loop3A_608, %parallel_loop3A_610 : vector<16xi32>
      %parallel_loop3A_612 = arith.addi %parallel_loop3A_611, %iota3A : vector<16xi32>
      %parallel_loop3A_613 = arith.constant 304 : i32
      %parallel_loop3A_614 = vector.broadcast %parallel_loop3A_613 : i32 to vector<16xi32>
      %parallel_loop3A_615 = arith.addi %parallel_loop3A_612, %parallel_loop3A_614 : vector<16xi32>
      tpu.vector_store_idx %arg5[%parallel_loop3A_615], %broadcast_in_dim3A_186 {add = true} : memref<1216xf32, #tpu.memory_space<vmem>>[vector<16xi32>], vector<16xf32>,
      %parallel_loop3A_616 = arith.index_cast %parallel_loop3A_435 : i32 to index
      %parallel_loop3A_617 = arith.constant 288 : index
      %parallel_loop3A_618 = tpu.vector_load %arg4[%parallel_loop3A_616, %parallel_loop3A_617] {strides = array<i32>} : memref<128x512xi32, #tpu.memory_space<vmem>>, vector<16xi32>,
      %parallel_loop3A_619 = arith.constant 16 : i32
      %parallel_loop3A_620 = vector.broadcast %parallel_loop3A_619 : i32 to vector<16xi32>
      %parallel_loop3A_621 = arith.muli %parallel_loop3A_618, %parallel_loop3A_620 : vector<16xi32>
      %parallel_loop3A_622 = arith.addi %parallel_loop3A_621, %iota3A : vector<16xi32>
      %parallel_loop3A_623 = arith.constant 608 : i32
      %parallel_loop3A_624 = vector.broadcast %parallel_loop3A_623 : i32 to vector<16xi32>
      %parallel_loop3A_625 = arith.addi %parallel_loop3A_622, %parallel_loop3A_624 : vector<16xi32>
      tpu.vector_store_idx %arg5[%parallel_loop3A_625], %broadcast_in_dim3A_186 {add = true} : memref<1216xf32, #tpu.memory_space<vmem>>[vector<16xi32>], vector<16xf32>,
      %parallel_loop3A_626 = arith.index_cast %parallel_loop3A_435 : i32 to index
      %parallel_loop3A_627 = arith.constant 304 : index
      %parallel_loop3A_628 = tpu.vector_load %arg4[%parallel_loop3A_626, %parallel_loop3A_627] {strides = array<i32>} : memref<128x512xi32, #tpu.memory_space<vmem>>, vector<16xi32>,
      %parallel_loop3A_629 = arith.constant 16 : i32
      %parallel_loop3A_630 = vector.broadcast %parallel_loop3A_629 : i32 to vector<16xi32>
      %parallel_loop3A_631 = arith.muli %parallel_loop3A_628, %parallel_loop3A_630 : vector<16xi32>
      %parallel_loop3A_632 = arith.addi %parallel_loop3A_631, %iota3A : vector<16xi32>
      %parallel_loop3A_633 = arith.constant 912 : i32
      %parallel_loop3A_634 = vector.broadcast %parallel_loop3A_633 : i32 to vector<16xi32>
      %parallel_loop3A_635 = arith.addi %parallel_loop3A_632, %parallel_loop3A_634 : vector<16xi32>
      tpu.vector_store_idx %arg5[%parallel_loop3A_635], %broadcast_in_dim3A_186 {add = true} : memref<1216xf32, #tpu.memory_space<vmem>>[vector<16xi32>], vector<16xf32>,
      %parallel_loop3A_636 = arith.index_cast %parallel_loop3A_435 : i32 to index
      %parallel_loop3A_637 = arith.constant 320 : index
      %parallel_loop3A_638 = tpu.vector_load %arg4[%parallel_loop3A_636, %parallel_loop3A_637] {strides = array<i32>} : memref<128x512xi32, #tpu.memory_space<vmem>>, vector<16xi32>,
      %parallel_loop3A_639 = arith.constant 16 : i32
      %parallel_loop3A_640 = vector.broadcast %parallel_loop3A_639 : i32 to vector<16xi32>
      %parallel_loop3A_641 = arith.muli %parallel_loop3A_638, %parallel_loop3A_640 : vector<16xi32>
      %parallel_loop3A_642 = arith.addi %parallel_loop3A_641, %iota3A : vector<16xi32>
      %parallel_loop3A_643 = arith.constant 0 : i32
      %parallel_loop3A_644 = vector.broadcast %parallel_loop3A_643 : i32 to vector<16xi32>
      %parallel_loop3A_645 = arith.addi %parallel_loop3A_642, %parallel_loop3A_644 : vector<16xi32>
      tpu.vector_store_idx %arg5[%parallel_loop3A_645], %broadcast_in_dim3A_186 {add = true} : memref<1216xf32, #tpu.memory_space<vmem>>[vector<16xi32>], vector<16xf32>,
      %parallel_loop3A_646 = arith.index_cast %parallel_loop3A_435 : i32 to index
      %parallel_loop3A_647 = arith.constant 336 : index
      %parallel_loop3A_648 = tpu.vector_load %arg4[%parallel_loop3A_646, %parallel_loop3A_647] {strides = array<i32>} : memref<128x512xi32, #tpu.memory_space<vmem>>, vector<16xi32>,
      %parallel_loop3A_649 = arith.constant 16 : i32
      %parallel_loop3A_650 = vector.broadcast %parallel_loop3A_649 : i32 to vector<16xi32>
      %parallel_loop3A_651 = arith.muli %parallel_loop3A_648, %parallel_loop3A_650 : vector<16xi32>
      %parallel_loop3A_652 = arith.addi %parallel_loop3A_651, %iota3A : vector<16xi32>
      %parallel_loop3A_653 = arith.constant 304 : i32
      %parallel_loop3A_654 = vector.broadcast %parallel_loop3A_653 : i32 to vector<16xi32>
      %parallel_loop3A_655 = arith.addi %parallel_loop3A_652, %parallel_loop3A_654 : vector<16xi32>
      tpu.vector_store_idx %arg5[%parallel_loop3A_655], %broadcast_in_dim3A_186 {add = true} : memref<1216xf32, #tpu.memory_space<vmem>>[vector<16xi32>], vector<16xf32>,
      %parallel_loop3A_656 = arith.index_cast %parallel_loop3A_435 : i32 to index
      %parallel_loop3A_657 = arith.constant 352 : index
      %parallel_loop3A_658 = tpu.vector_load %arg4[%parallel_loop3A_656, %parallel_loop3A_657] {strides = array<i32>} : memref<128x512xi32, #tpu.memory_space<vmem>>, vector<16xi32>,
      %parallel_loop3A_659 = arith.constant 16 : i32
      %parallel_loop3A_660 = vector.broadcast %parallel_loop3A_659 : i32 to vector<16xi32>
      %parallel_loop3A_661 = arith.muli %parallel_loop3A_658, %parallel_loop3A_660 : vector<16xi32>
      %parallel_loop3A_662 = arith.addi %parallel_loop3A_661, %iota3A : vector<16xi32>
      %parallel_loop3A_663 = arith.constant 608 : i32
      %parallel_loop3A_664 = vector.broadcast %parallel_loop3A_663 : i32 to vector<16xi32>
      %parallel_loop3A_665 = arith.addi %parallel_loop3A_662, %parallel_loop3A_664 : vector<16xi32>
      tpu.vector_store_idx %arg5[%parallel_loop3A_665], %broadcast_in_dim3A_186 {add = true} : memref<1216xf32, #tpu.memory_space<vmem>>[vector<16xi32>], vector<16xf32>,
      %parallel_loop3A_666 = arith.index_cast %parallel_loop3A_435 : i32 to index
      %parallel_loop3A_667 = arith.constant 368 : index
      %parallel_loop3A_668 = tpu.vector_load %arg4[%parallel_loop3A_666, %parallel_loop3A_667] {strides = array<i32>} : memref<128x512xi32, #tpu.memory_space<vmem>>, vector<16xi32>,
      %parallel_loop3A_669 = arith.constant 16 : i32
      %parallel_loop3A_670 = vector.broadcast %parallel_loop3A_669 : i32 to vector<16xi32>
      %parallel_loop3A_671 = arith.muli %parallel_loop3A_668, %parallel_loop3A_670 : vector<16xi32>
      %parallel_loop3A_672 = arith.addi %parallel_loop3A_671, %iota3A : vector<16xi32>
      %parallel_loop3A_673 = arith.constant 912 : i32
      %parallel_loop3A_674 = vector.broadcast %parallel_loop3A_673 : i32 to vector<16xi32>
      %parallel_loop3A_675 = arith.addi %parallel_loop3A_672, %parallel_loop3A_674 : vector<16xi32>
      tpu.vector_store_idx %arg5[%parallel_loop3A_675], %broadcast_in_dim3A_186 {add = true} : memref<1216xf32, #tpu.memory_space<vmem>>[vector<16xi32>], vector<16xf32>,
      %parallel_loop3A_676 = arith.index_cast %parallel_loop3A_435 : i32 to index
      %parallel_loop3A_677 = arith.constant 384 : index
      %parallel_loop3A_678 = tpu.vector_load %arg4[%parallel_loop3A_676, %parallel_loop3A_677] {strides = array<i32>} : memref<128x512xi32, #tpu.memory_space<vmem>>, vector<16xi32>,
      %parallel_loop3A_679 = arith.constant 16 : i32
      %parallel_loop3A_680 = vector.broadcast %parallel_loop3A_679 : i32 to vector<16xi32>
      %parallel_loop3A_681 = arith.muli %parallel_loop3A_678, %parallel_loop3A_680 : vector<16xi32>
      %parallel_loop3A_682 = arith.addi %parallel_loop3A_681, %iota3A : vector<16xi32>
      %parallel_loop3A_683 = arith.constant 0 : i32
      %parallel_loop3A_684 = vector.broadcast %parallel_loop3A_683 : i32 to vector<16xi32>
      %parallel_loop3A_685 = arith.addi %parallel_loop3A_682, %parallel_loop3A_684 : vector<16xi32>
      tpu.vector_store_idx %arg5[%parallel_loop3A_685], %broadcast_in_dim3A_186 {add = true} : memref<1216xf32, #tpu.memory_space<vmem>>[vector<16xi32>], vector<16xf32>,
      %parallel_loop3A_686 = arith.index_cast %parallel_loop3A_435 : i32 to index
      %parallel_loop3A_687 = arith.constant 400 : index
      %parallel_loop3A_688 = tpu.vector_load %arg4[%parallel_loop3A_686, %parallel_loop3A_687] {strides = array<i32>} : memref<128x512xi32, #tpu.memory_space<vmem>>, vector<16xi32>,
      %parallel_loop3A_689 = arith.constant 16 : i32
      %parallel_loop3A_690 = vector.broadcast %parallel_loop3A_689 : i32 to vector<16xi32>
      %parallel_loop3A_691 = arith.muli %parallel_loop3A_688, %parallel_loop3A_690 : vector<16xi32>
      %parallel_loop3A_692 = arith.addi %parallel_loop3A_691, %iota3A : vector<16xi32>
      %parallel_loop3A_693 = arith.constant 304 : i32
      %parallel_loop3A_694 = vector.broadcast %parallel_loop3A_693 : i32 to vector<16xi32>
      %parallel_loop3A_695 = arith.addi %parallel_loop3A_692, %parallel_loop3A_694 : vector<16xi32>
      tpu.vector_store_idx %arg5[%parallel_loop3A_695], %broadcast_in_dim3A_186 {add = true} : memref<1216xf32, #tpu.memory_space<vmem>>[vector<16xi32>], vector<16xf32>,
      %parallel_loop3A_696 = arith.index_cast %parallel_loop3A_435 : i32 to index
      %parallel_loop3A_697 = arith.constant 416 : index
      %parallel_loop3A_698 = tpu.vector_load %arg4[%parallel_loop3A_696, %parallel_loop3A_697] {strides = array<i32>} : memref<128x512xi32, #tpu.memory_space<vmem>>, vector<16xi32>,
      %parallel_loop3A_699 = arith.constant 16 : i32
      %parallel_loop3A_700 = vector.broadcast %parallel_loop3A_699 : i32 to vector<16xi32>
      %parallel_loop3A_701 = arith.muli %parallel_loop3A_698, %parallel_loop3A_700 : vector<16xi32>
      %parallel_loop3A_702 = arith.addi %parallel_loop3A_701, %iota3A : vector<16xi32>
      %parallel_loop3A_703 = arith.constant 608 : i32
      %parallel_loop3A_704 = vector.broadcast %parallel_loop3A_703 : i32 to vector<16xi32>
      %parallel_loop3A_705 = arith.addi %parallel_loop3A_702, %parallel_loop3A_704 : vector<16xi32>
      tpu.vector_store_idx %arg5[%parallel_loop3A_705], %broadcast_in_dim3A_186 {add = true} : memref<1216xf32, #tpu.memory_space<vmem>>[vector<16xi32>], vector<16xf32>,
      %parallel_loop3A_706 = arith.index_cast %parallel_loop3A_435 : i32 to index
      %parallel_loop3A_707 = arith.constant 432 : index
      %parallel_loop3A_708 = tpu.vector_load %arg4[%parallel_loop3A_706, %parallel_loop3A_707] {strides = array<i32>} : memref<128x512xi32, #tpu.memory_space<vmem>>, vector<16xi32>,
      %parallel_loop3A_709 = arith.constant 16 : i32
      %parallel_loop3A_710 = vector.broadcast %parallel_loop3A_709 : i32 to vector<16xi32>
      %parallel_loop3A_711 = arith.muli %parallel_loop3A_708, %parallel_loop3A_710 : vector<16xi32>
      %parallel_loop3A_712 = arith.addi %parallel_loop3A_711, %iota3A : vector<16xi32>
      %parallel_loop3A_713 = arith.constant 912 : i32
      %parallel_loop3A_714 = vector.broadcast %parallel_loop3A_713 : i32 to vector<16xi32>
      %parallel_loop3A_715 = arith.addi %parallel_loop3A_712, %parallel_loop3A_714 : vector<16xi32>
      tpu.vector_store_idx %arg5[%parallel_loop3A_715], %broadcast_in_dim3A_186 {add = true} : memref<1216xf32, #tpu.memory_space<vmem>>[vector<16xi32>], vector<16xf32>,
      %parallel_loop3A_716 = arith.index_cast %parallel_loop3A_435 : i32 to index
      %parallel_loop3A_717 = arith.constant 448 : index
      %parallel_loop3A_718 = tpu.vector_load %arg4[%parallel_loop3A_716, %parallel_loop3A_717] {strides = array<i32>} : memref<128x512xi32, #tpu.memory_space<vmem>>, vector<16xi32>,
      %parallel_loop3A_719 = arith.constant 16 : i32
      %parallel_loop3A_720 = vector.broadcast %parallel_loop3A_719 : i32 to vector<16xi32>
      %parallel_loop3A_721 = arith.muli %parallel_loop3A_718, %parallel_loop3A_720 : vector<16xi32>
      %parallel_loop3A_722 = arith.addi %parallel_loop3A_721, %iota3A : vector<16xi32>
      %parallel_loop3A_723 = arith.constant 0 : i32
      %parallel_loop3A_724 = vector.broadcast %parallel_loop3A_723 : i32 to vector<16xi32>
      %parallel_loop3A_725 = arith.addi %parallel_loop3A_722, %parallel_loop3A_724 : vector<16xi32>
      tpu.vector_store_idx %arg5[%parallel_loop3A_725], %broadcast_in_dim3A_186 {add = true} : memref<1216xf32, #tpu.memory_space<vmem>>[vector<16xi32>], vector<16xf32>,
      %parallel_loop3A_726 = arith.index_cast %parallel_loop3A_435 : i32 to index
      %parallel_loop3A_727 = arith.constant 464 : index
      %parallel_loop3A_728 = tpu.vector_load %arg4[%parallel_loop3A_726, %parallel_loop3A_727] {strides = array<i32>} : memref<128x512xi32, #tpu.memory_space<vmem>>, vector<16xi32>,
      %parallel_loop3A_729 = arith.constant 16 : i32
      %parallel_loop3A_730 = vector.broadcast %parallel_loop3A_729 : i32 to vector<16xi32>
      %parallel_loop3A_731 = arith.muli %parallel_loop3A_728, %parallel_loop3A_730 : vector<16xi32>
      %parallel_loop3A_732 = arith.addi %parallel_loop3A_731, %iota3A : vector<16xi32>
      %parallel_loop3A_733 = arith.constant 304 : i32
      %parallel_loop3A_734 = vector.broadcast %parallel_loop3A_733 : i32 to vector<16xi32>
      %parallel_loop3A_735 = arith.addi %parallel_loop3A_732, %parallel_loop3A_734 : vector<16xi32>
      tpu.vector_store_idx %arg5[%parallel_loop3A_735], %broadcast_in_dim3A_186 {add = true} : memref<1216xf32, #tpu.memory_space<vmem>>[vector<16xi32>], vector<16xf32>,
      %parallel_loop3A_736 = arith.index_cast %parallel_loop3A_435 : i32 to index
      %parallel_loop3A_737 = arith.constant 480 : index
      %parallel_loop3A_738 = tpu.vector_load %arg4[%parallel_loop3A_736, %parallel_loop3A_737] {strides = array<i32>} : memref<128x512xi32, #tpu.memory_space<vmem>>, vector<16xi32>,
      %parallel_loop3A_739 = arith.constant 16 : i32
      %parallel_loop3A_740 = vector.broadcast %parallel_loop3A_739 : i32 to vector<16xi32>
      %parallel_loop3A_741 = arith.muli %parallel_loop3A_738, %parallel_loop3A_740 : vector<16xi32>
      %parallel_loop3A_742 = arith.addi %parallel_loop3A_741, %iota3A : vector<16xi32>
      %parallel_loop3A_743 = arith.constant 608 : i32
      %parallel_loop3A_744 = vector.broadcast %parallel_loop3A_743 : i32 to vector<16xi32>
      %parallel_loop3A_745 = arith.addi %parallel_loop3A_742, %parallel_loop3A_744 : vector<16xi32>
      tpu.vector_store_idx %arg5[%parallel_loop3A_745], %broadcast_in_dim3A_186 {add = true} : memref<1216xf32, #tpu.memory_space<vmem>>[vector<16xi32>], vector<16xf32>,
      %parallel_loop3A_746 = arith.index_cast %parallel_loop3A_435 : i32 to index
      %parallel_loop3A_747 = arith.constant 496 : index
      %parallel_loop3A_748 = tpu.vector_load %arg4[%parallel_loop3A_746, %parallel_loop3A_747] {strides = array<i32>} : memref<128x512xi32, #tpu.memory_space<vmem>>, vector<16xi32>,
      %parallel_loop3A_749 = arith.constant 16 : i32
      %parallel_loop3A_750 = vector.broadcast %parallel_loop3A_749 : i32 to vector<16xi32>
      %parallel_loop3A_751 = arith.muli %parallel_loop3A_748, %parallel_loop3A_750 : vector<16xi32>
      %parallel_loop3A_752 = arith.addi %parallel_loop3A_751, %iota3A : vector<16xi32>
      %parallel_loop3A_753 = arith.constant 912 : i32
      %parallel_loop3A_754 = vector.broadcast %parallel_loop3A_753 : i32 to vector<16xi32>
      %parallel_loop3A_755 = arith.addi %parallel_loop3A_752, %parallel_loop3A_754 : vector<16xi32>
      tpu.vector_store_idx %arg5[%parallel_loop3A_755], %broadcast_in_dim3A_186 {add = true} : memref<1216xf32, #tpu.memory_space<vmem>>[vector<16xi32>], vector<16xf32>,
    } {sc.loop_unroll_factor = 1 : i64, sc.parallel_access}
    %get3A = arith.constant 0 : index
    %get3A_189 = tpu.vector_load %arg5[%get3A] {strides = array<i32>} : memref<1216xf32, #tpu.memory_space<vmem>>, vector<16xf32>,
    %get3A_190 = arith.constant 304 : index
    %get3A_191 = tpu.vector_load %arg5[%get3A_190] {strides = array<i32>} : memref<1216xf32, #tpu.memory_space<vmem>>, vector<16xf32>,
    %add3A_192 = arith.addf %get3A_189, %get3A_191 : vector<16xf32>
    %get3A_193 = arith.constant 608 : index
    %get3A_194 = tpu.vector_load %arg5[%get3A_193] {strides = array<i32>} : memref<1216xf32, #tpu.memory_space<vmem>>, vector<16xf32>,
    %add3A_195 = arith.addf %add3A_192, %get3A_194 : vector<16xf32>
    %get3A_196 = arith.constant 912 : index
    %get3A_197 = tpu.vector_load %arg5[%get3A_196] {strides = array<i32>} : memref<1216xf32, #tpu.memory_space<vmem>>, vector<16xf32>,
    %add3A_198 = arith.addf %add3A_195, %get3A_197 : vector<16xf32>
    %swap3A_199 = arith.constant 0 : index
    %swap3A_200 = tpu.vector_load %arg6[%swap3A_199] {strides = array<i32>} : memref<304xf32, #tpu.memory_space<vmem>>, vector<16xf32>,
    tpu.vector_store %arg6[%swap3A_199], %add3A_198 {strides = array<i32>} : memref<304xf32, #tpu.memory_space<vmem>>, vector<16xf32>,
    %get3A_201 = arith.constant 16 : index
    %get3A_202 = tpu.vector_load %arg5[%get3A_201] {strides = array<i32>} : memref<1216xf32, #tpu.memory_space<vmem>>, vector<16xf32>,
    %get3A_203 = arith.constant 320 : index
    %get3A_204 = tpu.vector_load %arg5[%get3A_203] {strides = array<i32>} : memref<1216xf32, #tpu.memory_space<vmem>>, vector<16xf32>,
    %add3A_205 = arith.addf %get3A_202, %get3A_204 : vector<16xf32>
    %get3A_206 = arith.constant 624 : index
    %get3A_207 = tpu.vector_load %arg5[%get3A_206] {strides = array<i32>} : memref<1216xf32, #tpu.memory_space<vmem>>, vector<16xf32>,
    %add3A_208 = arith.addf %add3A_205, %get3A_207 : vector<16xf32>
    %get3A_209 = arith.constant 928 : index
    %get3A_210 = tpu.vector_load %arg5[%get3A_209] {strides = array<i32>} : memref<1216xf32, #tpu.memory_space<vmem>>, vector<16xf32>,
    %add3A_211 = arith.addf %add3A_208, %get3A_210 : vector<16xf32>
    %swap3A_212 = arith.constant 16 : index
    %swap3A_213 = tpu.vector_load %arg6[%swap3A_212] {strides = array<i32>} : memref<304xf32, #tpu.memory_space<vmem>>, vector<16xf32>,
    tpu.vector_store %arg6[%swap3A_212], %add3A_211 {strides = array<i32>} : memref<304xf32, #tpu.memory_space<vmem>>, vector<16xf32>,
    %get3A_214 = arith.constant 32 : index
    %get3A_215 = tpu.vector_load %arg5[%get3A_214] {strides = array<i32>} : memref<1216xf32, #tpu.memory_space<vmem>>, vector<16xf32>,
    %get3A_216 = arith.constant 336 : index
    %get3A_217 = tpu.vector_load %arg5[%get3A_216] {strides = array<i32>} : memref<1216xf32, #tpu.memory_space<vmem>>, vector<16xf32>,
    %add3A_218 = arith.addf %get3A_215, %get3A_217 : vector<16xf32>
    %get3A_219 = arith.constant 640 : index
    %get3A_220 = tpu.vector_load %arg5[%get3A_219] {strides = array<i32>} : memref<1216xf32, #tpu.memory_space<vmem>>, vector<16xf32>,
    %add3A_221 = arith.addf %add3A_218, %get3A_220 : vector<16xf32>
    %get3A_222 = arith.constant 944 : index
    %get3A_223 = tpu.vector_load %arg5[%get3A_222] {strides = array<i32>} : memref<1216xf32, #tpu.memory_space<vmem>>, vector<16xf32>,
    %add3A_224 = arith.addf %add3A_221, %get3A_223 : vector<16xf32>
    %swap3A_225 = arith.constant 32 : index
    %swap3A_226 = tpu.vector_load %arg6[%swap3A_225] {strides = array<i32>} : memref<304xf32, #tpu.memory_space<vmem>>, vector<16xf32>,
    tpu.vector_store %arg6[%swap3A_225], %add3A_224 {strides = array<i32>} : memref<304xf32, #tpu.memory_space<vmem>>, vector<16xf32>,
    %get3A_227 = arith.constant 48 : index
    %get3A_228 = tpu.vector_load %arg5[%get3A_227] {strides = array<i32>} : memref<1216xf32, #tpu.memory_space<vmem>>, vector<16xf32>,
    %get3A_229 = arith.constant 352 : index
    %get3A_230 = tpu.vector_load %arg5[%get3A_229] {strides = array<i32>} : memref<1216xf32, #tpu.memory_space<vmem>>, vector<16xf32>,
    %add3A_231 = arith.addf %get3A_228, %get3A_230 : vector<16xf32>
    %get3A_232 = arith.constant 656 : index
    %get3A_233 = tpu.vector_load %arg5[%get3A_232] {strides = array<i32>} : memref<1216xf32, #tpu.memory_space<vmem>>, vector<16xf32>,
    %add3A_234 = arith.addf %add3A_231, %get3A_233 : vector<16xf32>
    %get3A_235 = arith.constant 960 : index
    %get3A_236 = tpu.vector_load %arg5[%get3A_235] {strides = array<i32>} : memref<1216xf32, #tpu.memory_space<vmem>>, vector<16xf32>,
    %add3A_237 = arith.addf %add3A_234, %get3A_236 : vector<16xf32>
    %swap3A_238 = arith.constant 48 : index
    %swap3A_239 = tpu.vector_load %arg6[%swap3A_238] {strides = array<i32>} : memref<304xf32, #tpu.memory_space<vmem>>, vector<16xf32>,
    tpu.vector_store %arg6[%swap3A_238], %add3A_237 {strides = array<i32>} : memref<304xf32, #tpu.memory_space<vmem>>, vector<16xf32>,
    %get3A_240 = arith.constant 64 : index
    %get3A_241 = tpu.vector_load %arg5[%get3A_240] {strides = array<i32>} : memref<1216xf32, #tpu.memory_space<vmem>>, vector<16xf32>,
    %get3A_242 = arith.constant 368 : index
    %get3A_243 = tpu.vector_load %arg5[%get3A_242] {strides = array<i32>} : memref<1216xf32, #tpu.memory_space<vmem>>, vector<16xf32>,
    %add3A_244 = arith.addf %get3A_241, %get3A_243 : vector<16xf32>
    %get3A_245 = arith.constant 672 : index
    %get3A_246 = tpu.vector_load %arg5[%get3A_245] {strides = array<i32>} : memref<1216xf32, #tpu.memory_space<vmem>>, vector<16xf32>,
    %add3A_247 = arith.addf %add3A_244, %get3A_246 : vector<16xf32>
    %get3A_248 = arith.constant 976 : index
    %get3A_249 = tpu.vector_load %arg5[%get3A_248] {strides = array<i32>} : memref<1216xf32, #tpu.memory_space<vmem>>, vector<16xf32>,
    %add3A_250 = arith.addf %add3A_247, %get3A_249 : vector<16xf32>
    %swap3A_251 = arith.constant 64 : index
    %swap3A_252 = tpu.vector_load %arg6[%swap3A_251] {strides = array<i32>} : memref<304xf32, #tpu.memory_space<vmem>>, vector<16xf32>,
    tpu.vector_store %arg6[%swap3A_251], %add3A_250 {strides = array<i32>} : memref<304xf32, #tpu.memory_space<vmem>>, vector<16xf32>,
    %get3A_253 = arith.constant 80 : index
    %get3A_254 = tpu.vector_load %arg5[%get3A_253] {strides = array<i32>} : memref<1216xf32, #tpu.memory_space<vmem>>, vector<16xf32>,
    %get3A_255 = arith.constant 384 : index
    %get3A_256 = tpu.vector_load %arg5[%get3A_255] {strides = array<i32>} : memref<1216xf32, #tpu.memory_space<vmem>>, vector<16xf32>,
    %add3A_257 = arith.addf %get3A_254, %get3A_256 : vector<16xf32>
    %get3A_258 = arith.constant 688 : index
    %get3A_259 = tpu.vector_load %arg5[%get3A_258] {strides = array<i32>} : memref<1216xf32, #tpu.memory_space<vmem>>, vector<16xf32>,
    %add3A_260 = arith.addf %add3A_257, %get3A_259 : vector<16xf32>
    %get3A_261 = arith.constant 992 : index
    %get3A_262 = tpu.vector_load %arg5[%get3A_261] {strides = array<i32>} : memref<1216xf32, #tpu.memory_space<vmem>>, vector<16xf32>,
    %add3A_263 = arith.addf %add3A_260, %get3A_262 : vector<16xf32>
    %swap3A_264 = arith.constant 80 : index
    %swap3A_265 = tpu.vector_load %arg6[%swap3A_264] {strides = array<i32>} : memref<304xf32, #tpu.memory_space<vmem>>, vector<16xf32>,
    tpu.vector_store %arg6[%swap3A_264], %add3A_263 {strides = array<i32>} : memref<304xf32, #tpu.memory_space<vmem>>, vector<16xf32>,
    %get3A_266 = arith.constant 96 : index
    %get3A_267 = tpu.vector_load %arg5[%get3A_266] {strides = array<i32>} : memref<1216xf32, #tpu.memory_space<vmem>>, vector<16xf32>,
    %get3A_268 = arith.constant 400 : index
    %get3A_269 = tpu.vector_load %arg5[%get3A_268] {strides = array<i32>} : memref<1216xf32, #tpu.memory_space<vmem>>, vector<16xf32>,
    %add3A_270 = arith.addf %get3A_267, %get3A_269 : vector<16xf32>
    %get3A_271 = arith.constant 704 : index
    %get3A_272 = tpu.vector_load %arg5[%get3A_271] {strides = array<i32>} : memref<1216xf32, #tpu.memory_space<vmem>>, vector<16xf32>,
    %add3A_273 = arith.addf %add3A_270, %get3A_272 : vector<16xf32>
    %get3A_274 = arith.constant 1008 : index
    %get3A_275 = tpu.vector_load %arg5[%get3A_274] {strides = array<i32>} : memref<1216xf32, #tpu.memory_space<vmem>>, vector<16xf32>,
    %add3A_276 = arith.addf %add3A_273, %get3A_275 : vector<16xf32>
    %swap3A_277 = arith.constant 96 : index
    %swap3A_278 = tpu.vector_load %arg6[%swap3A_277] {strides = array<i32>} : memref<304xf32, #tpu.memory_space<vmem>>, vector<16xf32>,
    tpu.vector_store %arg6[%swap3A_277], %add3A_276 {strides = array<i32>} : memref<304xf32, #tpu.memory_space<vmem>>, vector<16xf32>,
    %get3A_279 = arith.constant 112 : index
    %get3A_280 = tpu.vector_load %arg5[%get3A_279] {strides = array<i32>} : memref<1216xf32, #tpu.memory_space<vmem>>, vector<16xf32>,
    %get3A_281 = arith.constant 416 : index
    %get3A_282 = tpu.vector_load %arg5[%get3A_281] {strides = array<i32>} : memref<1216xf32, #tpu.memory_space<vmem>>, vector<16xf32>,
    %add3A_283 = arith.addf %get3A_280, %get3A_282 : vector<16xf32>
    %get3A_284 = arith.constant 720 : index
    %get3A_285 = tpu.vector_load %arg5[%get3A_284] {strides = array<i32>} : memref<1216xf32, #tpu.memory_space<vmem>>, vector<16xf32>,
    %add3A_286 = arith.addf %add3A_283, %get3A_285 : vector<16xf32>
    %get3A_287 = arith.constant 1024 : index
    %get3A_288 = tpu.vector_load %arg5[%get3A_287] {strides = array<i32>} : memref<1216xf32, #tpu.memory_space<vmem>>, vector<16xf32>,
    %add3A_289 = arith.addf %add3A_286, %get3A_288 : vector<16xf32>
    %swap3A_290 = arith.constant 112 : index
    %swap3A_291 = tpu.vector_load %arg6[%swap3A_290] {strides = array<i32>} : memref<304xf32, #tpu.memory_space<vmem>>, vector<16xf32>,
    tpu.vector_store %arg6[%swap3A_290], %add3A_289 {strides = array<i32>} : memref<304xf32, #tpu.memory_space<vmem>>, vector<16xf32>,
    %get3A_292 = arith.constant 128 : index
    %get3A_293 = tpu.vector_load %arg5[%get3A_292] {strides = array<i32>} : memref<1216xf32, #tpu.memory_space<vmem>>, vector<16xf32>,
    %get3A_294 = arith.constant 432 : index
    %get3A_295 = tpu.vector_load %arg5[%get3A_294] {strides = array<i32>} : memref<1216xf32, #tpu.memory_space<vmem>>, vector<16xf32>,
    %add3A_296 = arith.addf %get3A_293, %get3A_295 : vector<16xf32>
    %get3A_297 = arith.constant 736 : index
    %get3A_298 = tpu.vector_load %arg5[%get3A_297] {strides = array<i32>} : memref<1216xf32, #tpu.memory_space<vmem>>, vector<16xf32>,
    %add3A_299 = arith.addf %add3A_296, %get3A_298 : vector<16xf32>
    %get3A_300 = arith.constant 1040 : index
    %get3A_301 = tpu.vector_load %arg5[%get3A_300] {strides = array<i32>} : memref<1216xf32, #tpu.memory_space<vmem>>, vector<16xf32>,
    %add3A_302 = arith.addf %add3A_299, %get3A_301 : vector<16xf32>
    %swap3A_303 = arith.constant 128 : index
    %swap3A_304 = tpu.vector_load %arg6[%swap3A_303] {strides = array<i32>} : memref<304xf32, #tpu.memory_space<vmem>>, vector<16xf32>,
    tpu.vector_store %arg6[%swap3A_303], %add3A_302 {strides = array<i32>} : memref<304xf32, #tpu.memory_space<vmem>>, vector<16xf32>,
    %get3A_305 = arith.constant 144 : index
    %get3A_306 = tpu.vector_load %arg5[%get3A_305] {strides = array<i32>} : memref<1216xf32, #tpu.memory_space<vmem>>, vector<16xf32>,
    %get3A_307 = arith.constant 448 : index
    %get3A_308 = tpu.vector_load %arg5[%get3A_307] {strides = array<i32>} : memref<1216xf32, #tpu.memory_space<vmem>>, vector<16xf32>,
    %add3A_309 = arith.addf %get3A_306, %get3A_308 : vector<16xf32>
    %get3A_310 = arith.constant 752 : index
    %get3A_311 = tpu.vector_load %arg5[%get3A_310] {strides = array<i32>} : memref<1216xf32, #tpu.memory_space<vmem>>, vector<16xf32>,
    %add3A_312 = arith.addf %add3A_309, %get3A_311 : vector<16xf32>
    %get3A_313 = arith.constant 1056 : index
    %get3A_314 = tpu.vector_load %arg5[%get3A_313] {strides = array<i32>} : memref<1216xf32, #tpu.memory_space<vmem>>, vector<16xf32>,
    %add3A_315 = arith.addf %add3A_312, %get3A_314 : vector<16xf32>
    %swap3A_316 = arith.constant 144 : index
    %swap3A_317 = tpu.vector_load %arg6[%swap3A_316] {strides = array<i32>} : memref<304xf32, #tpu.memory_space<vmem>>, vector<16xf32>,
    tpu.vector_store %arg6[%swap3A_316], %add3A_315 {strides = array<i32>} : memref<304xf32, #tpu.memory_space<vmem>>, vector<16xf32>,
    %get3A_318 = arith.constant 160 : index
    %get3A_319 = tpu.vector_load %arg5[%get3A_318] {strides = array<i32>} : memref<1216xf32, #tpu.memory_space<vmem>>, vector<16xf32>,
    %get3A_320 = arith.constant 464 : index
    %get3A_321 = tpu.vector_load %arg5[%get3A_320] {strides = array<i32>} : memref<1216xf32, #tpu.memory_space<vmem>>, vector<16xf32>,
    %add3A_322 = arith.addf %get3A_319, %get3A_321 : vector<16xf32>
    %get3A_323 = arith.constant 768 : index
    %get3A_324 = tpu.vector_load %arg5[%get3A_323] {strides = array<i32>} : memref<1216xf32, #tpu.memory_space<vmem>>, vector<16xf32>,
    %add3A_325 = arith.addf %add3A_322, %get3A_324 : vector<16xf32>
    %get3A_326 = arith.constant 1072 : index
    %get3A_327 = tpu.vector_load %arg5[%get3A_326] {strides = array<i32>} : memref<1216xf32, #tpu.memory_space<vmem>>, vector<16xf32>,
    %add3A_328 = arith.addf %add3A_325, %get3A_327 : vector<16xf32>
    %swap3A_329 = arith.constant 160 : index
    %swap3A_330 = tpu.vector_load %arg6[%swap3A_329] {strides = array<i32>} : memref<304xf32, #tpu.memory_space<vmem>>, vector<16xf32>,
    tpu.vector_store %arg6[%swap3A_329], %add3A_328 {strides = array<i32>} : memref<304xf32, #tpu.memory_space<vmem>>, vector<16xf32>,
    %get3A_331 = arith.constant 176 : index
    %get3A_332 = tpu.vector_load %arg5[%get3A_331] {strides = array<i32>} : memref<1216xf32, #tpu.memory_space<vmem>>, vector<16xf32>,
    %get3A_333 = arith.constant 480 : index
    %get3A_334 = tpu.vector_load %arg5[%get3A_333] {strides = array<i32>} : memref<1216xf32, #tpu.memory_space<vmem>>, vector<16xf32>,
    %add3A_335 = arith.addf %get3A_332, %get3A_334 : vector<16xf32>
    %get3A_336 = arith.constant 784 : index
    %get3A_337 = tpu.vector_load %arg5[%get3A_336] {strides = array<i32>} : memref<1216xf32, #tpu.memory_space<vmem>>, vector<16xf32>,
    %add3A_338 = arith.addf %add3A_335, %get3A_337 : vector<16xf32>
    %get3A_339 = arith.constant 1088 : index
    %get3A_340 = tpu.vector_load %arg5[%get3A_339] {strides = array<i32>} : memref<1216xf32, #tpu.memory_space<vmem>>, vector<16xf32>,
    %add3A_341 = arith.addf %add3A_338, %get3A_340 : vector<16xf32>
    %swap3A_342 = arith.constant 176 : index
    %swap3A_343 = tpu.vector_load %arg6[%swap3A_342] {strides = array<i32>} : memref<304xf32, #tpu.memory_space<vmem>>, vector<16xf32>,
    tpu.vector_store %arg6[%swap3A_342], %add3A_341 {strides = array<i32>} : memref<304xf32, #tpu.memory_space<vmem>>, vector<16xf32>,
    %get3A_344 = arith.constant 192 : index
    %get3A_345 = tpu.vector_load %arg5[%get3A_344] {strides = array<i32>} : memref<1216xf32, #tpu.memory_space<vmem>>, vector<16xf32>,
    %get3A_346 = arith.constant 496 : index
    %get3A_347 = tpu.vector_load %arg5[%get3A_346] {strides = array<i32>} : memref<1216xf32, #tpu.memory_space<vmem>>, vector<16xf32>,
    %add3A_348 = arith.addf %get3A_345, %get3A_347 : vector<16xf32>
    %get3A_349 = arith.constant 800 : index
    %get3A_350 = tpu.vector_load %arg5[%get3A_349] {strides = array<i32>} : memref<1216xf32, #tpu.memory_space<vmem>>, vector<16xf32>,
    %add3A_351 = arith.addf %add3A_348, %get3A_350 : vector<16xf32>
    %get3A_352 = arith.constant 1104 : index
    %get3A_353 = tpu.vector_load %arg5[%get3A_352] {strides = array<i32>} : memref<1216xf32, #tpu.memory_space<vmem>>, vector<16xf32>,
    %add3A_354 = arith.addf %add3A_351, %get3A_353 : vector<16xf32>
    %swap3A_355 = arith.constant 192 : index
    %swap3A_356 = tpu.vector_load %arg6[%swap3A_355] {strides = array<i32>} : memref<304xf32, #tpu.memory_space<vmem>>, vector<16xf32>,
    tpu.vector_store %arg6[%swap3A_355], %add3A_354 {strides = array<i32>} : memref<304xf32, #tpu.memory_space<vmem>>, vector<16xf32>,
    %get3A_357 = arith.constant 208 : index
    %get3A_358 = tpu.vector_load %arg5[%get3A_357] {strides = array<i32>} : memref<1216xf32, #tpu.memory_space<vmem>>, vector<16xf32>,
    %get3A_359 = arith.constant 512 : index
    %get3A_360 = tpu.vector_load %arg5[%get3A_359] {strides = array<i32>} : memref<1216xf32, #tpu.memory_space<vmem>>, vector<16xf32>,
    %add3A_361 = arith.addf %get3A_358, %get3A_360 : vector<16xf32>
    %get3A_362 = arith.constant 816 : index
    %get3A_363 = tpu.vector_load %arg5[%get3A_362] {strides = array<i32>} : memref<1216xf32, #tpu.memory_space<vmem>>, vector<16xf32>,
    %add3A_364 = arith.addf %add3A_361, %get3A_363 : vector<16xf32>
    %get3A_365 = arith.constant 1120 : index
    %get3A_366 = tpu.vector_load %arg5[%get3A_365] {strides = array<i32>} : memref<1216xf32, #tpu.memory_space<vmem>>, vector<16xf32>,
    %add3A_367 = arith.addf %add3A_364, %get3A_366 : vector<16xf32>
    %swap3A_368 = arith.constant 208 : index
    %swap3A_369 = tpu.vector_load %arg6[%swap3A_368] {strides = array<i32>} : memref<304xf32, #tpu.memory_space<vmem>>, vector<16xf32>,
    tpu.vector_store %arg6[%swap3A_368], %add3A_367 {strides = array<i32>} : memref<304xf32, #tpu.memory_space<vmem>>, vector<16xf32>,
    %get3A_370 = arith.constant 224 : index
    %get3A_371 = tpu.vector_load %arg5[%get3A_370] {strides = array<i32>} : memref<1216xf32, #tpu.memory_space<vmem>>, vector<16xf32>,
    %get3A_372 = arith.constant 528 : index
    %get3A_373 = tpu.vector_load %arg5[%get3A_372] {strides = array<i32>} : memref<1216xf32, #tpu.memory_space<vmem>>, vector<16xf32>,
    %add3A_374 = arith.addf %get3A_371, %get3A_373 : vector<16xf32>
    %get3A_375 = arith.constant 832 : index
    %get3A_376 = tpu.vector_load %arg5[%get3A_375] {strides = array<i32>} : memref<1216xf32, #tpu.memory_space<vmem>>, vector<16xf32>,
    %add3A_377 = arith.addf %add3A_374, %get3A_376 : vector<16xf32>
    %get3A_378 = arith.constant 1136 : index
    %get3A_379 = tpu.vector_load %arg5[%get3A_378] {strides = array<i32>} : memref<1216xf32, #tpu.memory_space<vmem>>, vector<16xf32>,
    %add3A_380 = arith.addf %add3A_377, %get3A_379 : vector<16xf32>
    %swap3A_381 = arith.constant 224 : index
    %swap3A_382 = tpu.vector_load %arg6[%swap3A_381] {strides = array<i32>} : memref<304xf32, #tpu.memory_space<vmem>>, vector<16xf32>,
    tpu.vector_store %arg6[%swap3A_381], %add3A_380 {strides = array<i32>} : memref<304xf32, #tpu.memory_space<vmem>>, vector<16xf32>,
    %get3A_383 = arith.constant 240 : index
    %get3A_384 = tpu.vector_load %arg5[%get3A_383] {strides = array<i32>} : memref<1216xf32, #tpu.memory_space<vmem>>, vector<16xf32>,
    %get3A_385 = arith.constant 544 : index
    %get3A_386 = tpu.vector_load %arg5[%get3A_385] {strides = array<i32>} : memref<1216xf32, #tpu.memory_space<vmem>>, vector<16xf32>,
    %add3A_387 = arith.addf %get3A_384, %get3A_386 : vector<16xf32>
    %get3A_388 = arith.constant 848 : index
    %get3A_389 = tpu.vector_load %arg5[%get3A_388] {strides = array<i32>} : memref<1216xf32, #tpu.memory_space<vmem>>, vector<16xf32>,
    %add3A_390 = arith.addf %add3A_387, %get3A_389 : vector<16xf32>
    %get3A_391 = arith.constant 1152 : index
    %get3A_392 = tpu.vector_load %arg5[%get3A_391] {strides = array<i32>} : memref<1216xf32, #tpu.memory_space<vmem>>, vector<16xf32>,
    %add3A_393 = arith.addf %add3A_390, %get3A_392 : vector<16xf32>
    %swap3A_394 = arith.constant 240 : index
    %swap3A_395 = tpu.vector_load %arg6[%swap3A_394] {strides = array<i32>} : memref<304xf32, #tpu.memory_space<vmem>>, vector<16xf32>,
    tpu.vector_store %arg6[%swap3A_394], %add3A_393 {strides = array<i32>} : memref<304xf32, #tpu.memory_space<vmem>>, vector<16xf32>,
    %get3A_396 = arith.constant 256 : index
    %get3A_397 = tpu.vector_load %arg5[%get3A_396] {strides = array<i32>} : memref<1216xf32, #tpu.memory_space<vmem>>, vector<16xf32>,
    %get3A_398 = arith.constant 560 : index
    %get3A_399 = tpu.vector_load %arg5[%get3A_398] {strides = array<i32>} : memref<1216xf32, #tpu.memory_space<vmem>>, vector<16xf32>,
    %add3A_400 = arith.addf %get3A_397, %get3A_399 : vector<16xf32>
    %get3A_401 = arith.constant 864 : index
    %get3A_402 = tpu.vector_load %arg5[%get3A_401] {strides = array<i32>} : memref<1216xf32, #tpu.memory_space<vmem>>, vector<16xf32>,
    %add3A_403 = arith.addf %add3A_400, %get3A_402 : vector<16xf32>
    %get3A_404 = arith.constant 1168 : index
    %get3A_405 = tpu.vector_load %arg5[%get3A_404] {strides = array<i32>} : memref<1216xf32, #tpu.memory_space<vmem>>, vector<16xf32>,
    %add3A_406 = arith.addf %add3A_403, %get3A_405 : vector<16xf32>
    %swap3A_407 = arith.constant 256 : index
    %swap3A_408 = tpu.vector_load %arg6[%swap3A_407] {strides = array<i32>} : memref<304xf32, #tpu.memory_space<vmem>>, vector<16xf32>,
    tpu.vector_store %arg6[%swap3A_407], %add3A_406 {strides = array<i32>} : memref<304xf32, #tpu.memory_space<vmem>>, vector<16xf32>,
    %get3A_409 = arith.constant 272 : index
    %get3A_410 = tpu.vector_load %arg5[%get3A_409] {strides = array<i32>} : memref<1216xf32, #tpu.memory_space<vmem>>, vector<16xf32>,
    %get3A_411 = arith.constant 576 : index
    %get3A_412 = tpu.vector_load %arg5[%get3A_411] {strides = array<i32>} : memref<1216xf32, #tpu.memory_space<vmem>>, vector<16xf32>,
    %add3A_413 = arith.addf %get3A_410, %get3A_412 : vector<16xf32>
    %get3A_414 = arith.constant 880 : index
    %get3A_415 = tpu.vector_load %arg5[%get3A_414] {strides = array<i32>} : memref<1216xf32, #tpu.memory_space<vmem>>, vector<16xf32>,
    %add3A_416 = arith.addf %add3A_413, %get3A_415 : vector<16xf32>
    %get3A_417 = arith.constant 1184 : index
    %get3A_418 = tpu.vector_load %arg5[%get3A_417] {strides = array<i32>} : memref<1216xf32, #tpu.memory_space<vmem>>, vector<16xf32>,
    %add3A_419 = arith.addf %add3A_416, %get3A_418 : vector<16xf32>
    %swap3A_420 = arith.constant 272 : index
    %swap3A_421 = tpu.vector_load %arg6[%swap3A_420] {strides = array<i32>} : memref<304xf32, #tpu.memory_space<vmem>>, vector<16xf32>,
    tpu.vector_store %arg6[%swap3A_420], %add3A_419 {strides = array<i32>} : memref<304xf32, #tpu.memory_space<vmem>>, vector<16xf32>,
    %get3A_422 = arith.constant 288 : index
    %get3A_423 = tpu.vector_load %arg5[%get3A_422] {strides = array<i32>} : memref<1216xf32, #tpu.memory_space<vmem>>, vector<16xf32>,
    %get3A_424 = arith.constant 592 : index
    %get3A_425 = tpu.vector_load %arg5[%get3A_424] {strides = array<i32>} : memref<1216xf32, #tpu.memory_space<vmem>>, vector<16xf32>,
    %add3A_426 = arith.addf %get3A_423, %get3A_425 : vector<16xf32>
    %get3A_427 = arith.constant 896 : index
    %get3A_428 = tpu.vector_load %arg5[%get3A_427] {strides = array<i32>} : memref<1216xf32, #tpu.memory_space<vmem>>, vector<16xf32>,
    %add3A_429 = arith.addf %add3A_426, %get3A_428 : vector<16xf32>
    %get3A_430 = arith.constant 1200 : index
    %get3A_431 = tpu.vector_load %arg5[%get3A_430] {strides = array<i32>} : memref<1216xf32, #tpu.memory_space<vmem>>, vector<16xf32>,
    %add3A_432 = arith.addf %add3A_429, %get3A_431 : vector<16xf32>
    %swap3A_433 = arith.constant 288 : index
    %swap3A_434 = tpu.vector_load %arg6[%swap3A_433] {strides = array<i32>} : memref<304xf32, #tpu.memory_space<vmem>>, vector<16xf32>,
    tpu.vector_store %arg6[%swap3A_433], %add3A_432 {strides = array<i32>} : memref<304xf32, #tpu.memory_space<vmem>>, vector<16xf32>,
    "tpu.region"() ({
      %run_scoped3A = tpu.sem_alloc : memref<!tpu.dma_semaphore, #tpu.memory_space<semaphore_mem>>
      %dma_start3A = arith.constant 0 : i32
      %dma_start3A_435 = tpu.memref_slice %arg3[%add3A, %dma_start3A] : memref<32x304xf32, #tpu.memory_space<hbm>> -> memref<1x304xf32, #tpu.memory_space<hbm>>
      %dma_start3A_436 = tpu.memref_squeeze %dma_start3A_435 : memref<1x304xf32, #tpu.memory_space<hbm>> -> memref<304xf32, #tpu.memory_space<hbm>>
      %dma_start3A_437 = arith.constant 0 : i32
      %dma_start3A_438 = tpu.memref_slice %arg3[%add3A, %dma_start3A_437] : memref<32x304xf32, #tpu.memory_space<hbm>> -> memref<1x304xf32, #tpu.memory_space<hbm>>
      %dma_start3A_439 = tpu.memref_squeeze %dma_start3A_438 : memref<1x304xf32, #tpu.memory_space<hbm>> -> memref<304xf32, #tpu.memory_space<hbm>>
      tpu.enqueue_dma source(%arg6 : memref<304xf32, #tpu.memory_space<vmem>>) target(%dma_start3A_439 : memref<304xf32, #tpu.memory_space<hbm>>) target_semaphore(%run_scoped3A : memref<!tpu.dma_semaphore, #tpu.memory_space<semaphore_mem>>)
      %dma_wait3A = arith.constant 0 : i32
      %dma_wait3A_440 = tpu.memref_slice %arg3[%add3A, %dma_wait3A] : memref<32x304xf32, #tpu.memory_space<hbm>> -> memref<1x304xf32, #tpu.memory_space<hbm>>
      %dma_wait3A_441 = tpu.memref_squeeze %dma_wait3A_440 : memref<1x304xf32, #tpu.memory_space<hbm>> -> memref<304xf32, #tpu.memory_space<hbm>>
      %dma_wait3A_442 = arith.constant 0 : i32
      %dma_wait3A_443 = tpu.memref_slice %arg3[%add3A, %dma_wait3A_442] : memref<32x304xf32, #tpu.memory_space<hbm>> -> memref<1x304xf32, #tpu.memory_space<hbm>>
      %dma_wait3A_444 = tpu.memref_squeeze %dma_wait3A_443 : memref<1x304xf32, #tpu.memory_space<hbm>> -> memref<304xf32, #tpu.memory_space<hbm>>
      tpu.wait_dma2 semaphore(%run_scoped3A : memref<!tpu.dma_semaphore, #tpu.memory_space<semaphore_mem>>) src(%arg6 : memref<304xf32, #tpu.memory_space<vmem>>) dst(%dma_wait3A_444 : memref<304xf32, #tpu.memory_space<hbm>>)
      tpu.yield
    }) : () -> ()
    return
  }
}

module attributes {stable_mosaic.version = 14 : i64} {
  func.func @_nll_body(%arg0: i32, %arg1: i32, %arg2: memref<19xf32, #tpu.memory_space<smem>>, %arg3: memref<1x19x256x512xf32, #tpu.memory_space<vmem>>, %arg4: memref<1x256x512xi32, #tpu.memory_space<vmem>>, %arg5: memref<1xf32, #tpu.memory_space<smem>>, %arg6: memref<3xf32, #tpu.memory_space<smem>>) attributes {dimension_semantics = [#tpu.dimension_semantics<arbitrary>, #tpu.dimension_semantics<arbitrary>], iteration_bounds = array<i64: 8, 2>, scalar_prefetch = 0 : i64, scratch_operands = 1 : i64, tpu.core_type = #tpu.core_type<tc>, window_params = [{transform_indices = @transform_0, window_bounds = array<i64: 19>}, {transform_indices = @transform_1, window_bounds = array<i64: 1, 19, 256, 512>}, {transform_indices = @transform_2, window_bounds = array<i64: 1, 256, 512>}, {transform_indices = @transform_3, window_bounds = array<i64: 1>}]} {
    %get3A = arith.constant 0 : index
    %get3A_0 = arith.constant 0 : index
    %get3A_1 = arith.constant 0 : index
    %get3A_2 = arith.constant 0 : index
    %get3A_3 = vector.load %arg3[%get3A, %get3A_0, %get3A_1, %get3A_2] : memref<1x19x256x512xf32, #tpu.memory_space<vmem>>, vector<1x19x256x512xf32>
    %get3A_4 = vector.shape_cast %get3A_3 : vector<1x19x256x512xf32> to vector<19x256x512xf32>
    %get3A_5 = arith.constant 0 : index
    %get3A_6 = arith.constant 0 : index
    %get3A_7 = arith.constant 0 : index
    %get3A_8 = vector.load %arg4[%get3A_5, %get3A_6, %get3A_7] : memref<1x256x512xi32, #tpu.memory_space<vmem>>, vector<1x256x512xi32>
    %get3A_9 = vector.shape_cast %get3A_8 : vector<1x256x512xi32> to vector<256x512xi32>
    %exp3A = math.exp %get3A_4 : vector<19x256x512xf32>
    %reduce_sum3A = arith.constant dense<0.000000e+00> : vector<256x512xf32>
    %reduce_sum3A_10 = vector.multi_reduction <add>, %exp3A, %reduce_sum3A [0] : vector<19x256x512xf32> to vector<256x512xf32>
    %log3A = math.log %reduce_sum3A_10 : vector<256x512xf32>
    %get3A_11 = arith.constant 0 : index
    %get3A_12 = memref.load %arg2[%get3A_11] : memref<19xf32, #tpu.memory_space<smem>>
    %get3A_13 = arith.constant 1 : index
    %get3A_14 = memref.load %arg2[%get3A_13] : memref<19xf32, #tpu.memory_space<smem>>
    %add3A = arith.addf %get3A_12, %get3A_14 : f32
    %get3A_15 = arith.constant 2 : index
    %get3A_16 = memref.load %arg2[%get3A_15] : memref<19xf32, #tpu.memory_space<smem>>
    %add3A_17 = arith.addf %add3A, %get3A_16 : f32
    %get3A_18 = arith.constant 3 : index
    %get3A_19 = memref.load %arg2[%get3A_18] : memref<19xf32, #tpu.memory_space<smem>>
    %add3A_20 = arith.addf %add3A_17, %get3A_19 : f32
    %get3A_21 = arith.constant 4 : index
    %get3A_22 = memref.load %arg2[%get3A_21] : memref<19xf32, #tpu.memory_space<smem>>
    %add3A_23 = arith.addf %add3A_20, %get3A_22 : f32
    %get3A_24 = arith.constant 5 : index
    %get3A_25 = memref.load %arg2[%get3A_24] : memref<19xf32, #tpu.memory_space<smem>>
    %add3A_26 = arith.addf %add3A_23, %get3A_25 : f32
    %get3A_27 = arith.constant 6 : index
    %get3A_28 = memref.load %arg2[%get3A_27] : memref<19xf32, #tpu.memory_space<smem>>
    %add3A_29 = arith.addf %add3A_26, %get3A_28 : f32
    %get3A_30 = arith.constant 7 : index
    %get3A_31 = memref.load %arg2[%get3A_30] : memref<19xf32, #tpu.memory_space<smem>>
    %add3A_32 = arith.addf %add3A_29, %get3A_31 : f32
    %get3A_33 = arith.constant 8 : index
    %get3A_34 = memref.load %arg2[%get3A_33] : memref<19xf32, #tpu.memory_space<smem>>
    %add3A_35 = arith.addf %add3A_32, %get3A_34 : f32
    %get3A_36 = arith.constant 9 : index
    %get3A_37 = memref.load %arg2[%get3A_36] : memref<19xf32, #tpu.memory_space<smem>>
    %add3A_38 = arith.addf %add3A_35, %get3A_37 : f32
    %get3A_39 = arith.constant 10 : index
    %get3A_40 = memref.load %arg2[%get3A_39] : memref<19xf32, #tpu.memory_space<smem>>
    %add3A_41 = arith.addf %add3A_38, %get3A_40 : f32
    %get3A_42 = arith.constant 11 : index
    %get3A_43 = memref.load %arg2[%get3A_42] : memref<19xf32, #tpu.memory_space<smem>>
    %add3A_44 = arith.addf %add3A_41, %get3A_43 : f32
    %get3A_45 = arith.constant 12 : index
    %get3A_46 = memref.load %arg2[%get3A_45] : memref<19xf32, #tpu.memory_space<smem>>
    %add3A_47 = arith.addf %add3A_44, %get3A_46 : f32
    %get3A_48 = arith.constant 13 : index
    %get3A_49 = memref.load %arg2[%get3A_48] : memref<19xf32, #tpu.memory_space<smem>>
    %add3A_50 = arith.addf %add3A_47, %get3A_49 : f32
    %get3A_51 = arith.constant 14 : index
    %get3A_52 = memref.load %arg2[%get3A_51] : memref<19xf32, #tpu.memory_space<smem>>
    %add3A_53 = arith.addf %add3A_50, %get3A_52 : f32
    %get3A_54 = arith.constant 15 : index
    %get3A_55 = memref.load %arg2[%get3A_54] : memref<19xf32, #tpu.memory_space<smem>>
    %add3A_56 = arith.addf %add3A_53, %get3A_55 : f32
    %get3A_57 = arith.constant 16 : index
    %get3A_58 = memref.load %arg2[%get3A_57] : memref<19xf32, #tpu.memory_space<smem>>
    %add3A_59 = arith.addf %add3A_56, %get3A_58 : f32
    %get3A_60 = arith.constant 17 : index
    %get3A_61 = memref.load %arg2[%get3A_60] : memref<19xf32, #tpu.memory_space<smem>>
    %add3A_62 = arith.addf %add3A_59, %get3A_61 : f32
    %get3A_63 = arith.constant 18 : index
    %get3A_64 = memref.load %arg2[%get3A_63] : memref<19xf32, #tpu.memory_space<smem>>
    %add3A_65 = arith.addf %add3A_62, %get3A_64 : f32
    %broadcast_in_dim3A = arith.constant 0.000000e+00 : f32
    %broadcast_in_dim3A_66 = vector.broadcast %broadcast_in_dim3A : f32 to vector<256x512xf32>
    %broadcast_in_dim3A_67 = arith.constant 0.000000e+00 : f32
    %broadcast_in_dim3A_68 = vector.broadcast %broadcast_in_dim3A_67 : f32 to vector<256x512xf32>
    %get3A_69 = arith.constant 0 : index
    %get3A_70 = memref.load %arg2[%get3A_69] : memref<19xf32, #tpu.memory_space<smem>>
    %ne3A = arith.constant 0.000000e+00 : f32
    %ne3A_71 = arith.cmpf one, %get3A_70, %ne3A : f32
    %div3A = arith.divf %get3A_70, %add3A_65 : f32
    %sub3A = arith.constant 1.000000e+00 : f32
    %sub3A_72 = arith.subf %sub3A, %div3A : f32
    %jit3A = arith.constant 0.000000e+00 : f32
    %select_n3A = arith.select %ne3A_71, %sub3A_72, %jit3A : f32
    %add3A_73 = arith.constant 1.000000e+00 : f32
    %add3A_74 = arith.addf %select_n3A, %add3A_73 : f32
    %eq3A = arith.constant 0 : i32
    %eq3A_75 = vector.broadcast %eq3A : i32 to vector<256x512xi32>
    %eq3A_76 = arith.cmpi eq, %get3A_9, %eq3A_75 : vector<256x512xi32>
    %broadcast_in_dim3A_77 = vector.broadcast %add3A_74 : f32 to vector<256x512xf32>
    %select_n3A_78 = arith.select %eq3A_76, %broadcast_in_dim3A_77, %broadcast_in_dim3A_66 : vector<256x512xi1>, vector<256x512xf32>
    %slice3A = vector.extract_strided_slice %get3A_4 {offsets = [0, 0, 0], sizes = [1, 256, 512], strides = [1, 1, 1]} : vector<19x256x512xf32> to vector<1x256x512xf32>
    %squeeze3A = vector.shape_cast %slice3A : vector<1x256x512xf32> to vector<256x512xf32>
    %select_n3A_79 = arith.select %eq3A_76, %squeeze3A, %broadcast_in_dim3A_68 : vector<256x512xi1>, vector<256x512xf32>
    %get3A_80 = arith.constant 1 : index
    %get3A_81 = memref.load %arg2[%get3A_80] : memref<19xf32, #tpu.memory_space<smem>>
    %ne3A_82 = arith.constant 0.000000e+00 : f32
    %ne3A_83 = arith.cmpf one, %get3A_81, %ne3A_82 : f32
    %div3A_84 = arith.divf %get3A_81, %add3A_65 : f32
    %sub3A_85 = arith.constant 1.000000e+00 : f32
    %sub3A_86 = arith.subf %sub3A_85, %div3A_84 : f32
    %jit3A_87 = arith.constant 0.000000e+00 : f32
    %select_n3A_88 = arith.select %ne3A_83, %sub3A_86, %jit3A_87 : f32
    %add3A_89 = arith.constant 1.000000e+00 : f32
    %add3A_90 = arith.addf %select_n3A_88, %add3A_89 : f32
    %eq3A_91 = arith.constant 1 : i32
    %eq3A_92 = vector.broadcast %eq3A_91 : i32 to vector<256x512xi32>
    %eq3A_93 = arith.cmpi eq, %get3A_9, %eq3A_92 : vector<256x512xi32>
    %broadcast_in_dim3A_94 = vector.broadcast %add3A_90 : f32 to vector<256x512xf32>
    %select_n3A_95 = arith.select %eq3A_93, %broadcast_in_dim3A_94, %select_n3A_78 : vector<256x512xi1>, vector<256x512xf32>
    %slice3A_96 = vector.extract_strided_slice %get3A_4 {offsets = [1, 0, 0], sizes = [1, 256, 512], strides = [1, 1, 1]} : vector<19x256x512xf32> to vector<1x256x512xf32>
    %squeeze3A_97 = vector.shape_cast %slice3A_96 : vector<1x256x512xf32> to vector<256x512xf32>
    %select_n3A_98 = arith.select %eq3A_93, %squeeze3A_97, %select_n3A_79 : vector<256x512xi1>, vector<256x512xf32>
    %get3A_99 = arith.constant 2 : index
    %get3A_100 = memref.load %arg2[%get3A_99] : memref<19xf32, #tpu.memory_space<smem>>
    %ne3A_101 = arith.constant 0.000000e+00 : f32
    %ne3A_102 = arith.cmpf one, %get3A_100, %ne3A_101 : f32
    %div3A_103 = arith.divf %get3A_100, %add3A_65 : f32
    %sub3A_104 = arith.constant 1.000000e+00 : f32
    %sub3A_105 = arith.subf %sub3A_104, %div3A_103 : f32
    %jit3A_106 = arith.constant 0.000000e+00 : f32
    %select_n3A_107 = arith.select %ne3A_102, %sub3A_105, %jit3A_106 : f32
    %add3A_108 = arith.constant 1.000000e+00 : f32
    %add3A_109 = arith.addf %select_n3A_107, %add3A_108 : f32
    %eq3A_110 = arith.constant 2 : i32
    %eq3A_111 = vector.broadcast %eq3A_110 : i32 to vector<256x512xi32>
    %eq3A_112 = arith.cmpi eq, %get3A_9, %eq3A_111 : vector<256x512xi32>
    %broadcast_in_dim3A_113 = vector.broadcast %add3A_109 : f32 to vector<256x512xf32>
    %select_n3A_114 = arith.select %eq3A_112, %broadcast_in_dim3A_113, %select_n3A_95 : vector<256x512xi1>, vector<256x512xf32>
    %slice3A_115 = vector.extract_strided_slice %get3A_4 {offsets = [2, 0, 0], sizes = [1, 256, 512], strides = [1, 1, 1]} : vector<19x256x512xf32> to vector<1x256x512xf32>
    %squeeze3A_116 = vector.shape_cast %slice3A_115 : vector<1x256x512xf32> to vector<256x512xf32>
    %select_n3A_117 = arith.select %eq3A_112, %squeeze3A_116, %select_n3A_98 : vector<256x512xi1>, vector<256x512xf32>
    %get3A_118 = arith.constant 3 : index
    %get3A_119 = memref.load %arg2[%get3A_118] : memref<19xf32, #tpu.memory_space<smem>>
    %ne3A_120 = arith.constant 0.000000e+00 : f32
    %ne3A_121 = arith.cmpf one, %get3A_119, %ne3A_120 : f32
    %div3A_122 = arith.divf %get3A_119, %add3A_65 : f32
    %sub3A_123 = arith.constant 1.000000e+00 : f32
    %sub3A_124 = arith.subf %sub3A_123, %div3A_122 : f32
    %jit3A_125 = arith.constant 0.000000e+00 : f32
    %select_n3A_126 = arith.select %ne3A_121, %sub3A_124, %jit3A_125 : f32
    %add3A_127 = arith.constant 1.000000e+00 : f32
    %add3A_128 = arith.addf %select_n3A_126, %add3A_127 : f32
    %eq3A_129 = arith.constant 3 : i32
    %eq3A_130 = vector.broadcast %eq3A_129 : i32 to vector<256x512xi32>
    %eq3A_131 = arith.cmpi eq, %get3A_9, %eq3A_130 : vector<256x512xi32>
    %broadcast_in_dim3A_132 = vector.broadcast %add3A_128 : f32 to vector<256x512xf32>
    %select_n3A_133 = arith.select %eq3A_131, %broadcast_in_dim3A_132, %select_n3A_114 : vector<256x512xi1>, vector<256x512xf32>
    %slice3A_134 = vector.extract_strided_slice %get3A_4 {offsets = [3, 0, 0], sizes = [1, 256, 512], strides = [1, 1, 1]} : vector<19x256x512xf32> to vector<1x256x512xf32>
    %squeeze3A_135 = vector.shape_cast %slice3A_134 : vector<1x256x512xf32> to vector<256x512xf32>
    %select_n3A_136 = arith.select %eq3A_131, %squeeze3A_135, %select_n3A_117 : vector<256x512xi1>, vector<256x512xf32>
    %get3A_137 = arith.constant 4 : index
    %get3A_138 = memref.load %arg2[%get3A_137] : memref<19xf32, #tpu.memory_space<smem>>
    %ne3A_139 = arith.constant 0.000000e+00 : f32
    %ne3A_140 = arith.cmpf one, %get3A_138, %ne3A_139 : f32
    %div3A_141 = arith.divf %get3A_138, %add3A_65 : f32
    %sub3A_142 = arith.constant 1.000000e+00 : f32
    %sub3A_143 = arith.subf %sub3A_142, %div3A_141 : f32
    %jit3A_144 = arith.constant 0.000000e+00 : f32
    %select_n3A_145 = arith.select %ne3A_140, %sub3A_143, %jit3A_144 : f32
    %add3A_146 = arith.constant 1.000000e+00 : f32
    %add3A_147 = arith.addf %select_n3A_145, %add3A_146 : f32
    %eq3A_148 = arith.constant 4 : i32
    %eq3A_149 = vector.broadcast %eq3A_148 : i32 to vector<256x512xi32>
    %eq3A_150 = arith.cmpi eq, %get3A_9, %eq3A_149 : vector<256x512xi32>
    %broadcast_in_dim3A_151 = vector.broadcast %add3A_147 : f32 to vector<256x512xf32>
    %select_n3A_152 = arith.select %eq3A_150, %broadcast_in_dim3A_151, %select_n3A_133 : vector<256x512xi1>, vector<256x512xf32>
    %slice3A_153 = vector.extract_strided_slice %get3A_4 {offsets = [4, 0, 0], sizes = [1, 256, 512], strides = [1, 1, 1]} : vector<19x256x512xf32> to vector<1x256x512xf32>
    %squeeze3A_154 = vector.shape_cast %slice3A_153 : vector<1x256x512xf32> to vector<256x512xf32>
    %select_n3A_155 = arith.select %eq3A_150, %squeeze3A_154, %select_n3A_136 : vector<256x512xi1>, vector<256x512xf32>
    %get3A_156 = arith.constant 5 : index
    %get3A_157 = memref.load %arg2[%get3A_156] : memref<19xf32, #tpu.memory_space<smem>>
    %ne3A_158 = arith.constant 0.000000e+00 : f32
    %ne3A_159 = arith.cmpf one, %get3A_157, %ne3A_158 : f32
    %div3A_160 = arith.divf %get3A_157, %add3A_65 : f32
    %sub3A_161 = arith.constant 1.000000e+00 : f32
    %sub3A_162 = arith.subf %sub3A_161, %div3A_160 : f32
    %jit3A_163 = arith.constant 0.000000e+00 : f32
    %select_n3A_164 = arith.select %ne3A_159, %sub3A_162, %jit3A_163 : f32
    %add3A_165 = arith.constant 1.000000e+00 : f32
    %add3A_166 = arith.addf %select_n3A_164, %add3A_165 : f32
    %eq3A_167 = arith.constant 5 : i32
    %eq3A_168 = vector.broadcast %eq3A_167 : i32 to vector<256x512xi32>
    %eq3A_169 = arith.cmpi eq, %get3A_9, %eq3A_168 : vector<256x512xi32>
    %broadcast_in_dim3A_170 = vector.broadcast %add3A_166 : f32 to vector<256x512xf32>
    %select_n3A_171 = arith.select %eq3A_169, %broadcast_in_dim3A_170, %select_n3A_152 : vector<256x512xi1>, vector<256x512xf32>
    %slice3A_172 = vector.extract_strided_slice %get3A_4 {offsets = [5, 0, 0], sizes = [1, 256, 512], strides = [1, 1, 1]} : vector<19x256x512xf32> to vector<1x256x512xf32>
    %squeeze3A_173 = vector.shape_cast %slice3A_172 : vector<1x256x512xf32> to vector<256x512xf32>
    %select_n3A_174 = arith.select %eq3A_169, %squeeze3A_173, %select_n3A_155 : vector<256x512xi1>, vector<256x512xf32>
    %get3A_175 = arith.constant 6 : index
    %get3A_176 = memref.load %arg2[%get3A_175] : memref<19xf32, #tpu.memory_space<smem>>
    %ne3A_177 = arith.constant 0.000000e+00 : f32
    %ne3A_178 = arith.cmpf one, %get3A_176, %ne3A_177 : f32
    %div3A_179 = arith.divf %get3A_176, %add3A_65 : f32
    %sub3A_180 = arith.constant 1.000000e+00 : f32
    %sub3A_181 = arith.subf %sub3A_180, %div3A_179 : f32
    %jit3A_182 = arith.constant 0.000000e+00 : f32
    %select_n3A_183 = arith.select %ne3A_178, %sub3A_181, %jit3A_182 : f32
    %add3A_184 = arith.constant 1.000000e+00 : f32
    %add3A_185 = arith.addf %select_n3A_183, %add3A_184 : f32
    %eq3A_186 = arith.constant 6 : i32
    %eq3A_187 = vector.broadcast %eq3A_186 : i32 to vector<256x512xi32>
    %eq3A_188 = arith.cmpi eq, %get3A_9, %eq3A_187 : vector<256x512xi32>
    %broadcast_in_dim3A_189 = vector.broadcast %add3A_185 : f32 to vector<256x512xf32>
    %select_n3A_190 = arith.select %eq3A_188, %broadcast_in_dim3A_189, %select_n3A_171 : vector<256x512xi1>, vector<256x512xf32>
    %slice3A_191 = vector.extract_strided_slice %get3A_4 {offsets = [6, 0, 0], sizes = [1, 256, 512], strides = [1, 1, 1]} : vector<19x256x512xf32> to vector<1x256x512xf32>
    %squeeze3A_192 = vector.shape_cast %slice3A_191 : vector<1x256x512xf32> to vector<256x512xf32>
    %select_n3A_193 = arith.select %eq3A_188, %squeeze3A_192, %select_n3A_174 : vector<256x512xi1>, vector<256x512xf32>
    %get3A_194 = arith.constant 7 : index
    %get3A_195 = memref.load %arg2[%get3A_194] : memref<19xf32, #tpu.memory_space<smem>>
    %ne3A_196 = arith.constant 0.000000e+00 : f32
    %ne3A_197 = arith.cmpf one, %get3A_195, %ne3A_196 : f32
    %div3A_198 = arith.divf %get3A_195, %add3A_65 : f32
    %sub3A_199 = arith.constant 1.000000e+00 : f32
    %sub3A_200 = arith.subf %sub3A_199, %div3A_198 : f32
    %jit3A_201 = arith.constant 0.000000e+00 : f32
    %select_n3A_202 = arith.select %ne3A_197, %sub3A_200, %jit3A_201 : f32
    %add3A_203 = arith.constant 1.000000e+00 : f32
    %add3A_204 = arith.addf %select_n3A_202, %add3A_203 : f32
    %eq3A_205 = arith.constant 7 : i32
    %eq3A_206 = vector.broadcast %eq3A_205 : i32 to vector<256x512xi32>
    %eq3A_207 = arith.cmpi eq, %get3A_9, %eq3A_206 : vector<256x512xi32>
    %broadcast_in_dim3A_208 = vector.broadcast %add3A_204 : f32 to vector<256x512xf32>
    %select_n3A_209 = arith.select %eq3A_207, %broadcast_in_dim3A_208, %select_n3A_190 : vector<256x512xi1>, vector<256x512xf32>
    %slice3A_210 = vector.extract_strided_slice %get3A_4 {offsets = [7, 0, 0], sizes = [1, 256, 512], strides = [1, 1, 1]} : vector<19x256x512xf32> to vector<1x256x512xf32>
    %squeeze3A_211 = vector.shape_cast %slice3A_210 : vector<1x256x512xf32> to vector<256x512xf32>
    %select_n3A_212 = arith.select %eq3A_207, %squeeze3A_211, %select_n3A_193 : vector<256x512xi1>, vector<256x512xf32>
    %get3A_213 = arith.constant 8 : index
    %get3A_214 = memref.load %arg2[%get3A_213] : memref<19xf32, #tpu.memory_space<smem>>
    %ne3A_215 = arith.constant 0.000000e+00 : f32
    %ne3A_216 = arith.cmpf one, %get3A_214, %ne3A_215 : f32
    %div3A_217 = arith.divf %get3A_214, %add3A_65 : f32
    %sub3A_218 = arith.constant 1.000000e+00 : f32
    %sub3A_219 = arith.subf %sub3A_218, %div3A_217 : f32
    %jit3A_220 = arith.constant 0.000000e+00 : f32
    %select_n3A_221 = arith.select %ne3A_216, %sub3A_219, %jit3A_220 : f32
    %add3A_222 = arith.constant 1.000000e+00 : f32
    %add3A_223 = arith.addf %select_n3A_221, %add3A_222 : f32
    %eq3A_224 = arith.constant 8 : i32
    %eq3A_225 = vector.broadcast %eq3A_224 : i32 to vector<256x512xi32>
    %eq3A_226 = arith.cmpi eq, %get3A_9, %eq3A_225 : vector<256x512xi32>
    %broadcast_in_dim3A_227 = vector.broadcast %add3A_223 : f32 to vector<256x512xf32>
    %select_n3A_228 = arith.select %eq3A_226, %broadcast_in_dim3A_227, %select_n3A_209 : vector<256x512xi1>, vector<256x512xf32>
    %slice3A_229 = vector.extract_strided_slice %get3A_4 {offsets = [8, 0, 0], sizes = [1, 256, 512], strides = [1, 1, 1]} : vector<19x256x512xf32> to vector<1x256x512xf32>
    %squeeze3A_230 = vector.shape_cast %slice3A_229 : vector<1x256x512xf32> to vector<256x512xf32>
    %select_n3A_231 = arith.select %eq3A_226, %squeeze3A_230, %select_n3A_212 : vector<256x512xi1>, vector<256x512xf32>
    %get3A_232 = arith.constant 9 : index
    %get3A_233 = memref.load %arg2[%get3A_232] : memref<19xf32, #tpu.memory_space<smem>>
    %ne3A_234 = arith.constant 0.000000e+00 : f32
    %ne3A_235 = arith.cmpf one, %get3A_233, %ne3A_234 : f32
    %div3A_236 = arith.divf %get3A_233, %add3A_65 : f32
    %sub3A_237 = arith.constant 1.000000e+00 : f32
    %sub3A_238 = arith.subf %sub3A_237, %div3A_236 : f32
    %jit3A_239 = arith.constant 0.000000e+00 : f32
    %select_n3A_240 = arith.select %ne3A_235, %sub3A_238, %jit3A_239 : f32
    %add3A_241 = arith.constant 1.000000e+00 : f32
    %add3A_242 = arith.addf %select_n3A_240, %add3A_241 : f32
    %eq3A_243 = arith.constant 9 : i32
    %eq3A_244 = vector.broadcast %eq3A_243 : i32 to vector<256x512xi32>
    %eq3A_245 = arith.cmpi eq, %get3A_9, %eq3A_244 : vector<256x512xi32>
    %broadcast_in_dim3A_246 = vector.broadcast %add3A_242 : f32 to vector<256x512xf32>
    %select_n3A_247 = arith.select %eq3A_245, %broadcast_in_dim3A_246, %select_n3A_228 : vector<256x512xi1>, vector<256x512xf32>
    %slice3A_248 = vector.extract_strided_slice %get3A_4 {offsets = [9, 0, 0], sizes = [1, 256, 512], strides = [1, 1, 1]} : vector<19x256x512xf32> to vector<1x256x512xf32>
    %squeeze3A_249 = vector.shape_cast %slice3A_248 : vector<1x256x512xf32> to vector<256x512xf32>
    %select_n3A_250 = arith.select %eq3A_245, %squeeze3A_249, %select_n3A_231 : vector<256x512xi1>, vector<256x512xf32>
    %get3A_251 = arith.constant 10 : index
    %get3A_252 = memref.load %arg2[%get3A_251] : memref<19xf32, #tpu.memory_space<smem>>
    %ne3A_253 = arith.constant 0.000000e+00 : f32
    %ne3A_254 = arith.cmpf one, %get3A_252, %ne3A_253 : f32
    %div3A_255 = arith.divf %get3A_252, %add3A_65 : f32
    %sub3A_256 = arith.constant 1.000000e+00 : f32
    %sub3A_257 = arith.subf %sub3A_256, %div3A_255 : f32
    %jit3A_258 = arith.constant 0.000000e+00 : f32
    %select_n3A_259 = arith.select %ne3A_254, %sub3A_257, %jit3A_258 : f32
    %add3A_260 = arith.constant 1.000000e+00 : f32
    %add3A_261 = arith.addf %select_n3A_259, %add3A_260 : f32
    %eq3A_262 = arith.constant 10 : i32
    %eq3A_263 = vector.broadcast %eq3A_262 : i32 to vector<256x512xi32>
    %eq3A_264 = arith.cmpi eq, %get3A_9, %eq3A_263 : vector<256x512xi32>
    %broadcast_in_dim3A_265 = vector.broadcast %add3A_261 : f32 to vector<256x512xf32>
    %select_n3A_266 = arith.select %eq3A_264, %broadcast_in_dim3A_265, %select_n3A_247 : vector<256x512xi1>, vector<256x512xf32>
    %slice3A_267 = vector.extract_strided_slice %get3A_4 {offsets = [10, 0, 0], sizes = [1, 256, 512], strides = [1, 1, 1]} : vector<19x256x512xf32> to vector<1x256x512xf32>
    %squeeze3A_268 = vector.shape_cast %slice3A_267 : vector<1x256x512xf32> to vector<256x512xf32>
    %select_n3A_269 = arith.select %eq3A_264, %squeeze3A_268, %select_n3A_250 : vector<256x512xi1>, vector<256x512xf32>
    %get3A_270 = arith.constant 11 : index
    %get3A_271 = memref.load %arg2[%get3A_270] : memref<19xf32, #tpu.memory_space<smem>>
    %ne3A_272 = arith.constant 0.000000e+00 : f32
    %ne3A_273 = arith.cmpf one, %get3A_271, %ne3A_272 : f32
    %div3A_274 = arith.divf %get3A_271, %add3A_65 : f32
    %sub3A_275 = arith.constant 1.000000e+00 : f32
    %sub3A_276 = arith.subf %sub3A_275, %div3A_274 : f32
    %jit3A_277 = arith.constant 0.000000e+00 : f32
    %select_n3A_278 = arith.select %ne3A_273, %sub3A_276, %jit3A_277 : f32
    %add3A_279 = arith.constant 1.000000e+00 : f32
    %add3A_280 = arith.addf %select_n3A_278, %add3A_279 : f32
    %eq3A_281 = arith.constant 11 : i32
    %eq3A_282 = vector.broadcast %eq3A_281 : i32 to vector<256x512xi32>
    %eq3A_283 = arith.cmpi eq, %get3A_9, %eq3A_282 : vector<256x512xi32>
    %broadcast_in_dim3A_284 = vector.broadcast %add3A_280 : f32 to vector<256x512xf32>
    %select_n3A_285 = arith.select %eq3A_283, %broadcast_in_dim3A_284, %select_n3A_266 : vector<256x512xi1>, vector<256x512xf32>
    %slice3A_286 = vector.extract_strided_slice %get3A_4 {offsets = [11, 0, 0], sizes = [1, 256, 512], strides = [1, 1, 1]} : vector<19x256x512xf32> to vector<1x256x512xf32>
    %squeeze3A_287 = vector.shape_cast %slice3A_286 : vector<1x256x512xf32> to vector<256x512xf32>
    %select_n3A_288 = arith.select %eq3A_283, %squeeze3A_287, %select_n3A_269 : vector<256x512xi1>, vector<256x512xf32>
    %get3A_289 = arith.constant 12 : index
    %get3A_290 = memref.load %arg2[%get3A_289] : memref<19xf32, #tpu.memory_space<smem>>
    %ne3A_291 = arith.constant 0.000000e+00 : f32
    %ne3A_292 = arith.cmpf one, %get3A_290, %ne3A_291 : f32
    %div3A_293 = arith.divf %get3A_290, %add3A_65 : f32
    %sub3A_294 = arith.constant 1.000000e+00 : f32
    %sub3A_295 = arith.subf %sub3A_294, %div3A_293 : f32
    %jit3A_296 = arith.constant 0.000000e+00 : f32
    %select_n3A_297 = arith.select %ne3A_292, %sub3A_295, %jit3A_296 : f32
    %add3A_298 = arith.constant 1.000000e+00 : f32
    %add3A_299 = arith.addf %select_n3A_297, %add3A_298 : f32
    %eq3A_300 = arith.constant 12 : i32
    %eq3A_301 = vector.broadcast %eq3A_300 : i32 to vector<256x512xi32>
    %eq3A_302 = arith.cmpi eq, %get3A_9, %eq3A_301 : vector<256x512xi32>
    %broadcast_in_dim3A_303 = vector.broadcast %add3A_299 : f32 to vector<256x512xf32>
    %select_n3A_304 = arith.select %eq3A_302, %broadcast_in_dim3A_303, %select_n3A_285 : vector<256x512xi1>, vector<256x512xf32>
    %slice3A_305 = vector.extract_strided_slice %get3A_4 {offsets = [12, 0, 0], sizes = [1, 256, 512], strides = [1, 1, 1]} : vector<19x256x512xf32> to vector<1x256x512xf32>
    %squeeze3A_306 = vector.shape_cast %slice3A_305 : vector<1x256x512xf32> to vector<256x512xf32>
    %select_n3A_307 = arith.select %eq3A_302, %squeeze3A_306, %select_n3A_288 : vector<256x512xi1>, vector<256x512xf32>
    %get3A_308 = arith.constant 13 : index
    %get3A_309 = memref.load %arg2[%get3A_308] : memref<19xf32, #tpu.memory_space<smem>>
    %ne3A_310 = arith.constant 0.000000e+00 : f32
    %ne3A_311 = arith.cmpf one, %get3A_309, %ne3A_310 : f32
    %div3A_312 = arith.divf %get3A_309, %add3A_65 : f32
    %sub3A_313 = arith.constant 1.000000e+00 : f32
    %sub3A_314 = arith.subf %sub3A_313, %div3A_312 : f32
    %jit3A_315 = arith.constant 0.000000e+00 : f32
    %select_n3A_316 = arith.select %ne3A_311, %sub3A_314, %jit3A_315 : f32
    %add3A_317 = arith.constant 1.000000e+00 : f32
    %add3A_318 = arith.addf %select_n3A_316, %add3A_317 : f32
    %eq3A_319 = arith.constant 13 : i32
    %eq3A_320 = vector.broadcast %eq3A_319 : i32 to vector<256x512xi32>
    %eq3A_321 = arith.cmpi eq, %get3A_9, %eq3A_320 : vector<256x512xi32>
    %broadcast_in_dim3A_322 = vector.broadcast %add3A_318 : f32 to vector<256x512xf32>
    %select_n3A_323 = arith.select %eq3A_321, %broadcast_in_dim3A_322, %select_n3A_304 : vector<256x512xi1>, vector<256x512xf32>
    %slice3A_324 = vector.extract_strided_slice %get3A_4 {offsets = [13, 0, 0], sizes = [1, 256, 512], strides = [1, 1, 1]} : vector<19x256x512xf32> to vector<1x256x512xf32>
    %squeeze3A_325 = vector.shape_cast %slice3A_324 : vector<1x256x512xf32> to vector<256x512xf32>
    %select_n3A_326 = arith.select %eq3A_321, %squeeze3A_325, %select_n3A_307 : vector<256x512xi1>, vector<256x512xf32>
    %get3A_327 = arith.constant 14 : index
    %get3A_328 = memref.load %arg2[%get3A_327] : memref<19xf32, #tpu.memory_space<smem>>
    %ne3A_329 = arith.constant 0.000000e+00 : f32
    %ne3A_330 = arith.cmpf one, %get3A_328, %ne3A_329 : f32
    %div3A_331 = arith.divf %get3A_328, %add3A_65 : f32
    %sub3A_332 = arith.constant 1.000000e+00 : f32
    %sub3A_333 = arith.subf %sub3A_332, %div3A_331 : f32
    %jit3A_334 = arith.constant 0.000000e+00 : f32
    %select_n3A_335 = arith.select %ne3A_330, %sub3A_333, %jit3A_334 : f32
    %add3A_336 = arith.constant 1.000000e+00 : f32
    %add3A_337 = arith.addf %select_n3A_335, %add3A_336 : f32
    %eq3A_338 = arith.constant 14 : i32
    %eq3A_339 = vector.broadcast %eq3A_338 : i32 to vector<256x512xi32>
    %eq3A_340 = arith.cmpi eq, %get3A_9, %eq3A_339 : vector<256x512xi32>
    %broadcast_in_dim3A_341 = vector.broadcast %add3A_337 : f32 to vector<256x512xf32>
    %select_n3A_342 = arith.select %eq3A_340, %broadcast_in_dim3A_341, %select_n3A_323 : vector<256x512xi1>, vector<256x512xf32>
    %slice3A_343 = vector.extract_strided_slice %get3A_4 {offsets = [14, 0, 0], sizes = [1, 256, 512], strides = [1, 1, 1]} : vector<19x256x512xf32> to vector<1x256x512xf32>
    %squeeze3A_344 = vector.shape_cast %slice3A_343 : vector<1x256x512xf32> to vector<256x512xf32>
    %select_n3A_345 = arith.select %eq3A_340, %squeeze3A_344, %select_n3A_326 : vector<256x512xi1>, vector<256x512xf32>
    %get3A_346 = arith.constant 15 : index
    %get3A_347 = memref.load %arg2[%get3A_346] : memref<19xf32, #tpu.memory_space<smem>>
    %ne3A_348 = arith.constant 0.000000e+00 : f32
    %ne3A_349 = arith.cmpf one, %get3A_347, %ne3A_348 : f32
    %div3A_350 = arith.divf %get3A_347, %add3A_65 : f32
    %sub3A_351 = arith.constant 1.000000e+00 : f32
    %sub3A_352 = arith.subf %sub3A_351, %div3A_350 : f32
    %jit3A_353 = arith.constant 0.000000e+00 : f32
    %select_n3A_354 = arith.select %ne3A_349, %sub3A_352, %jit3A_353 : f32
    %add3A_355 = arith.constant 1.000000e+00 : f32
    %add3A_356 = arith.addf %select_n3A_354, %add3A_355 : f32
    %eq3A_357 = arith.constant 15 : i32
    %eq3A_358 = vector.broadcast %eq3A_357 : i32 to vector<256x512xi32>
    %eq3A_359 = arith.cmpi eq, %get3A_9, %eq3A_358 : vector<256x512xi32>
    %broadcast_in_dim3A_360 = vector.broadcast %add3A_356 : f32 to vector<256x512xf32>
    %select_n3A_361 = arith.select %eq3A_359, %broadcast_in_dim3A_360, %select_n3A_342 : vector<256x512xi1>, vector<256x512xf32>
    %slice3A_362 = vector.extract_strided_slice %get3A_4 {offsets = [15, 0, 0], sizes = [1, 256, 512], strides = [1, 1, 1]} : vector<19x256x512xf32> to vector<1x256x512xf32>
    %squeeze3A_363 = vector.shape_cast %slice3A_362 : vector<1x256x512xf32> to vector<256x512xf32>
    %select_n3A_364 = arith.select %eq3A_359, %squeeze3A_363, %select_n3A_345 : vector<256x512xi1>, vector<256x512xf32>
    %get3A_365 = arith.constant 16 : index
    %get3A_366 = memref.load %arg2[%get3A_365] : memref<19xf32, #tpu.memory_space<smem>>
    %ne3A_367 = arith.constant 0.000000e+00 : f32
    %ne3A_368 = arith.cmpf one, %get3A_366, %ne3A_367 : f32
    %div3A_369 = arith.divf %get3A_366, %add3A_65 : f32
    %sub3A_370 = arith.constant 1.000000e+00 : f32
    %sub3A_371 = arith.subf %sub3A_370, %div3A_369 : f32
    %jit3A_372 = arith.constant 0.000000e+00 : f32
    %select_n3A_373 = arith.select %ne3A_368, %sub3A_371, %jit3A_372 : f32
    %add3A_374 = arith.constant 1.000000e+00 : f32
    %add3A_375 = arith.addf %select_n3A_373, %add3A_374 : f32
    %eq3A_376 = arith.constant 16 : i32
    %eq3A_377 = vector.broadcast %eq3A_376 : i32 to vector<256x512xi32>
    %eq3A_378 = arith.cmpi eq, %get3A_9, %eq3A_377 : vector<256x512xi32>
    %broadcast_in_dim3A_379 = vector.broadcast %add3A_375 : f32 to vector<256x512xf32>
    %select_n3A_380 = arith.select %eq3A_378, %broadcast_in_dim3A_379, %select_n3A_361 : vector<256x512xi1>, vector<256x512xf32>
    %slice3A_381 = vector.extract_strided_slice %get3A_4 {offsets = [16, 0, 0], sizes = [1, 256, 512], strides = [1, 1, 1]} : vector<19x256x512xf32> to vector<1x256x512xf32>
    %squeeze3A_382 = vector.shape_cast %slice3A_381 : vector<1x256x512xf32> to vector<256x512xf32>
    %select_n3A_383 = arith.select %eq3A_378, %squeeze3A_382, %select_n3A_364 : vector<256x512xi1>, vector<256x512xf32>
    %get3A_384 = arith.constant 17 : index
    %get3A_385 = memref.load %arg2[%get3A_384] : memref<19xf32, #tpu.memory_space<smem>>
    %ne3A_386 = arith.constant 0.000000e+00 : f32
    %ne3A_387 = arith.cmpf one, %get3A_385, %ne3A_386 : f32
    %div3A_388 = arith.divf %get3A_385, %add3A_65 : f32
    %sub3A_389 = arith.constant 1.000000e+00 : f32
    %sub3A_390 = arith.subf %sub3A_389, %div3A_388 : f32
    %jit3A_391 = arith.constant 0.000000e+00 : f32
    %select_n3A_392 = arith.select %ne3A_387, %sub3A_390, %jit3A_391 : f32
    %add3A_393 = arith.constant 1.000000e+00 : f32
    %add3A_394 = arith.addf %select_n3A_392, %add3A_393 : f32
    %eq3A_395 = arith.constant 17 : i32
    %eq3A_396 = vector.broadcast %eq3A_395 : i32 to vector<256x512xi32>
    %eq3A_397 = arith.cmpi eq, %get3A_9, %eq3A_396 : vector<256x512xi32>
    %broadcast_in_dim3A_398 = vector.broadcast %add3A_394 : f32 to vector<256x512xf32>
    %select_n3A_399 = arith.select %eq3A_397, %broadcast_in_dim3A_398, %select_n3A_380 : vector<256x512xi1>, vector<256x512xf32>
    %slice3A_400 = vector.extract_strided_slice %get3A_4 {offsets = [17, 0, 0], sizes = [1, 256, 512], strides = [1, 1, 1]} : vector<19x256x512xf32> to vector<1x256x512xf32>
    %squeeze3A_401 = vector.shape_cast %slice3A_400 : vector<1x256x512xf32> to vector<256x512xf32>
    %select_n3A_402 = arith.select %eq3A_397, %squeeze3A_401, %select_n3A_383 : vector<256x512xi1>, vector<256x512xf32>
    %get3A_403 = arith.constant 18 : index
    %get3A_404 = memref.load %arg2[%get3A_403] : memref<19xf32, #tpu.memory_space<smem>>
    %ne3A_405 = arith.constant 0.000000e+00 : f32
    %ne3A_406 = arith.cmpf one, %get3A_404, %ne3A_405 : f32
    %div3A_407 = arith.divf %get3A_404, %add3A_65 : f32
    %sub3A_408 = arith.constant 1.000000e+00 : f32
    %sub3A_409 = arith.subf %sub3A_408, %div3A_407 : f32
    %jit3A_410 = arith.constant 0.000000e+00 : f32
    %select_n3A_411 = arith.select %ne3A_406, %sub3A_409, %jit3A_410 : f32
    %add3A_412 = arith.constant 1.000000e+00 : f32
    %add3A_413 = arith.addf %select_n3A_411, %add3A_412 : f32
    %eq3A_414 = arith.constant 18 : i32
    %eq3A_415 = vector.broadcast %eq3A_414 : i32 to vector<256x512xi32>
    %eq3A_416 = arith.cmpi eq, %get3A_9, %eq3A_415 : vector<256x512xi32>
    %broadcast_in_dim3A_417 = vector.broadcast %add3A_413 : f32 to vector<256x512xf32>
    %select_n3A_418 = arith.select %eq3A_416, %broadcast_in_dim3A_417, %select_n3A_399 : vector<256x512xi1>, vector<256x512xf32>
    %slice3A_419 = vector.extract_strided_slice %get3A_4 {offsets = [18, 0, 0], sizes = [1, 256, 512], strides = [1, 1, 1]} : vector<19x256x512xf32> to vector<1x256x512xf32>
    %squeeze3A_420 = vector.shape_cast %slice3A_419 : vector<1x256x512xf32> to vector<256x512xf32>
    %select_n3A_421 = arith.select %eq3A_416, %squeeze3A_420, %select_n3A_402 : vector<256x512xi1>, vector<256x512xf32>
    %sub3A_422 = arith.subf %select_n3A_421, %log3A : vector<256x512xf32>
    %mul3A = arith.mulf %select_n3A_418, %sub3A_422 : vector<256x512xf32>
    %reduce_sum3A_423 = vector.shape_cast %mul3A : vector<256x512xf32> to vector<1x256x512xf32>
    %reduce_sum3A_424 = arith.constant dense<0.000000e+00> : vector<1xf32>
    %reduce_sum3A_425 = vector.multi_reduction <add>, %reduce_sum3A_423, %reduce_sum3A_424 [1, 2] : vector<1x256x512xf32> to vector<1xf32>
    %reduce_sum3A_426 = vector.shape_cast %reduce_sum3A_425 : vector<1xf32> to vector<1x1x1xf32>
    %reduce_sum3A_427 = vector.extract %reduce_sum3A_426[0, 0, 0] : f32 from vector<1x1x1xf32>
    %reduce_sum3A_428 = vector.shape_cast %select_n3A_418 : vector<256x512xf32> to vector<1x256x512xf32>
    %reduce_sum3A_429 = arith.constant dense<0.000000e+00> : vector<1xf32>
    %reduce_sum3A_430 = vector.multi_reduction <add>, %reduce_sum3A_428, %reduce_sum3A_429 [1, 2] : vector<1x256x512xf32> to vector<1xf32>
    %reduce_sum3A_431 = vector.shape_cast %reduce_sum3A_430 : vector<1xf32> to vector<1x1x1xf32>
    %reduce_sum3A_432 = vector.extract %reduce_sum3A_431[0, 0, 0] : f32 from vector<1x1x1xf32>
    %eq3A_433 = arith.constant 0 : i32
    %eq3A_434 = arith.cmpi eq, %arg1, %eq3A_433 : i32
    %convert_element_type3A = arith.extui %eq3A_434 : i1 to i32
    %cond3A = arith.constant 0 : i32
    %cond3A_435 = arith.cmpi ne, %convert_element_type3A, %cond3A : i32
    scf.if %cond3A_435 {
      %swap3A = arith.constant 0 : index
      %swap3A_446 = memref.load %arg6[%swap3A] : memref<3xf32, #tpu.memory_space<smem>>
      memref.store %reduce_sum3A_427, %arg6[%swap3A] : memref<3xf32, #tpu.memory_space<smem>>
      %swap3A_447 = arith.constant 1 : index
      %swap3A_448 = memref.load %arg6[%swap3A_447] : memref<3xf32, #tpu.memory_space<smem>>
      memref.store %reduce_sum3A_432, %arg6[%swap3A_447] : memref<3xf32, #tpu.memory_space<smem>>
    } else {
    }
    %ne3A_436 = arith.constant 0 : i32
    %ne3A_437 = arith.cmpi ne, %arg1, %ne3A_436 : i32
    %convert_element_type3A_438 = arith.extui %ne3A_437 : i1 to i32
    %cond3A_439 = arith.constant 0 : i32
    %cond3A_440 = arith.cmpi ne, %convert_element_type3A_438, %cond3A_439 : i32
    scf.if %cond3A_440 {
      %get3A_446 = arith.constant 0 : index
      %get3A_447 = memref.load %arg6[%get3A_446] : memref<3xf32, #tpu.memory_space<smem>>
      %add3A_448 = arith.addf %get3A_447, %reduce_sum3A_427 : f32
      %swap3A = arith.constant 0 : index
      %swap3A_449 = memref.load %arg6[%swap3A] : memref<3xf32, #tpu.memory_space<smem>>
      memref.store %add3A_448, %arg6[%swap3A] : memref<3xf32, #tpu.memory_space<smem>>
      %get3A_450 = arith.constant 1 : index
      %get3A_451 = memref.load %arg6[%get3A_450] : memref<3xf32, #tpu.memory_space<smem>>
      %add3A_452 = arith.addf %get3A_451, %reduce_sum3A_432 : f32
      %swap3A_453 = arith.constant 1 : index
      %swap3A_454 = memref.load %arg6[%swap3A_453] : memref<3xf32, #tpu.memory_space<smem>>
      memref.store %add3A_452, %arg6[%swap3A_453] : memref<3xf32, #tpu.memory_space<smem>>
    } else {
    }
    %eq3A_441 = arith.constant 1 : i32
    %eq3A_442 = arith.cmpi eq, %arg1, %eq3A_441 : i32
    %convert_element_type3A_443 = arith.extui %eq3A_442 : i1 to i32
    %cond3A_444 = arith.constant 0 : i32
    %cond3A_445 = arith.cmpi ne, %convert_element_type3A_443, %cond3A_444 : i32
    scf.if %cond3A_445 {
      %get3A_446 = arith.constant 0 : index
      %get3A_447 = memref.load %arg6[%get3A_446] : memref<3xf32, #tpu.memory_space<smem>>
      %neg3A = arith.constant 0.000000e+00 : f32
      %neg3A_448 = arith.subf %neg3A, %get3A_447 : f32
      %get3A_449 = arith.constant 1 : index
      %get3A_450 = memref.load %arg6[%get3A_449] : memref<3xf32, #tpu.memory_space<smem>>
      %div3A_451 = arith.divf %neg3A_448, %get3A_450 : f32
      %eq3A_452 = arith.constant 0 : i32
      %eq3A_453 = arith.cmpi eq, %arg0, %eq3A_452 : i32
      %convert_element_type3A_454 = arith.extui %eq3A_453 : i1 to i32
      %cond3A_455 = arith.constant 0 : i32
      %cond3A_456 = arith.cmpi ne, %convert_element_type3A_454, %cond3A_455 : i32
      scf.if %cond3A_456 {
        %swap3A = arith.constant 2 : index
        %swap3A_467 = memref.load %arg6[%swap3A] : memref<3xf32, #tpu.memory_space<smem>>
        memref.store %div3A_451, %arg6[%swap3A] : memref<3xf32, #tpu.memory_space<smem>>
      } else {
      }
      %ne3A_457 = arith.constant 0 : i32
      %ne3A_458 = arith.cmpi ne, %arg0, %ne3A_457 : i32
      %convert_element_type3A_459 = arith.extui %ne3A_458 : i1 to i32
      %cond3A_460 = arith.constant 0 : i32
      %cond3A_461 = arith.cmpi ne, %convert_element_type3A_459, %cond3A_460 : i32
      scf.if %cond3A_461 {
        %get3A_467 = arith.constant 2 : index
        %get3A_468 = memref.load %arg6[%get3A_467] : memref<3xf32, #tpu.memory_space<smem>>
        %add3A_469 = arith.addf %get3A_468, %div3A_451 : f32
        %swap3A = arith.constant 2 : index
        %swap3A_470 = memref.load %arg6[%swap3A] : memref<3xf32, #tpu.memory_space<smem>>
        memref.store %add3A_469, %arg6[%swap3A] : memref<3xf32, #tpu.memory_space<smem>>
      } else {
      }
      %eq3A_462 = arith.constant 7 : i32
      %eq3A_463 = arith.cmpi eq, %arg0, %eq3A_462 : i32
      %convert_element_type3A_464 = arith.extui %eq3A_463 : i1 to i32
      %cond3A_465 = arith.constant 0 : i32
      %cond3A_466 = arith.cmpi ne, %convert_element_type3A_464, %cond3A_465 : i32
      scf.if %cond3A_466 {
        %get3A_467 = arith.constant 2 : index
        %get3A_468 = memref.load %arg6[%get3A_467] : memref<3xf32, #tpu.memory_space<smem>>
        %swap3A = arith.constant 0 : index
        %swap3A_469 = memref.load %arg5[%swap3A] : memref<1xf32, #tpu.memory_space<smem>>
        memref.store %get3A_468, %arg5[%swap3A] : memref<1xf32, #tpu.memory_space<smem>>
      } else {
      }
    } else {
    }
    return
  }
  func.func @transform_0(%arg0: i32, %arg1: i32) -> i32 {
    %c0_i32 = arith.constant 0 : i32
    %c0_i32_0 = arith.constant 0 : i32
    return %c0_i32 : i32
  }
  func.func @transform_1(%arg0: i32, %arg1: i32) -> (i32, i32, i32, i32) {
    %c0_i32 = arith.constant 0 : i32
    %c0_i32_0 = arith.constant 0 : i32
    %c0_i32_1 = arith.constant 0 : i32
    return %arg0, %c0_i32, %arg1, %c0_i32_0 : i32, i32, i32, i32
  }
  func.func @transform_2(%arg0: i32, %arg1: i32) -> (i32, i32, i32) {
    %c0_i32 = arith.constant 0 : i32
    %c0_i32_0 = arith.constant 0 : i32
    return %arg0, %arg1, %c0_i32 : i32, i32, i32
  }
  func.func @transform_3(%arg0: i32, %arg1: i32) -> i32 {
    %c0_i32 = arith.constant 0 : i32
    %c0_i32_0 = arith.constant 0 : i32
    return %c0_i32 : i32
  }
}

</mosaic_0001>

<sc_bundles>
// kernel: kernel.4.cloned.1.call-start
scs
__scs_entry_jumppad:
0x0: {  	(pc) =	sbr.rel $0x88, $3  }
0x1: {  	(tag) =	ssettag $0x0;
	lr =	simm.s32 $0x1  }
0x2: {  	[smem:$0x3F9F] =	sst lr;
	_ =	strace $0xD0000000  }
0x3: {  	_ = 	snop  }
0x4: {  	_ = 	snop  }
0x5: {  	_ = 	snop  }
0x6: {  	_ = 	snop  }
0x7: {  	_ = 	snop  }
__scs_overlays_trampoline_lowered:
0x8: {  	[smem:$0x3FAE] =	sst s0  }
0x9: {  	[smem:$0x3FAF] =	sst s1  }
0xa: {  	[smem:$0x3FB0] =	sst s2  }
0xb: {  	[smem:$0x3FB1] =	sst s3  }
0xc: {  	[smem:$0x3FB2] =	sst s4  }
0xd: {  	[smem:$0x3FB3] =	sst s5  }
0xe: {  	[smem:$0x3FB4] =	sst s6  }
0xf: {  	[smem:$0x3FB5] =	sst s7  }
0x10: {  	[smem:$0x3FB6] =	sst s8  }
0x11: {  	[smem:$0x3FB7] =	sst s9;
	s0 =	simm.s32 @!p0 $0x0  }
0x12: {  	s1 =	sld [smem:$0x3F9D];
	s0 =	simm.s32 @p0 $0x1  }
0x13: {  	[smem:$0x3FB8] =	sst s0;
	s0 =	simm.s32 @!p1 $0x0  }
0x14: {  	s2 =	sld [smem:$0x3F9C];
	s0 =	simm.s32 @p1 $0x1  }
0x15: {  	[smem:$0x3FB9] =	sst s0;
	s0 =	simm.s32 @!p2 $0x0  }
0x16: {  	s3 =	sld [smem:$0x3FDB];
	s0 =	simm.s32 @p2 $0x1  }
0x17: {  	s4 =	simm.s32 $0x1BF5;
	[smem:$0x3FBB] =	sst s0  }
0x18: {  	s0 =	sld [smem:$0x3F9E];
	_ =	swait.ge [sflag:s4], $0x0  }
0x19: {  	s7 =	sld [smem:$0x3F9F]  }
0x1a: {  	s8 =	sadd.s32 $0xFFFFE003, lr  }
0x1b: {  	s9 =	sadd.s32 $0xFFFFFEF7, lr;
	s5 =	simm.s32 $0xFFFFFFFF;
	p2 =	slt.u32 s8, $0xFFFFF086  }
0x1c: {  	p1 =	slt.u32 s9, $0xF7A;
	s5 =	simm.s32 @!p2 $0x0  }
0x1d: {  	s5 =	simm.s32 @p1 $0x1;
	p0 =	seq.s32 s7, s2  }
0x1e: {  	s7 =	smul.u32 @!p0 $0xF7A, s2;
	p2 =	seq.s32 @!p0 s5, $0x0  }
0x1f: {  	s9 =	smul.u32 $0xF7A, s1;
	s8 =	simm.s32 @!p0 $0x1BF5;
	p2 =	por !p2, p0  }
0x20: {  	[sflag:s8] =	ssyncset.s32 @!p0 $0xFFFFF086;
	s6 =	sadd.s32 @!p0 s3, s7;
	s7 =	simm.s32 @!p0 $0x108  }
0x21: {  	s3 =	sadd.s32 s3, s9;
	s6 =	sadd.s32 @!p0 $0x88, s6;
	s7 =	simm.s32 @p2 $0x1082  }
0x22: {  	[simem:s7], [sflag:s8] =	dma.local @!p0 [hbm:s6], $0xF7A  }
0x23: {  	s9 =	sor.u32 $0xD0000000, s2;
	s6 =	simm.s32 $0x108;
	_ =	swait.ge @!p0 [sflag:s8], $0x0  }
0x24: {  	s3 =	sadd.s32 $0x88, s3;
	s6 =	simm.s32 @!p1 $0x1082;
	[sflag:s4] =	ssyncset.s32 $0xFFFFF086  }
0x25: {  	[simem:s6], [sflag:s4] =	dma.local [hbm:s3], $0xF7A  }
0x26: {  	[smem:$0x3F9F] =	sst s1;
	(tag) =	ssettag s2;
	_ =	strace s9  }
0x27: {  	s1 =	sld [smem:$0x3FAF]  }
0x28: {  	s2 =	sld [smem:$0x3FB0]  }
0x29: {  	s4 =	sld [smem:$0x3FB2]  }
0x2a: {  	p0 =	seq.s32 s5, $0x0;
	s5 =	sld [smem:$0x3FB3]  }
0x2b: {  	s6 =	sld [smem:$0x3FB4]  }
0x2c: {  	s7 =	sld [smem:$0x3FB5]  }
0x2d: {  	s3 =	simm.s32 $0x108;
	s8 =	sld [smem:$0x3FB6]  }
0x2e: {  	s3 =	simm.s32 @!p0 $0x1082;
	s9 =	sld [smem:$0x3FB7]  }
0x2f: {  	lr =	sadd.s32 s0, s3;
	s0 =	sld [smem:$0x3FAE]  }
0x30: {  	s3 =	sld [smem:$0x3FB1]  }
0x31: {  	[smem:$0x3FBA] =	sst s10  }
0x32: {  	s10 =	sld [smem:$0x3FB8];
	_ =	sdelay $0x3  }
0x33: {  	p0 =	seq.s32 s10, $0x1;
	s10 =	sld [smem:$0x3FBA];
	_ =	sdelay $0x3  }
0x34: {  	[smem:$0x3FBA] =	sst s10  }
0x35: {  	s10 =	sld [smem:$0x3FB9];
	_ =	sdelay $0x3  }
0x36: {  	p1 =	seq.s32 s10, $0x1;
	s10 =	sld [smem:$0x3FBA];
	_ =	sdelay $0x3  }
0x37: {  	[smem:$0x3FBA] =	sst s10  }
0x38: {  	s10 =	sld [smem:$0x3FBB]  }
0x39: {  	_ = 	snop;
	(pc) =	sbr.ind lr, $3  }
0x3a: {  	_ = 	snop  }
0x3b: {  	_ = 	snop  }
0x3c: {  	p2 =	seq.s32 s10, $0x1;
	s10 =	sld [smem:$0x3FBA]  }
0x3d: {  	_ =	shalt  }
0x3e: {  	_ =	shalt  }
0x3f: {  	_ =	shalt  }
0x40: {  	_ =	shalt  }
0x41: {  	_ =	shalt  }
0x42: {  	_ =	shalt  }
0x43: {  	_ =	shalt  }
0x44: {  	_ =	shalt  }
0x45: {  	_ =	shalt  }
0x46: {  	_ =	shalt  }
0x47: {  	_ =	shalt  }
0x48: {  	_ =	shalt  }
0x49: {  	_ =	shalt  }
0x4a: {  	_ =	shalt  }
0x4b: {  	_ =	shalt  }
0x4c: {  	_ =	shalt  }
0x4d: {  	_ =	shalt  }
0x4e: {  	_ =	shalt  }
0x4f: {  	_ =	shalt  }
0x50: {  	_ =	shalt  }
0x51: {  	_ =	shalt  }
0x52: {  	_ =	shalt  }
0x53: {  	_ =	shalt  }
0x54: {  	_ =	shalt  }
0x55: {  	_ =	shalt  }
0x56: {  	_ =	shalt  }
0x57: {  	_ =	shalt  }
0x58: {  	_ =	shalt  }
0x59: {  	_ =	shalt  }
0x5a: {  	_ =	shalt  }
0x5b: {  	_ =	shalt  }
0x5c: {  	_ =	shalt  }
0x5d: {  	_ =	shalt  }
0x5e: {  	_ =	shalt  }
0x5f: {  	_ =	shalt  }
0x60: {  	_ =	shalt  }
0x61: {  	_ =	shalt  }
0x62: {  	_ =	shalt  }
0x63: {  	_ =	shalt  }
0x64: {  	_ =	shalt  }
0x65: {  	_ =	shalt  }
0x66: {  	_ =	shalt  }
0x67: {  	_ =	shalt  }
0x68: {  	_ =	shalt  }
0x69: {  	_ =	shalt  }
0x6a: {  	_ =	shalt  }
0x6b: {  	_ =	shalt  }
0x6c: {  	_ =	shalt  }
0x6d: {  	_ =	shalt  }
0x6e: {  	_ =	shalt  }
0x6f: {  	_ =	shalt  }
0x70: {  	_ =	shalt  }
0x71: {  	_ =	shalt  }
0x72: {  	_ =	shalt  }
0x73: {  	_ =	shalt  }
0x74: {  	_ =	shalt  }
0x75: {  	_ =	shalt  }
0x76: {  	_ =	shalt  }
0x77: {  	_ =	shalt  }
0x78: {  	_ =	shalt  }
0x79: {  	_ =	shalt  }
0x7a: {  	_ =	shalt  }
0x7b: {  	_ =	shalt  }
0x7c: {  	_ =	shalt  }
0x7d: {  	_ =	shalt  }
0x7e: {  	_ =	shalt  }
0x7f: {  	_ =	shalt  }
0x80: {  	_ =	shalt  }
0x81: {  	_ =	shalt  }
0x82: {  	_ =	shalt  }
0x83: {  	_ =	shalt  }
0x84: {  	_ =	shalt  }
0x85: {  	_ =	shalt  }
0x86: {  	_ =	shalt  }
0x87: {  	_ =	shalt  }
.Lfunc_end0:
.L_simem_size_0:
called_computation_lowered:
.L_overlay_start_0:
0x88: {  	s2 =	sld [smem:$0x3FD9]  }
0x89: {  	s3 =	sld [smem:$0x3FFE];
	_ =	sdelay $0x1  }
0x8a: {  	s1 =	srdreg.scid  }
0x8b: {  	s0 =	sand.u32 $0x1, s1  }
0x8c: {  	s17 =	sshll.u32 s0, $0xA;
	s2 =	sadd.s32 s3, s2  }
0x8d: {  	s2 =	sadd.s32 s2, s17  }
0x8e: {  	[smem:$0x3FC6] =	sst s2  }
0x8f: {  	_ = 	snop  }
0x90: {  	s2 =	sld [smem:$0x3FC8];
	(tm) =	ssettm $0x1  }
0x91: {  	s18 =	sld [smem:$0x3FFB];
	_ =	sdelay $0x3  }
0x92: {  	_ =	strace s18  }
0x93: {  	s3 =	sld [smem:$0x3FFC];
	_ =	sdelay $0x3  }
0x94: {  	_ =	strace s3  }
0x95: {  	s3 =	sld [smem:$0x3FFD];
	_ =	sdelay $0x3  }
0x96: {  	_ =	strace s3  }
0x97: {  	_ =	strace $0x8FFFFFFF  }
0x98: {  	s19 =	sld [smem:$0x3FDB];
	_ =	sdelay $0x1  }
0x99: {  	s4 =	simm.s32 $_scs_section_size  }
0x9a: {  	s5 =	simm.s32 $_size__tile_overlayer_lowered;
	s6 =	simm.s32 $_tile_overlayer_lowered  }
0x9b: {  	s22 =	simm.s32 $0x1BFF;
	s21 =	sshll.u32 s6, $0x1;
	s3 =	sadd.s32 s4, s19  }
0x9c: {  	s7 =	simm.s32 $0x0;
	s20 =	sshll.u32 s5, $0x1;
	s5 =	sadd.s32 s21, s3  }
0x9d: {  	[timem:s7], [sflag:s22] =	dma.local [hbm:s5], s20  }
0x9e: {  	_ =	swait.ge [sflag:s22], s20  }
0x9f: {  	s4 =	ssub.s32 $0x0, s20;
	[sflag:s22] =	ssyncset.done $0x0  }
0xa0: {  	[sflag:s22] =	ssyncadd.s32 s4;
	_ =	sdelay $0x1  }
0xa1: {  	s23 =	simm.s32 $0x1B8B  }
0xa2: {  	_ =	swait.ge [sflag:s23], $0x1  }
0xa3: {  	[sflag:s23] =	ssyncset.done $0x0  }
0xa4: {  	s25 =	simm.s32 $0x1B8E;
	s24 =	sld [smem:$0x3FFE];
	[sflag:s23] =	ssyncadd.s32 $0xFFFFFFFF  }
0xa5: {  	s26 =	simm.s32 $execute0_lowered;
	[smem:$0x3FD2] =	sst s25  }
0xa6: {  	s5 =	sshll.u32 s26, $0x1;
	_ =	strace $0x80000046;
	[dreg:$0x1] =	wrdreg $0xFFFFFFFF  }
0xa7: {  	s28 =	simm.s32 $_size_execute0_lowered;
	s3 =	sadd.s32 s3, s5;
	[dreg:$0x0] =	wrdreg $0x0  }
0xa8: {  	s5 =	sshll.u32 s28, $0x1;
	[dreg:$0x2] =	wrdreg s3  }
0xa9: {  	[dreg:$0x3] =	wrdreg s5  }
0xaa: {  	[dreg:$0x4] =	wrdreg $0xC0  }
0xab: {  	_ =	task [dreg:s7], $0x5FFFF  }
0xac: {  	[dreg:$0x1] =	wrdreg $0xFFFFFFFF  }
0xad: {  	[dreg:$0x0] =	wrdreg $0x60  }
0xae: {  	[dreg:$0x2] =	wrdreg s2  }
0xaf: {  	[dreg:$0x3] =	wrdreg s24  }
0xb0: {  	[dreg:$0x4] =	wrdreg $0x9  }
0xb1: {  	_ =	task.clear_ibuf [dreg:s7], $0x5FFFF;
	_ =	strace $0x90000046  }
0xb2: {  	s29 =	simm.s32 $0x9;
	_ =	strace $0x80000048  }
0xb3: {  	_ =	swait.ge [sflag:s29], $0x1  }
0xb4: {  	[sflag:s29] =	ssyncadd.s32 $0xFFFFFFFF  }
0xb5: {  	_ =	strace $0x90000048  }
0xb6: {  	_ =	sfence  }
0xb7: {  	s30 =	sld [smem:$0x0];
	_ =	sdelay $0x2  }
0xb8: {  	s31 =	sshll.u32 s1, $0xD;
	s1 =	sshrl.u32 s1, $0x2  }
0xb9: {  	s3 =	sand.u32 $0x4000, s31;
	s1 =	sadd.s32 s1, s30  }
0xba: {  	s0 =	sor.u32 s3, s0;
	s1 =	sshll.u32 s1, $0x11  }
0xbb: {  	s0 =	sor.u32 s1, s0  }
0xbc: {  	s0 =	sadd.s32 $0x8F2B, s0  }
0xbd: {  	[sflag:s0] =	ssyncadd.remote.s32 $0x1  }
0xbe: {  	_ =	sfence.sel $0xFFFF  }
0xbf: {  	[dreg:$0x0] =	wrdreg $0xFFFFFFFF;
	(pc) =	sbr.abs _section_cstart, $3  }
0xc0: {  	[dreg:$0x1] =	wrdreg $0xFFFFFFFF  }
0xc1: {  	_ =	task.clear_ibuf [dreg:s7], $0x2FFFF;
	_ =	strace $0x9FFFFFFF  }
0xc2: {  	(tm) =	ssettm $0x7FFFFFFF  }
0xc3: {  	_ =	shalt  }
tec
execute0_lowered:
.L_overlay_start_1:
0x0: {  	(tag) =	ssettag $0x1  }
0x1: {  	s3 =	rddreg [dreg:$0x0]  }
0x2: {  	s4 =	rddreg [dreg:$0x1]  }
0x3: {  	s0 =	rddreg [dreg:$0x2];
	s2 =	simm.s32 $0x0  }
0x4: {  	s5 =	srdreg.scid;
	s1 =	stileid.u32;
	s10 =	simm.s32 $0x10500  }
0x5: {  	s11 =	simm.s32 $0x0;
	[smem:$0x7FF] =	sst s2;
	s5 =	sand.u32 $0x1, s5  }
0x6: {  	s6 =	sshll.u32 s1, $0x1;
	s30 =	sshrl.u32 s1, $0x2;
	s31 =	sshll.u32 s1, $0xE  }
0x7: {  	_ =	strace $0x80000047;
	s7 =	ssub.s32 $0x2, s5;
	s5 =	sor.u32 s5, s6  }
0x8: {  	s6 =	smul.u32 $0xC00, s30;
	s8 =	sshrl.u32 s7, $0x1;
	s9 =	sshll.u32 s5, $0x7  }
0x9: {  	s5 =	sshll.u32 s5, $0xD;
	s7 =	ssub.s32 s7, s8;
	s9 =	sand.u32 $0x380, s9  }
0xa: {  	s8 =	sand.u32 $0x38000, s31;
	s5 =	sand.u32 $0x6000, s5;
	s6 =	sor.u32 s6, s9  }
0xb: {  	s3 =	sadd.s32 s3, s8;
	s8 =	simm.s32 $0x80;
	s9 =	simm.s32 $0x400  }
0xc: {  	v0 =	vimm.f32 $0.0e+00;
	v1 =	vlaneseq.u32;
	v2 =	vimm.f32 $1.000000000e+00;
	s6 =	sshrl.u32 s6, $0x3;
	s3 =	sadd.s32 s5, s3;
	s5 =	smax.u32 s7, $0x1  }
0xd: {  	v3 =	vor.u32 $0x130, v1;
	v4 =	vor.u32 $0x260, v1;
	v5 =	vor.u32 $0x390, v1;
	s7 =	simm.s32 $0x10000;
	s4 =	sadd.s32 s4, s6;
	s6 =	simm.s32 $0x1  }
.LBB2_1:
0xe: {  	[tilespmem:s2], [sflag:$0x1] =	stream.linear.gather [hbm4b:s3+s2], $0x10000, $0x38;
	[tilespmem:$0x10680] =	vst v63  }
0xf: {  	_ =	swait.ge [sflag:s6], $0x10000  }
0x10: {  	[sflag:s6] =	ssyncset.done $0x0  }
0x11: {  	[sflag:s6] =	ssyncadd.s32 $0xFFFF0000  }
0x12: {  	[tilespmem:$0x10000] =	vst v0  }
0x13: {  	[tilespmem:$0x10010] =	vst v0  }
0x14: {  	[tilespmem:$0x10020] =	vst v0  }
0x15: {  	[tilespmem:$0x10030] =	vst v0  }
0x16: {  	[tilespmem:$0x10040] =	vst v0  }
0x17: {  	[tilespmem:$0x10050] =	vst v0  }
0x18: {  	[tilespmem:$0x10060] =	vst v0  }
0x19: {  	[tilespmem:$0x10070] =	vst v0  }
0x1a: {  	[tilespmem:$0x10080] =	vst v0  }
0x1b: {  	[tilespmem:$0x10090] =	vst v0  }
0x1c: {  	[tilespmem:$0x100A0] =	vst v0  }
0x1d: {  	[tilespmem:$0x100B0] =	vst v0  }
0x1e: {  	[tilespmem:$0x100C0] =	vst v0  }
0x1f: {  	[tilespmem:$0x100D0] =	vst v0  }
0x20: {  	[tilespmem:$0x100E0] =	vst v0  }
0x21: {  	[tilespmem:$0x100F0] =	vst v0  }
0x22: {  	[tilespmem:$0x10100] =	vst v0  }
0x23: {  	[tilespmem:$0x10110] =	vst v0  }
0x24: {  	[tilespmem:$0x10120] =	vst v0  }
0x25: {  	[tilespmem:$0x10130] =	vst v0  }
0x26: {  	[tilespmem:$0x10140] =	vst v0  }
0x27: {  	[tilespmem:$0x10150] =	vst v0  }
0x28: {  	[tilespmem:$0x10160] =	vst v0  }
0x29: {  	[tilespmem:$0x10170] =	vst v0  }
0x2a: {  	[tilespmem:$0x10180] =	vst v0  }
0x2b: {  	[tilespmem:$0x10190] =	vst v0  }
0x2c: {  	[tilespmem:$0x101A0] =	vst v0  }
0x2d: {  	[tilespmem:$0x101B0] =	vst v0  }
0x2e: {  	[tilespmem:$0x101C0] =	vst v0  }
0x2f: {  	[tilespmem:$0x101D0] =	vst v0  }
0x30: {  	[tilespmem:$0x101E0] =	vst v0  }
0x31: {  	[tilespmem:$0x101F0] =	vst v0  }
0x32: {  	[tilespmem:$0x10200] =	vst v0  }
0x33: {  	[tilespmem:$0x10210] =	vst v0  }
0x34: {  	[tilespmem:$0x10220] =	vst v0  }
0x35: {  	[tilespmem:$0x10230] =	vst v0  }
0x36: {  	[tilespmem:$0x10240] =	vst v0  }
0x37: {  	[tilespmem:$0x10250] =	vst v0  }
0x38: {  	[tilespmem:$0x10260] =	vst v0  }
0x39: {  	[tilespmem:$0x10270] =	vst v0  }
0x3a: {  	[tilespmem:$0x10280] =	vst v0  }
0x3b: {  	[tilespmem:$0x10290] =	vst v0  }
0x3c: {  	[tilespmem:$0x102A0] =	vst v0  }
0x3d: {  	[tilespmem:$0x102B0] =	vst v0  }
0x3e: {  	[tilespmem:$0x102C0] =	vst v0  }
0x3f: {  	[tilespmem:$0x102D0] =	vst v0  }
0x40: {  	[tilespmem:$0x102E0] =	vst v0  }
0x41: {  	[tilespmem:$0x102F0] =	vst v0  }
0x42: {  	[tilespmem:$0x10300] =	vst v0  }
0x43: {  	[tilespmem:$0x10310] =	vst v0  }
0x44: {  	[tilespmem:$0x10320] =	vst v0  }
0x45: {  	[tilespmem:$0x10330] =	vst v0  }
0x46: {  	[tilespmem:$0x10340] =	vst v0  }
0x47: {  	[tilespmem:$0x10350] =	vst v0  }
0x48: {  	[tilespmem:$0x10360] =	vst v0  }
0x49: {  	[tilespmem:$0x10370] =	vst v0  }
0x4a: {  	[tilespmem:$0x10380] =	vst v0  }
0x4b: {  	[tilespmem:$0x10390] =	vst v0  }
0x4c: {  	[tilespmem:$0x103A0] =	vst v0  }
0x4d: {  	[tilespmem:$0x103B0] =	vst v0  }
0x4e: {  	[tilespmem:$0x103C0] =	vst v0  }
0x4f: {  	[tilespmem:$0x103D0] =	vst v0  }
0x50: {  	[tilespmem:$0x103E0] =	vst v0  }
0x51: {  	[tilespmem:$0x103F0] =	vst v0  }
0x52: {  	[tilespmem:$0x10400] =	vst v0  }
0x53: {  	[tilespmem:$0x10410] =	vst v0  }
0x54: {  	[tilespmem:$0x10420] =	vst v0  }
0x55: {  	[tilespmem:$0x10430] =	vst v0  }
0x56: {  	[tilespmem:$0x10440] =	vst v0  }
0x57: {  	[tilespmem:$0x10450] =	vst v0  }
0x58: {  	[tilespmem:$0x10460] =	vst v0  }
0x59: {  	[tilespmem:$0x10470] =	vst v0  }
0x5a: {  	[tilespmem:$0x10480] =	vst v0  }
0x5b: {  	[tilespmem:$0x10490] =	vst v0  }
0x5c: {  	s12 =	sand.u32 $0xF000, s2;
	s13 =	sand.u32 $0x380, s2;
	[tilespmem:$0x104A0] =	vst v0  }
0x5d: {  	s17 =	sor.u32 s13, s12;
	[tilespmem:$0x104B0] =	vst v0  }
0x5e: {  	v6 =	vld [tilespmem:s17+$0x0];
	_ =	sdelay $0x4  }
0x5f: {  	v6 =	vshll.u32 v6, $0x4  }
0x60: {  	v6 =	vor.u32 v1, v6;
	_ =	sdelay $0x4  }
0x61: {  	[tilespmem:v6+s7+$0x0] =	vst.idx.add.f32.msk $0xffff, v2  }
0x62: {  	v6 =	vld [tilespmem:s17+$0x10];
	_ =	sdelay $0x4  }
0x63: {  	v6 =	vshll.u32 v6, $0x4  }
0x64: {  	v6 =	vadd.s32 v3, v6;
	_ =	sdelay $0x4  }
0x65: {  	[tilespmem:v6+s7+$0x0] =	vst.idx.add.f32.msk $0xffff, v2  }
0x66: {  	v6 =	vld [tilespmem:s17+$0x20];
	_ =	sdelay $0x4  }
0x67: {  	v6 =	vshll.u32 v6, $0x4  }
0x68: {  	v6 =	vadd.s32 v4, v6;
	_ =	sdelay $0x4  }
0x69: {  	[tilespmem:v6+s7+$0x0] =	vst.idx.add.f32.msk $0xffff, v2  }
0x6a: {  	v6 =	vld [tilespmem:s17+$0x30];
	_ =	sdelay $0x4  }
0x6b: {  	v6 =	vshll.u32 v6, $0x4  }
0x6c: {  	v6 =	vadd.s32 v5, v6;
	_ =	sdelay $0x4  }
0x6d: {  	[tilespmem:v6+s7+$0x0] =	vst.idx.add.f32.msk $0xffff, v2  }
0x6e: {  	v6 =	vld [tilespmem:s17+$0x40];
	_ =	sdelay $0x4  }
0x6f: {  	v6 =	vshll.u32 v6, $0x4  }
0x70: {  	v6 =	vor.u32 v1, v6;
	_ =	sdelay $0x4  }
0x71: {  	[tilespmem:v6+s7+$0x0] =	vst.idx.add.f32.msk $0xffff, v2  }
0x72: {  	s24 =	simm.s32 $0x200;
	s25 =	simm.s32 $0x80;
	v6 =	vld [tilespmem:s17+$0x50]  }
0x73: {  	s12 =	sand.u32 $0xF000, s24;
	s13 =	sand.u32 $0x380, s25  }
0x74: {  	s12 =	sor.u32 s13, s12  }
0x75: {  	v7 =	vld [tilespmem:s12+$0x0];
	_ =	sdelay $0x1  }
0x76: {  	v6 =	vshll.u32 v6, $0x4  }
0x77: {  	v6 =	vadd.s32 v3, v6;
	_ =	sdelay $0x1  }
0x78: {  	v7 =	vshll.u32 v7, $0x4  }
0x79: {  	v7 =	vor.u32 v1, v7;
	_ =	sdelay $0x1  }
0x7a: {  	[tilespmem:v6+s7+$0x0] =	vst.idx.add.f32.msk $0xffff, v2  }
0x7b: {  	v6 =	vld [tilespmem:s17+$0x60];
	_ =	sdelay $0x1  }
0x7c: {  	[tilespmem:v7+s7+$0x0] =	vst.idx.add.f32.msk $0xffff, v2  }
0x7d: {  	v7 =	vld [tilespmem:s12+$0x10];
	_ =	sdelay $0x1  }
0x7e: {  	v6 =	vshll.u32 v6, $0x4  }
0x7f: {  	v6 =	vadd.s32 v4, v6;
	_ =	sdelay $0x1  }
0x80: {  	v7 =	vshll.u32 v7, $0x4  }
0x81: {  	v7 =	vadd.s32 v3, v7;
	_ =	sdelay $0x1  }
0x82: {  	[tilespmem:v6+s7+$0x0] =	vst.idx.add.f32.msk $0xffff, v2  }
0x83: {  	v6 =	vld [tilespmem:s17+$0x70];
	_ =	sdelay $0x1  }
0x84: {  	[tilespmem:v7+s7+$0x0] =	vst.idx.add.f32.msk $0xffff, v2  }
0x85: {  	v7 =	vld [tilespmem:s12+$0x20];
	_ =	sdelay $0x1  }
0x86: {  	v6 =	vshll.u32 v6, $0x4  }
0x87: {  	v6 =	vadd.s32 v5, v6;
	_ =	sdelay $0x1  }
0x88: {  	v7 =	vshll.u32 v7, $0x4  }
0x89: {  	v7 =	vadd.s32 v4, v7;
	_ =	sdelay $0x1  }
0x8a: {  	[tilespmem:v6+s7+$0x0] =	vst.idx.add.f32.msk $0xffff, v2  }
0x8b: {  	v6 =	vld [tilespmem:s17+$0x400];
	_ =	sdelay $0x1  }
0x8c: {  	s26 =	simm.s32 $0x400;
	s14 =	simm.s32 $0x100;
	[tilespmem:v7+s7+$0x0] =	vst.idx.add.f32.msk $0xffff, v2  }
0x8d: {  	s14 =	sand.u32 $0x380, s14;
	s13 =	sand.u32 $0xF000, s26;
	v7 =	vld [tilespmem:s12+$0x30]  }
0x8e: {  	s13 =	sor.u32 s14, s13  }
0x8f: {  	v8 =	vld [tilespmem:s13+$0x0];
	v6 =	vshll.u32 v6, $0x4  }
0x90: {  	v6 =	vor.u32 v1, v6;
	_ =	sdelay $0x1  }
0x91: {  	v7 =	vshll.u32 v7, $0x4  }
0x92: {  	v7 =	vadd.s32 v5, v7  }
0x93: {  	v8 =	vshll.u32 v8, $0x4  }
0x94: {  	v8 =	vor.u32 v1, v8;
	[tilespmem:v6+s7+$0x0] =	vst.idx.add.f32.msk $0xffff, v2  }
0x95: {  	v6 =	vld [tilespmem:s17+$0x410];
	_ =	sdelay $0x1  }
0x96: {  	[tilespmem:v7+s7+$0x0] =	vst.idx.add.f32.msk $0xffff, v2  }
0x97: {  	v7 =	vld [tilespmem:s12+$0x40]  }
0x98: {  	[tilespmem:v8+s7+$0x0] =	vst.idx.add.f32.msk $0xffff, v2  }
0x99: {  	v8 =	vld [tilespmem:s13+$0x10];
	v6 =	vshll.u32 v6, $0x4  }
0x9a: {  	v6 =	vadd.s32 v3, v6;
	_ =	sdelay $0x1  }
0x9b: {  	v7 =	vshll.u32 v7, $0x4  }
0x9c: {  	v7 =	vor.u32 v1, v7  }
0x9d: {  	v8 =	vshll.u32 v8, $0x4  }
0x9e: {  	v8 =	vadd.s32 v3, v8;
	[tilespmem:v6+s7+$0x0] =	vst.idx.add.f32.msk $0xffff, v2  }
0x9f: {  	v6 =	vld [tilespmem:s17+$0x420];
	_ =	sdelay $0x1  }
0xa0: {  	[tilespmem:v7+s7+$0x0] =	vst.idx.add.f32.msk $0xffff, v2  }
0xa1: {  	v7 =	vld [tilespmem:s12+$0x50]  }
0xa2: {  	[tilespmem:v8+s7+$0x0] =	vst.idx.add.f32.msk $0xffff, v2  }
0xa3: {  	v8 =	vld [tilespmem:s13+$0x20];
	v6 =	vshll.u32 v6, $0x4  }
0xa4: {  	v6 =	vadd.s32 v4, v6;
	_ =	sdelay $0x1  }
0xa5: {  	v7 =	vshll.u32 v7, $0x4  }
0xa6: {  	v7 =	vadd.s32 v3, v7  }
0xa7: {  	v8 =	vshll.u32 v8, $0x4  }
0xa8: {  	v8 =	vadd.s32 v4, v8;
	[tilespmem:v6+s7+$0x0] =	vst.idx.add.f32.msk $0xffff, v2  }
0xa9: {  	v6 =	vld [tilespmem:s17+$0x430];
	_ =	sdelay $0x1  }
0xaa: {  	[tilespmem:v7+s7+$0x0] =	vst.idx.add.f32.msk $0xffff, v2  }
0xab: {  	v7 =	vld [tilespmem:s12+$0x60]  }
0xac: {  	[tilespmem:v8+s7+$0x0] =	vst.idx.add.f32.msk $0xffff, v2  }
0xad: {  	v8 =	vld [tilespmem:s13+$0x30];
	v6 =	vshll.u32 v6, $0x4  }
0xae: {  	v6 =	vadd.s32 v5, v6;
	_ =	sdelay $0x1  }
0xaf: {  	v7 =	vshll.u32 v7, $0x4  }
0xb0: {  	v7 =	vadd.s32 v4, v7  }
0xb1: {  	v8 =	vshll.u32 v8, $0x4  }
0xb2: {  	v8 =	vadd.s32 v5, v8;
	[tilespmem:v6+s7+$0x0] =	vst.idx.add.f32.msk $0xffff, v2  }
0xb3: {  	v6 =	vld [tilespmem:s17+$0x440];
	_ =	sdelay $0x1  }
0xb4: {  	[tilespmem:v7+s7+$0x0] =	vst.idx.add.f32.msk $0xffff, v2  }
0xb5: {  	v7 =	vld [tilespmem:s12+$0x70]  }
0xb6: {  	[tilespmem:v8+s7+$0x0] =	vst.idx.add.f32.msk $0xffff, v2  }
0xb7: {  	v8 =	vld [tilespmem:s13+$0x40];
	v6 =	vshll.u32 v6, $0x4  }
0xb8: {  	v6 =	vor.u32 v1, v6;
	_ =	sdelay $0x1  }
0xb9: {  	v7 =	vshll.u32 v7, $0x4  }
0xba: {  	v7 =	vadd.s32 v5, v7  }
0xbb: {  	v8 =	vshll.u32 v8, $0x4  }
0xbc: {  	v8 =	vor.u32 v1, v8;
	[tilespmem:v6+s7+$0x0] =	vst.idx.add.f32.msk $0xffff, v2  }
0xbd: {  	v6 =	vld [tilespmem:s17+$0x450];
	_ =	sdelay $0x1  }
0xbe: {  	[tilespmem:v7+s7+$0x0] =	vst.idx.add.f32.msk $0xffff, v2  }
0xbf: {  	v7 =	vld [tilespmem:s12+$0x400]  }
0xc0: {  	[tilespmem:v8+s7+$0x0] =	vst.idx.add.f32.msk $0xffff, v2  }
0xc1: {  	v8 =	vld [tilespmem:s13+$0x50];
	v6 =	vshll.u32 v6, $0x4  }
0xc2: {  	v6 =	vadd.s32 v3, v6;
	_ =	sdelay $0x1  }
0xc3: {  	v7 =	vshll.u32 v7, $0x4  }
0xc4: {  	v7 =	vor.u32 v1, v7  }
0xc5: {  	v8 =	vshll.u32 v8, $0x4  }
0xc6: {  	v8 =	vadd.s32 v3, v8;
	[tilespmem:v6+s7+$0x0] =	vst.idx.add.f32.msk $0xffff, v2  }
0xc7: {  	v6 =	vld [tilespmem:s17+$0x460];
	_ =	sdelay $0x1  }
0xc8: {  	[tilespmem:v7+s7+$0x0] =	vst.idx.add.f32.msk $0xffff, v2  }
0xc9: {  	v7 =	vld [tilespmem:s12+$0x410]  }
0xca: {  	[tilespmem:v8+s7+$0x0] =	vst.idx.add.f32.msk $0xffff, v2  }
0xcb: {  	v8 =	vld [tilespmem:s13+$0x60];
	v6 =	vshll.u32 v6, $0x4  }
0xcc: {  	v6 =	vadd.s32 v4, v6;
	_ =	sdelay $0x1  }
0xcd: {  	v7 =	vshll.u32 v7, $0x4  }
0xce: {  	v7 =	vadd.s32 v3, v7  }
0xcf: {  	v8 =	vshll.u32 v8, $0x4  }
0xd0: {  	v8 =	vadd.s32 v4, v8;
	[tilespmem:v6+s7+$0x0] =	vst.idx.add.f32.msk $0xffff, v2  }
0xd1: {  	v6 =	vld [tilespmem:s17+$0x470];
	_ =	sdelay $0x1  }
0xd2: {  	[tilespmem:v7+s7+$0x0] =	vst.idx.add.f32.msk $0xffff, v2  }
0xd3: {  	v7 =	vld [tilespmem:s12+$0x420]  }
0xd4: {  	[tilespmem:v8+s7+$0x0] =	vst.idx.add.f32.msk $0xffff, v2  }
0xd5: {  	v8 =	vld [tilespmem:s13+$0x70];
	v6 =	vshll.u32 v6, $0x4  }
0xd6: {  	s28 =	simm.s32 $0x600;
	s15 =	simm.s32 $0x180;
	v6 =	vadd.s32 v5, v6  }
0xd7: {  	s15 =	sand.u32 $0x380, s15;
	s14 =	sand.u32 $0xF000, s28  }
0xd8: {  	s14 =	sor.u32 s15, s14;
	v7 =	vshll.u32 v7, $0x4  }
0xd9: {  	v9 =	vld [tilespmem:s14+$0x0];
	v7 =	vadd.s32 v4, v7  }
0xda: {  	v8 =	vshll.u32 v8, $0x4  }
0xdb: {  	v8 =	vadd.s32 v5, v8;
	[tilespmem:v6+s7+$0x0] =	vst.idx.add.f32.msk $0xffff, v2  }
0xdc: {  	v6 =	vld [tilespmem:s17+$0x800];
	_ =	sdelay $0x1  }
0xdd: {  	[tilespmem:v7+s7+$0x0] =	vst.idx.add.f32.msk $0xffff, v2;
	v7 =	vshll.u32 v9, $0x4  }
0xde: {  	v9 =	vld [tilespmem:s12+$0x430];
	v7 =	vor.u32 v1, v7  }
0xdf: {  	[tilespmem:v8+s7+$0x0] =	vst.idx.add.f32.msk $0xffff, v2  }
0xe0: {  	v8 =	vld [tilespmem:s13+$0x400];
	v6 =	vshll.u32 v6, $0x4  }
0xe1: {  	v6 =	vor.u32 v1, v6;
	_ =	sdelay $0x1  }
0xe2: {  	v9 =	vshll.u32 v9, $0x4;
	[tilespmem:v7+s7+$0x0] =	vst.idx.add.f32.msk $0xffff, v2  }
0xe3: {  	v7 =	vadd.s32 v5, v9;
	v9 =	vld [tilespmem:s14+$0x10]  }
0xe4: {  	v8 =	vshll.u32 v8, $0x4  }
0xe5: {  	v8 =	vor.u32 v1, v8;
	[tilespmem:v6+s7+$0x0] =	vst.idx.add.f32.msk $0xffff, v2  }
0xe6: {  	v6 =	vld [tilespmem:s17+$0x810];
	_ =	sdelay $0x1  }
0xe7: {  	[tilespmem:v7+s7+$0x0] =	vst.idx.add.f32.msk $0xffff, v2;
	v7 =	vshll.u32 v9, $0x4  }
0xe8: {  	v9 =	vld [tilespmem:s12+$0x440];
	v7 =	vadd.s32 v3, v7  }
0xe9: {  	[tilespmem:v8+s7+$0x0] =	vst.idx.add.f32.msk $0xffff, v2  }
0xea: {  	v8 =	vld [tilespmem:s13+$0x410];
	v6 =	vshll.u32 v6, $0x4  }
0xeb: {  	v6 =	vadd.s32 v3, v6;
	_ =	sdelay $0x1  }
0xec: {  	v9 =	vshll.u32 v9, $0x4;
	[tilespmem:v7+s7+$0x0] =	vst.idx.add.f32.msk $0xffff, v2  }
0xed: {  	v7 =	vor.u32 v1, v9;
	v9 =	vld [tilespmem:s14+$0x20]  }
0xee: {  	v8 =	vshll.u32 v8, $0x4  }
0xef: {  	v8 =	vadd.s32 v3, v8;
	[tilespmem:v6+s7+$0x0] =	vst.idx.add.f32.msk $0xffff, v2  }
0xf0: {  	v6 =	vld [tilespmem:s17+$0x820];
	_ =	sdelay $0x1  }
0xf1: {  	[tilespmem:v7+s7+$0x0] =	vst.idx.add.f32.msk $0xffff, v2;
	v7 =	vshll.u32 v9, $0x4  }
0xf2: {  	v9 =	vld [tilespmem:s12+$0x450];
	v7 =	vadd.s32 v4, v7  }
0xf3: {  	[tilespmem:v8+s7+$0x0] =	vst.idx.add.f32.msk $0xffff, v2  }
0xf4: {  	v8 =	vld [tilespmem:s13+$0x420];
	v6 =	vshll.u32 v6, $0x4  }
0xf5: {  	v6 =	vadd.s32 v4, v6  }
0xf6: {  	s29 =	simm.s32 $0x800;
	s16 =	simm.s32 $0x200  }
0xf7: {  	s16 =	sand.u32 $0x380, s16;
	s15 =	sand.u32 $0xF000, s29;
	v9 =	vshll.u32 v9, $0x4;
	[tilespmem:v7+s7+$0x0] =	vst.idx.add.f32.msk $0xffff, v2  }
0xf8: {  	s15 =	sor.u32 s16, s15;
	v7 =	vadd.s32 v3, v9;
	v9 =	vld [tilespmem:s14+$0x30]  }
0xf9: {  	v10 =	vld [tilespmem:s15+$0x0];
	v8 =	vshll.u32 v8, $0x4  }
0xfa: {  	v8 =	vadd.s32 v4, v8;
	[tilespmem:v6+s7+$0x0] =	vst.idx.add.f32.msk $0xffff, v2  }
0xfb: {  	v6 =	vld [tilespmem:s17+$0x830];
	_ =	sdelay $0x1  }
0xfc: {  	[tilespmem:v7+s7+$0x0] =	vst.idx.add.f32.msk $0xffff, v2;
	v7 =	vshll.u32 v9, $0x4  }
0xfd: {  	v9 =	vld [tilespmem:s12+$0x460];
	v7 =	vadd.s32 v5, v7  }
0xfe: {  	[tilespmem:v8+s7+$0x0] =	vst.idx.add.f32.msk $0xffff, v2;
	v8 =	vshll.u32 v10, $0x4  }
0xff: {  	v8 =	vor.u32 v1, v8;
	v6 =	vshll.u32 v6, $0x4  }
0x100: {  	v6 =	vadd.s32 v5, v6  }
0x101: {  	v10 =	vld [tilespmem:s13+$0x430]  }
0x102: {  	v9 =	vshll.u32 v9, $0x4;
	[tilespmem:v7+s7+$0x0] =	vst.idx.add.f32.msk $0xffff, v2  }
0x103: {  	v7 =	vadd.s32 v4, v9;
	v9 =	vld [tilespmem:s14+$0x40]  }
0x104: {  	[tilespmem:v8+s7+$0x0] =	vst.idx.add.f32.msk $0xffff, v2  }
0x105: {  	[tilespmem:v6+s7+$0x0] =	vst.idx.add.f32.msk $0xffff, v2  }
0x106: {  	v10 =	vshll.u32 v10, $0x4;
	v6 =	vld [tilespmem:s17+$0x840]  }
0x107: {  	v8 =	vadd.s32 v5, v10;
	v10 =	vld [tilespmem:s15+$0x10]  }
0x108: {  	[tilespmem:v7+s7+$0x0] =	vst.idx.add.f32.msk $0xffff, v2;
	v7 =	vshll.u32 v9, $0x4  }
0x109: {  	v9 =	vld [tilespmem:s12+$0x470];
	v7 =	vor.u32 v1, v7;
	_ =	sdelay $0x1  }
0x10a: {  	v6 =	vshll.u32 v6, $0x4  }
0x10b: {  	[tilespmem:v8+s7+$0x0] =	vst.idx.add.f32.msk $0xffff, v2;
	v6 =	vor.u32 v1, v6  }
0x10c: {  	v8 =	vshll.u32 v10, $0x4;
	v10 =	vld [tilespmem:s13+$0x440]  }
0x10d: {  	v8 =	vadd.s32 v3, v8;
	v9 =	vshll.u32 v9, $0x4;
	[tilespmem:v7+s7+$0x0] =	vst.idx.add.f32.msk $0xffff, v2  }
0x10e: {  	v7 =	vadd.s32 v5, v9;
	v9 =	vld [tilespmem:s14+$0x50];
	_ =	sdelay $0x1  }
0x10f: {  	[tilespmem:v6+s7+$0x0] =	vst.idx.add.f32.msk $0xffff, v2  }
0x110: {  	v6 =	vld [tilespmem:s17+$0x850]  }
0x111: {  	v10 =	vshll.u32 v10, $0x4;
	[tilespmem:v8+s7+$0x0] =	vst.idx.add.f32.msk $0xffff, v2  }
0x112: {  	v8 =	vor.u32 v1, v10;
	[tilespmem:v7+s7+$0x0] =	vst.idx.add.f32.msk $0xffff, v2;
	v7 =	vshll.u32 v9, $0x4  }
0x113: {  	v7 =	vadd.s32 v3, v7;
	v9 =	vld [tilespmem:s12+$0x800];
	_ =	sdelay $0x1  }
0x114: {  	v10 =	vld [tilespmem:s15+$0x20];
	v6 =	vshll.u32 v6, $0x4  }
0x115: {  	v6 =	vadd.s32 v3, v6  }
0x116: {  	[tilespmem:v8+s7+$0x0] =	vst.idx.add.f32.msk $0xffff, v2  }
0x117: {  	[tilespmem:v7+s7+$0x0] =	vst.idx.add.f32.msk $0xffff, v2;
	v7 =	vshll.u32 v9, $0x4  }
0x118: {  	v9 =	vld [tilespmem:s14+$0x60];
	v7 =	vor.u32 v1, v7  }
0x119: {  	v8 =	vshll.u32 v10, $0x4;
	v10 =	vld [tilespmem:s13+$0x450]  }
0x11a: {  	[tilespmem:v6+s7+$0x0] =	vst.idx.add.f32.msk $0xffff, v2  }
0x11b: {  	v8 =	vadd.s32 v4, v8;
	v6 =	vld [tilespmem:s17+$0x860];
	_ =	sdelay $0x1  }
0x11c: {  	v9 =	vshll.u32 v9, $0x4;
	[tilespmem:v7+s7+$0x0] =	vst.idx.add.f32.msk $0xffff, v2  }
0x11d: {  	v7 =	vadd.s32 v4, v9;
	v9 =	vld [tilespmem:s12+$0x810]  }
0x11e: {  	v10 =	vshll.u32 v10, $0x4  }
0x11f: {  	[tilespmem:v8+s7+$0x0] =	vst.idx.add.f32.msk $0xffff, v2;
	v8 =	vadd.s32 v3, v10;
	v6 =	vshll.u32 v6, $0x4  }
0x120: {  	v6 =	vadd.s32 v4, v6  }
0x121: {  	v10 =	vld [tilespmem:s15+$0x30]  }
0x122: {  	[tilespmem:v7+s7+$0x0] =	vst.idx.add.f32.msk $0xffff, v2;
	v7 =	vshll.u32 v9, $0x4  }
0x123: {  	v9 =	vld [tilespmem:s14+$0x70];
	v7 =	vadd.s32 v3, v7  }
0x124: {  	[tilespmem:v8+s7+$0x0] =	vst.idx.add.f32.msk $0xffff, v2  }
0x125: {  	[tilespmem:v6+s7+$0x0] =	vst.idx.add.f32.msk $0xffff, v2  }
0x126: {  	v8 =	vshll.u32 v10, $0x4;
	v6 =	vld [tilespmem:s17+$0x870]  }
0x127: {  	v10 =	vld [tilespmem:s13+$0x460];
	v8 =	vadd.s32 v5, v8  }
0x128: {  	v9 =	vshll.u32 v9, $0x4;
	[tilespmem:v7+s7+$0x0] =	vst.idx.add.f32.msk $0xffff, v2  }
0x129: {  	v7 =	vadd.s32 v5, v9;
	v9 =	vld [tilespmem:s12+$0x820];
	_ =	sdelay $0x1  }
0x12a: {  	v6 =	vshll.u32 v6, $0x4  }
0x12b: {  	v10 =	vshll.u32 v10, $0x4;
	[tilespmem:v8+s7+$0x0] =	vst.idx.add.f32.msk $0xffff, v2;
	v6 =	vadd.s32 v5, v6  }
0x12c: {  	v8 =	vadd.s32 v4, v10;
	v10 =	vld [tilespmem:s15+$0x40]  }
0x12d: {  	[tilespmem:v7+s7+$0x0] =	vst.idx.add.f32.msk $0xffff, v2;
	v7 =	vshll.u32 v9, $0x4  }
0x12e: {  	v9 =	vld [tilespmem:s14+$0x400];
	v7 =	vadd.s32 v4, v7;
	_ =	sdelay $0x1  }
0x12f: {  	[tilespmem:v6+s7+$0x0] =	vst.idx.add.f32.msk $0xffff, v2  }
0x130: {  	v6 =	vld [tilespmem:s17+$0xC00]  }
0x131: {  	[tilespmem:v8+s7+$0x0] =	vst.idx.add.f32.msk $0xffff, v2;
	v8 =	vshll.u32 v10, $0x4  }
0x132: {  	v8 =	vor.u32 v1, v8;
	v9 =	vshll.u32 v9, $0x4;
	[tilespmem:v7+s7+$0x0] =	vst.idx.add.f32.msk $0xffff, v2  }
0x133: {  	v7 =	vor.u32 v1, v9;
	v9 =	vld [tilespmem:s12+$0x830]  }
0x134: {  	v10 =	vld [tilespmem:s13+$0x470]  }
0x135: {  	v6 =	vshll.u32 v6, $0x4  }
0x136: {  	v6 =	vor.u32 v1, v6  }
0x137: {  	[tilespmem:v8+s7+$0x0] =	vst.idx.add.f32.msk $0xffff, v2  }
0x138: {  	[tilespmem:v7+s7+$0x0] =	vst.idx.add.f32.msk $0xffff, v2;
	v7 =	vshll.u32 v9, $0x4  }
0x139: {  	v10 =	vshll.u32 v10, $0x4;
	v9 =	vld [tilespmem:s14+$0x410];
	v7 =	vadd.s32 v5, v7  }
0x13a: {  	v8 =	vadd.s32 v5, v10;
	v10 =	vld [tilespmem:s15+$0x50]  }
0x13b: {  	[tilespmem:v6+s7+$0x0] =	vst.idx.add.f32.msk $0xffff, v2  }
0x13c: {  	v6 =	vld [tilespmem:s17+$0xC10];
	_ =	sdelay $0x1  }
0x13d: {  	v9 =	vshll.u32 v9, $0x4;
	[tilespmem:v7+s7+$0x0] =	vst.idx.add.f32.msk $0xffff, v2  }
0x13e: {  	v7 =	vadd.s32 v3, v9;
	v9 =	vld [tilespmem:s12+$0x840]  }
0x13f: {  	[tilespmem:v8+s7+$0x0] =	vst.idx.add.f32.msk $0xffff, v2;
	v8 =	vshll.u32 v10, $0x4  }
0x140: {  	v8 =	vadd.s32 v3, v8;
	v6 =	vshll.u32 v6, $0x4  }
0x141: {  	v6 =	vadd.s32 v3, v6  }
0x142: {  	v10 =	vld [tilespmem:s13+$0x800]  }
0x143: {  	[tilespmem:v7+s7+$0x0] =	vst.idx.add.f32.msk $0xffff, v2;
	v7 =	vshll.u32 v9, $0x4  }
0x144: {  	v9 =	vld [tilespmem:s14+$0x420];
	v7 =	vor.u32 v1, v7  }
0x145: {  	[tilespmem:v8+s7+$0x0] =	vst.idx.add.f32.msk $0xffff, v2  }
0x146: {  	[tilespmem:v6+s7+$0x0] =	vst.idx.add.f32.msk $0xffff, v2  }
0x147: {  	v6 =	vld [tilespmem:s17+$0xC20]  }
0x148: {  	v8 =	vshll.u32 v10, $0x4;
	v10 =	vld [tilespmem:s15+$0x60]  }
0x149: {  	v8 =	vor.u32 v1, v8;
	v9 =	vshll.u32 v9, $0x4;
	[tilespmem:v7+s7+$0x0] =	vst.idx.add.f32.msk $0xffff, v2  }
0x14a: {  	s30 =	simm.s32 $0xA00;
	s18 =	simm.s32 $0x280;
	v7 =	vadd.s32 v4, v9;
	v9 =	vld [tilespmem:s12+$0x850]  }
0x14b: {  	s18 =	sand.u32 $0x380, s18;
	s16 =	sand.u32 $0xF000, s30  }
0x14c: {  	s16 =	sor.u32 s18, s16;
	v6 =	vshll.u32 v6, $0x4  }
0x14d: {  	v11 =	vld [tilespmem:s16+$0x0];
	v6 =	vadd.s32 v4, v6  }
0x14e: {  	v10 =	vshll.u32 v10, $0x4;
	[tilespmem:v8+s7+$0x0] =	vst.idx.add.f32.msk $0xffff, v2  }
0x14f: {  	v8 =	vadd.s32 v4, v10;
	[tilespmem:v7+s7+$0x0] =	vst.idx.add.f32.msk $0xffff, v2;
	v7 =	vshll.u32 v9, $0x4  }
0x150: {  	v9 =	vld [tilespmem:s14+$0x430];
	v7 =	vadd.s32 v3, v7  }
0x151: {  	v10 =	vld [tilespmem:s13+$0x810]  }
0x152: {  	v11 =	vshll.u32 v11, $0x4;
	[tilespmem:v6+s7+$0x0] =	vst.idx.add.f32.msk $0xffff, v2  }
0x153: {  	v6 =	vor.u32 v1, v11;
	v11 =	vld [tilespmem:s17+$0xC30]  }
0x154: {  	[tilespmem:v8+s7+$0x0] =	vst.idx.add.f32.msk $0xffff, v2  }
0x155: {  	v9 =	vshll.u32 v9, $0x4;
	[tilespmem:v7+s7+$0x0] =	vst.idx.add.f32.msk $0xffff, v2  }
0x156: {  	v7 =	vadd.s32 v5, v9;
	v9 =	vld [tilespmem:s12+$0x860]  }
0x157: {  	v8 =	vshll.u32 v10, $0x4;
	v10 =	vld [tilespmem:s15+$0x70]  }
0x158: {  	v8 =	vadd.s32 v3, v8;
	[tilespmem:v6+s7+$0x0] =	vst.idx.add.f32.msk $0xffff, v2;
	v6 =	vshll.u32 v11, $0x4  }
0x159: {  	v11 =	vld [tilespmem:s16+$0x10];
	v6 =	vadd.s32 v5, v6;
	_ =	sdelay $0x1  }
0x15a: {  	[tilespmem:v7+s7+$0x0] =	vst.idx.add.f32.msk $0xffff, v2;
	v7 =	vshll.u32 v9, $0x4  }
0x15b: {  	v9 =	vld [tilespmem:s14+$0x440];
	v7 =	vadd.s32 v4, v7  }
0x15c: {  	v10 =	vshll.u32 v10, $0x4;
	[tilespmem:v8+s7+$0x0] =	vst.idx.add.f32.msk $0xffff, v2  }
0x15d: {  	v8 =	vadd.s32 v5, v10;
	v11 =	vshll.u32 v11, $0x4;
	[tilespmem:v6+s7+$0x0] =	vst.idx.add.f32.msk $0xffff, v2  }
0x15e: {  	v6 =	vadd.s32 v3, v11;
	v11 =	vld [tilespmem:s17+$0xC40]  }
0x15f: {  	v10 =	vld [tilespmem:s13+$0x820]  }
0x160: {  	v9 =	vshll.u32 v9, $0x4;
	[tilespmem:v7+s7+$0x0] =	vst.idx.add.f32.msk $0xffff, v2  }
0x161: {  	v7 =	vor.u32 v1, v9;
	v9 =	vld [tilespmem:s12+$0x870]  }
0x162: {  	[tilespmem:v8+s7+$0x0] =	vst.idx.add.f32.msk $0xffff, v2  }
0x163: {  	[tilespmem:v6+s7+$0x0] =	vst.idx.add.f32.msk $0xffff, v2;
	v6 =	vshll.u32 v11, $0x4  }
0x164: {  	v11 =	vld [tilespmem:s16+$0x20];
	v6 =	vor.u32 v1, v6  }
0x165: {  	v8 =	vshll.u32 v10, $0x4;
	v10 =	vld [tilespmem:s15+$0x400]  }
0x166: {  	v8 =	vadd.s32 v4, v8;
	[tilespmem:v7+s7+$0x0] =	vst.idx.add.f32.msk $0xffff, v2;
	v7 =	vshll.u32 v9, $0x4  }
0x167: {  	v9 =	vld [tilespmem:s14+$0x450];
	v7 =	vadd.s32 v5, v7;
	_ =	sdelay $0x1  }
0x168: {  	v11 =	vshll.u32 v11, $0x4;
	[tilespmem:v6+s7+$0x0] =	vst.idx.add.f32.msk $0xffff, v2  }
0x169: {  	v6 =	vadd.s32 v4, v11;
	v11 =	vld [tilespmem:s17+$0xC50]  }
0x16a: {  	v10 =	vshll.u32 v10, $0x4;
	[tilespmem:v8+s7+$0x0] =	vst.idx.add.f32.msk $0xffff, v2  }
0x16b: {  	v8 =	vor.u32 v1, v10;
	v9 =	vshll.u32 v9, $0x4;
	[tilespmem:v7+s7+$0x0] =	vst.idx.add.f32.msk $0xffff, v2  }
0x16c: {  	v7 =	vadd.s32 v3, v9;
	v9 =	vld [tilespmem:s12+$0xC00]  }
0x16d: {  	v10 =	vld [tilespmem:s13+$0x830]  }
0x16e: {  	[tilespmem:v6+s7+$0x0] =	vst.idx.add.f32.msk $0xffff, v2;
	v6 =	vshll.u32 v11, $0x4  }
0x16f: {  	v11 =	vld [tilespmem:s16+$0x30];
	v6 =	vadd.s32 v3, v6  }
0x170: {  	[tilespmem:v8+s7+$0x0] =	vst.idx.add.f32.msk $0xffff, v2  }
0x171: {  	[tilespmem:v7+s7+$0x0] =	vst.idx.add.f32.msk $0xffff, v2;
	v7 =	vshll.u32 v9, $0x4  }
0x172: {  	v9 =	vld [tilespmem:s14+$0x460];
	v7 =	vor.u32 v1, v7  }
0x173: {  	v8 =	vshll.u32 v10, $0x4;
	v10 =	vld [tilespmem:s15+$0x410]  }
0x174: {  	v8 =	vadd.s32 v5, v8;
	v11 =	vshll.u32 v11, $0x4;
	[tilespmem:v6+s7+$0x0] =	vst.idx.add.f32.msk $0xffff, v2  }
0x175: {  	v6 =	vadd.s32 v5, v11;
	v11 =	vld [tilespmem:s17+$0xC60];
	_ =	sdelay $0x1  }
0x176: {  	v9 =	vshll.u32 v9, $0x4;
	[tilespmem:v7+s7+$0x0] =	vst.idx.add.f32.msk $0xffff, v2  }
0x177: {  	v10 =	vshll.u32 v10, $0x4;
	v7 =	vadd.s32 v4, v9;
	v9 =	vld [tilespmem:s12+$0xC10]  }
0x178: {  	[tilespmem:v8+s7+$0x0] =	vst.idx.add.f32.msk $0xffff, v2;
	v8 =	vadd.s32 v3, v10  }
0x179: {  	[tilespmem:v6+s7+$0x0] =	vst.idx.add.f32.msk $0xffff, v2;
	v6 =	vshll.u32 v11, $0x4  }
0x17a: {  	v11 =	vld [tilespmem:s16+$0x40];
	v6 =	vadd.s32 v4, v6  }
0x17b: {  	v10 =	vld [tilespmem:s13+$0x840]  }
0x17c: {  	[tilespmem:v7+s7+$0x0] =	vst.idx.add.f32.msk $0xffff, v2;
	v7 =	vshll.u32 v9, $0x4  }
0x17d: {  	[tilespmem:v8+s7+$0x0] =	vst.idx.add.f32.msk $0xffff, v2;
	v7 =	vadd.s32 v3, v7  }
0x17e: {  	v9 =	vld [tilespmem:s14+$0x470]  }
0x17f: {  	v11 =	vshll.u32 v11, $0x4;
	[tilespmem:v6+s7+$0x0] =	vst.idx.add.f32.msk $0xffff, v2  }
0x180: {  	v6 =	vor.u32 v1, v11;
	v11 =	vld [tilespmem:s17+$0xC70]  }
0x181: {  	v8 =	vshll.u32 v10, $0x4;
	v12 =	vld [tilespmem:s15+$0x420]  }
0x182: {  	v8 =	vor.u32 v1, v8;
	[tilespmem:v7+s7+$0x0] =	vst.idx.add.f32.msk $0xffff, v2  }
0x183: {  	v7 =	vshll.u32 v9, $0x4;
	v9 =	vld [tilespmem:s12+$0xC20]  }
0x184: {  	v7 =	vadd.s32 v5, v7  }
0x185: {  	[tilespmem:v6+s7+$0x0] =	vst.idx.add.f32.msk $0xffff, v2;
	v6 =	vshll.u32 v11, $0x4  }
0x186: {  	v10 =	vld [tilespmem:s16+$0x50];
	v6 =	vadd.s32 v5, v6  }
0x187: {  	s31 =	simm.s32 $0xC00;
	s18 =	simm.s32 $0x300;
	[tilespmem:v8+s7+$0x0] =	vst.idx.add.f32.msk $0xffff, v2;
	v12 =	vshll.u32 v12, $0x4  }
0x188: {  	s19 =	sand.u32 $0x380, s18;
	v8 =	vld [tilespmem:s13+$0x850];
	v13 =	vshll.u32 v9, $0x4;
	v9 =	vadd.s32 v4, v12;
	s17 =	sand.u32 $0xF000, s31  }
0x189: {  	[tilespmem:v7+s7+$0x0] =	vst.idx.add.f32.msk $0xffff, v2;
	s17 =	sor.u32 s19, s17  }
0x18a: {  	v7 =	vadd.s32 v4, v13;
	s19 =	simm.s32 $0xE00;
	v11 =	vld [tilespmem:s17+$0x0]  }
.LBB2_2:
0x18b: {  	p0 =	sne.s32 s19, $0xFE00;
	v10 =	vshll.u32 v10, $0x4;
	[tilespmem:v6+s7+$0x0] =	vst.idx.add.f32.msk $0xffff, v2  }
0x18c: {  	v6 =	vadd.s32 v3, v10;
	v10 =	vld [tilespmem:s14+$0x800]  }
0x18d: {  	[tilespmem:v9+s7+$0x0] =	vst.idx.add.f32.msk $0xffff, v2;
	v8 =	vshll.u32 v8, $0x4  }
0x18e: {  	v9 =	vld [tilespmem:s15+$0x430];
	v8 =	vadd.s32 v3, v8  }
0x18f: {  	v11 =	vshll.u32 v11, $0x4;
	[tilespmem:v7+s7+$0x0] =	vst.idx.add.f32.msk $0xffff, v2  }
0x190: {  	v7 =	vor.u32 v1, v11;
	v11 =	vld [tilespmem:s12+$0xC30]  }
0x191: {  	[tilespmem:v6+s7+$0x0] =	vst.idx.add.f32.msk $0xffff, v2;
	v6 =	vshll.u32 v10, $0x4  }
0x192: {  	v10 =	vld [tilespmem:s16+$0x60];
	v6 =	vor.u32 v1, v6  }
0x193: {  	v9 =	vshll.u32 v9, $0x4;
	[tilespmem:v8+s7+$0x0] =	vst.idx.add.f32.msk $0xffff, v2  }
0x194: {  	v8 =	vadd.s32 v5, v9;
	v9 =	vld [tilespmem:s13+$0x860]  }
0x195: {  	[tilespmem:v7+s7+$0x0] =	vst.idx.add.f32.msk $0xffff, v2;
	v7 =	vshll.u32 v11, $0x4  }
0x196: {  	v11 =	vld [tilespmem:s17+$0x10];
	v7 =	vadd.s32 v5, v7  }
0x197: {  	v10 =	vshll.u32 v10, $0x4;
	[tilespmem:v6+s7+$0x0] =	vst.idx.add.f32.msk $0xffff, v2  }
0x198: {  	v6 =	vadd.s32 v4, v10;
	v10 =	vld [tilespmem:s14+$0x810]  }
0x199: {  	[tilespmem:v8+s7+$0x0] =	vst.idx.add.f32.msk $0xffff, v2;
	v8 =	vshll.u32 v9, $0x4  }
0x19a: {  	v9 =	vld [tilespmem:s15+$0x440];
	v8 =	vadd.s32 v4, v8  }
0x19b: {  	v11 =	vshll.u32 v11, $0x4;
	[tilespmem:v7+s7+$0x0] =	vst.idx.add.f32.msk $0xffff, v2  }
0x19c: {  	v7 =	vadd.s32 v3, v11;
	v11 =	vld [tilespmem:s12+$0xC40]  }
0x19d: {  	[tilespmem:v6+s7+$0x0] =	vst.idx.add.f32.msk $0xffff, v2;
	v6 =	vshll.u32 v10, $0x4  }
0x19e: {  	v10 =	vld [tilespmem:s16+$0x70];
	v6 =	vadd.s32 v3, v6  }
0x19f: {  	v9 =	vshll.u32 v9, $0x4;
	[tilespmem:v8+s7+$0x0] =	vst.idx.add.f32.msk $0xffff, v2  }
0x1a0: {  	v8 =	vor.u32 v1, v9;
	v9 =	vld [tilespmem:s13+$0x870]  }
0x1a1: {  	[tilespmem:v7+s7+$0x0] =	vst.idx.add.f32.msk $0xffff, v2;
	v7 =	vshll.u32 v11, $0x4  }
0x1a2: {  	v11 =	vld [tilespmem:s17+$0x20];
	v7 =	vor.u32 v1, v7  }
0x1a3: {  	v10 =	vshll.u32 v10, $0x4;
	[tilespmem:v6+s7+$0x0] =	vst.idx.add.f32.msk $0xffff, v2  }
0x1a4: {  	v6 =	vadd.s32 v5, v10;
	v10 =	vld [tilespmem:s14+$0x820]  }
0x1a5: {  	[tilespmem:v8+s7+$0x0] =	vst.idx.add.f32.msk $0xffff, v2;
	v8 =	vshll.u32 v9, $0x4  }
0x1a6: {  	v9 =	vld [tilespmem:s15+$0x450];
	v8 =	vadd.s32 v5, v8  }
0x1a7: {  	v11 =	vshll.u32 v11, $0x4;
	[tilespmem:v7+s7+$0x0] =	vst.idx.add.f32.msk $0xffff, v2  }
0x1a8: {  	v7 =	vadd.s32 v4, v11;
	v11 =	vld [tilespmem:s12+$0xC50]  }
0x1a9: {  	[tilespmem:v6+s7+$0x0] =	vst.idx.add.f32.msk $0xffff, v2;
	v6 =	vshll.u32 v10, $0x4  }
0x1aa: {  	v10 =	vld [tilespmem:s16+$0x400];
	v6 =	vadd.s32 v4, v6  }
0x1ab: {  	v9 =	vshll.u32 v9, $0x4;
	[tilespmem:v8+s7+$0x0] =	vst.idx.add.f32.msk $0xffff, v2  }
0x1ac: {  	v8 =	vadd.s32 v3, v9;
	v9 =	vld [tilespmem:s13+$0xC00]  }
0x1ad: {  	[tilespmem:v7+s7+$0x0] =	vst.idx.add.f32.msk $0xffff, v2;
	v7 =	vshll.u32 v11, $0x4  }
0x1ae: {  	v11 =	vld [tilespmem:s17+$0x30];
	v7 =	vadd.s32 v3, v7  }
0x1af: {  	v10 =	vshll.u32 v10, $0x4;
	[tilespmem:v6+s7+$0x0] =	vst.idx.add.f32.msk $0xffff, v2  }
0x1b0: {  	v6 =	vor.u32 v1, v10;
	v10 =	vld [tilespmem:s14+$0x830]  }
0x1b1: {  	[tilespmem:v8+s7+$0x0] =	vst.idx.add.f32.msk $0xffff, v2;
	v8 =	vshll.u32 v9, $0x4  }
0x1b2: {  	v9 =	vld [tilespmem:s15+$0x460];
	v8 =	vor.u32 v1, v8  }
0x1b3: {  	v11 =	vshll.u32 v11, $0x4;
	[tilespmem:v7+s7+$0x0] =	vst.idx.add.f32.msk $0xffff, v2  }
0x1b4: {  	v7 =	vadd.s32 v5, v11;
	v11 =	vld [tilespmem:s12+$0xC60]  }
0x1b5: {  	[tilespmem:v6+s7+$0x0] =	vst.idx.add.f32.msk $0xffff, v2;
	v6 =	vshll.u32 v10, $0x4  }
0x1b6: {  	v10 =	vld [tilespmem:s16+$0x410];
	v6 =	vadd.s32 v5, v6  }
0x1b7: {  	v9 =	vshll.u32 v9, $0x4;
	[tilespmem:v8+s7+$0x0] =	vst.idx.add.f32.msk $0xffff, v2  }
0x1b8: {  	v8 =	vadd.s32 v4, v9;
	v9 =	vld [tilespmem:s13+$0xC10]  }
0x1b9: {  	[tilespmem:v7+s7+$0x0] =	vst.idx.add.f32.msk $0xffff, v2;
	v7 =	vshll.u32 v11, $0x4  }
0x1ba: {  	v11 =	vld [tilespmem:s17+$0x40];
	v7 =	vadd.s32 v4, v7  }
0x1bb: {  	v10 =	vshll.u32 v10, $0x4;
	[tilespmem:v6+s7+$0x0] =	vst.idx.add.f32.msk $0xffff, v2  }
0x1bc: {  	v6 =	vadd.s32 v3, v10;
	v10 =	vld [tilespmem:s14+$0x840]  }
0x1bd: {  	[tilespmem:v8+s7+$0x0] =	vst.idx.add.f32.msk $0xffff, v2;
	v8 =	vshll.u32 v9, $0x4  }
0x1be: {  	v9 =	vld [tilespmem:s15+$0x470];
	v8 =	vadd.s32 v3, v8  }
0x1bf: {  	v11 =	vshll.u32 v11, $0x4;
	[tilespmem:v7+s7+$0x0] =	vst.idx.add.f32.msk $0xffff, v2  }
0x1c0: {  	v7 =	vor.u32 v1, v11;
	v11 =	vld [tilespmem:s12+$0xC70];
	s12 =	smov.u32 s13;
	s13 =	smov.u32 s14;
	s14 =	smov.u32 s15  }
0x1c1: {  	s15 =	smov.u32 s16;
	s16 =	smov.u32 s17;
	[tilespmem:v6+s7+$0x0] =	vst.idx.add.f32.msk $0xffff, v2;
	v6 =	vshll.u32 v10, $0x4  }
0x1c2: {  	v12 =	vld [tilespmem:s15+$0x420];
	v13 =	vor.u32 v1, v6  }
0x1c3: {  	[tilespmem:v8+s7+$0x0] =	vst.idx.add.f32.msk $0xffff, v2  }
0x1c4: {  	v6 =	vshll.u32 v9, $0x4;
	v14 =	vld [tilespmem:s12+$0xC20]  }
0x1c5: {  	[tilespmem:v7+s7+$0x0] =	vst.idx.add.f32.msk $0xffff, v2;
	v7 =	vadd.s32 v5, v6;
	v6 =	vshll.u32 v11, $0x4  }
.Ltmp0:
0x1c6: {  	s18 =	sadd.s32 $0x80, s18;
	v10 =	vld [tilespmem:s16+$0x50];
	v6 =	vadd.s32 v5, v6;
	(pc) =	sbr.rel @p0 .LBB2_2-.Ltmp0, $4  }
0x1c7: {  	s20 =	sand.u32 $0x380, s18;
	s17 =	sand.u32 $0xF000, s19;
	v8 =	vshll.u32 v12, $0x4;
	[tilespmem:v13+s7+$0x0] =	vst.idx.add.f32.msk $0xffff, v2  }
0x1c8: {  	s17 =	sor.u32 s20, s17;
	v9 =	vadd.s32 v4, v8;
	v8 =	vld [tilespmem:s13+$0x850]  }
0x1c9: {  	v11 =	vld [tilespmem:s17+$0x0];
	v12 =	vshll.u32 v14, $0x4  }
0x1ca: {  	s19 =	sadd.s32 $0x200, s19;
	[tilespmem:v7+s7+$0x0] =	vst.idx.add.f32.msk $0xffff, v2;
	v7 =	vadd.s32 v4, v12  }
0x1cb: {  	_ =	sdelay $0x2  }
0x1cc: {  	v11 =	vshll.u32 v11, $0x4  }
0x1cd: {  	v11 =	vor.u32 v1, v11;
	_ =	sdelay $0x4  }
0x1ce: {  	[tilespmem:v11+s7+$0x0] =	vst.idx.add.f32.msk $0xffff, v2  }
0x1cf: {  	v11 =	vld [tilespmem:s17+$0x10];
	_ =	sdelay $0x4  }
0x1d0: {  	v11 =	vshll.u32 v11, $0x4  }
0x1d1: {  	v11 =	vadd.s32 v3, v11;
	_ =	sdelay $0x4  }
0x1d2: {  	[tilespmem:v11+s7+$0x0] =	vst.idx.add.f32.msk $0xffff, v2  }
0x1d3: {  	v11 =	vld [tilespmem:s17+$0x20];
	_ =	sdelay $0x4  }
0x1d4: {  	v11 =	vshll.u32 v11, $0x4  }
0x1d5: {  	v11 =	vadd.s32 v4, v11;
	_ =	sdelay $0x4  }
0x1d6: {  	[tilespmem:v11+s7+$0x0] =	vst.idx.add.f32.msk $0xffff, v2  }
0x1d7: {  	v11 =	vld [tilespmem:s17+$0x30];
	_ =	sdelay $0x4  }
0x1d8: {  	v11 =	vshll.u32 v11, $0x4  }
0x1d9: {  	v11 =	vadd.s32 v5, v11;
	_ =	sdelay $0x4  }
0x1da: {  	[tilespmem:v11+s7+$0x0] =	vst.idx.add.f32.msk $0xffff, v2  }
0x1db: {  	v11 =	vld [tilespmem:s17+$0x40];
	_ =	sdelay $0x4  }
0x1dc: {  	v11 =	vshll.u32 v11, $0x4  }
0x1dd: {  	v11 =	vor.u32 v1, v11;
	_ =	sdelay $0x4  }
0x1de: {  	[tilespmem:v11+s7+$0x0] =	vst.idx.add.f32.msk $0xffff, v2  }
0x1df: {  	v11 =	vld [tilespmem:s17+$0x50]  }
0x1e0: {  	v10 =	vshll.u32 v10, $0x4  }
0x1e1: {  	v10 =	vadd.s32 v3, v10;
	_ =	sdelay $0x2  }
0x1e2: {  	v11 =	vshll.u32 v11, $0x4  }
0x1e3: {  	v11 =	vadd.s32 v3, v11  }
0x1e4: {  	[tilespmem:v10+s7+$0x0] =	vst.idx.add.f32.msk $0xffff, v2  }
0x1e5: {  	v10 =	vld [tilespmem:s16+$0x60];
	_ =	sdelay $0x2  }
0x1e6: {  	[tilespmem:v11+s7+$0x0] =	vst.idx.add.f32.msk $0xffff, v2  }
0x1e7: {  	v11 =	vld [tilespmem:s17+$0x60]  }
0x1e8: {  	v10 =	vshll.u32 v10, $0x4  }
0x1e9: {  	v10 =	vadd.s32 v4, v10;
	_ =	sdelay $0x2  }
0x1ea: {  	v11 =	vshll.u32 v11, $0x4  }
0x1eb: {  	v11 =	vadd.s32 v4, v11  }
0x1ec: {  	[tilespmem:v10+s7+$0x0] =	vst.idx.add.f32.msk $0xffff, v2  }
0x1ed: {  	v10 =	vld [tilespmem:s16+$0x70];
	_ =	sdelay $0x2  }
0x1ee: {  	[tilespmem:v11+s7+$0x0] =	vst.idx.add.f32.msk $0xffff, v2  }
0x1ef: {  	v11 =	vld [tilespmem:s17+$0x70]  }
0x1f0: {  	v10 =	vshll.u32 v10, $0x4  }
0x1f1: {  	v10 =	vadd.s32 v5, v10;
	_ =	sdelay $0x2  }
0x1f2: {  	v11 =	vshll.u32 v11, $0x4  }
0x1f3: {  	v11 =	vadd.s32 v5, v11  }
0x1f4: {  	[tilespmem:v10+s7+$0x0] =	vst.idx.add.f32.msk $0xffff, v2  }
0x1f5: {  	v10 =	vld [tilespmem:s16+$0x400];
	_ =	sdelay $0x2  }
0x1f6: {  	[tilespmem:v11+s7+$0x0] =	vst.idx.add.f32.msk $0xffff, v2  }
0x1f7: {  	v11 =	vld [tilespmem:s17+$0x400]  }
0x1f8: {  	v10 =	vshll.u32 v10, $0x4  }
0x1f9: {  	v10 =	vor.u32 v1, v10;
	_ =	sdelay $0x2  }
0x1fa: {  	[tilespmem:v9+s7+$0x0] =	vst.idx.add.f32.msk $0xffff, v2;
	v11 =	vshll.u32 v11, $0x4  }
0x1fb: {  	v9 =	vld [tilespmem:s15+$0x430];
	v11 =	vor.u32 v1, v11  }
0x1fc: {  	[tilespmem:v10+s7+$0x0] =	vst.idx.add.f32.msk $0xffff, v2  }
0x1fd: {  	v10 =	vld [tilespmem:s16+$0x410];
	_ =	sdelay $0x2  }
0x1fe: {  	v9 =	vshll.u32 v9, $0x4;
	[tilespmem:v11+s7+$0x0] =	vst.idx.add.f32.msk $0xffff, v2  }
0x1ff: {  	v9 =	vadd.s32 v5, v9;
	v11 =	vld [tilespmem:s17+$0x410]  }
0x200: {  	v10 =	vshll.u32 v10, $0x4  }
0x201: {  	v10 =	vadd.s32 v3, v10;
	_ =	sdelay $0x2  }
0x202: {  	[tilespmem:v9+s7+$0x0] =	vst.idx.add.f32.msk $0xffff, v2;
	v11 =	vshll.u32 v11, $0x4  }
0x203: {  	v9 =	vld [tilespmem:s15+$0x440];
	v11 =	vadd.s32 v3, v11  }
0x204: {  	[tilespmem:v10+s7+$0x0] =	vst.idx.add.f32.msk $0xffff, v2  }
0x205: {  	v10 =	vld [tilespmem:s16+$0x420];
	_ =	sdelay $0x2  }
0x206: {  	v9 =	vshll.u32 v9, $0x4;
	[tilespmem:v11+s7+$0x0] =	vst.idx.add.f32.msk $0xffff, v2  }
0x207: {  	v9 =	vor.u32 v1, v9;
	v11 =	vld [tilespmem:s17+$0x420]  }
0x208: {  	v10 =	vshll.u32 v10, $0x4  }
0x209: {  	v10 =	vadd.s32 v4, v10;
	_ =	sdelay $0x2  }
0x20a: {  	[tilespmem:v9+s7+$0x0] =	vst.idx.add.f32.msk $0xffff, v2;
	v11 =	vshll.u32 v11, $0x4  }
0x20b: {  	v9 =	vld [tilespmem:s15+$0x450];
	v11 =	vadd.s32 v4, v11  }
0x20c: {  	[tilespmem:v10+s7+$0x0] =	vst.idx.add.f32.msk $0xffff, v2  }
0x20d: {  	v10 =	vld [tilespmem:s16+$0x430];
	_ =	sdelay $0x2  }
0x20e: {  	v9 =	vshll.u32 v9, $0x4;
	[tilespmem:v11+s7+$0x0] =	vst.idx.add.f32.msk $0xffff, v2  }
0x20f: {  	v9 =	vadd.s32 v3, v9;
	v11 =	vld [tilespmem:s17+$0x430]  }
0x210: {  	v10 =	vshll.u32 v10, $0x4  }
0x211: {  	v10 =	vadd.s32 v5, v10;
	_ =	sdelay $0x2  }
0x212: {  	[tilespmem:v9+s7+$0x0] =	vst.idx.add.f32.msk $0xffff, v2;
	v11 =	vshll.u32 v11, $0x4  }
0x213: {  	v9 =	vld [tilespmem:s15+$0x460];
	v11 =	vadd.s32 v5, v11  }
0x214: {  	[tilespmem:v10+s7+$0x0] =	vst.idx.add.f32.msk $0xffff, v2  }
0x215: {  	v10 =	vld [tilespmem:s16+$0x440];
	_ =	sdelay $0x2  }
0x216: {  	v9 =	vshll.u32 v9, $0x4;
	[tilespmem:v11+s7+$0x0] =	vst.idx.add.f32.msk $0xffff, v2  }
0x217: {  	v9 =	vadd.s32 v4, v9;
	v11 =	vld [tilespmem:s17+$0x440]  }
0x218: {  	v10 =	vshll.u32 v10, $0x4  }
0x219: {  	v10 =	vor.u32 v1, v10;
	_ =	sdelay $0x2  }
0x21a: {  	[tilespmem:v9+s7+$0x0] =	vst.idx.add.f32.msk $0xffff, v2;
	v11 =	vshll.u32 v11, $0x4  }
0x21b: {  	v9 =	vld [tilespmem:s15+$0x470];
	v11 =	vor.u32 v1, v11  }
0x21c: {  	[tilespmem:v10+s7+$0x0] =	vst.idx.add.f32.msk $0xffff, v2  }
0x21d: {  	v10 =	vld [tilespmem:s16+$0x450];
	_ =	sdelay $0x2  }
0x21e: {  	v9 =	vshll.u32 v9, $0x4;
	[tilespmem:v11+s7+$0x0] =	vst.idx.add.f32.msk $0xffff, v2  }
0x21f: {  	v9 =	vadd.s32 v5, v9;
	v11 =	vld [tilespmem:s17+$0x450]  }
0x220: {  	v10 =	vshll.u32 v10, $0x4  }
0x221: {  	v10 =	vadd.s32 v3, v10;
	_ =	sdelay $0x2  }
0x222: {  	[tilespmem:v9+s7+$0x0] =	vst.idx.add.f32.msk $0xffff, v2;
	v11 =	vshll.u32 v11, $0x4  }
0x223: {  	v9 =	vld [tilespmem:s15+$0x800];
	v11 =	vadd.s32 v3, v11  }
0x224: {  	[tilespmem:v10+s7+$0x0] =	vst.idx.add.f32.msk $0xffff, v2  }
0x225: {  	v10 =	vld [tilespmem:s16+$0x460];
	_ =	sdelay $0x2  }
0x226: {  	v9 =	vshll.u32 v9, $0x4;
	[tilespmem:v11+s7+$0x0] =	vst.idx.add.f32.msk $0xffff, v2  }
0x227: {  	v9 =	vor.u32 v1, v9;
	v11 =	vld [tilespmem:s17+$0x460]  }
0x228: {  	v10 =	vshll.u32 v10, $0x4  }
0x229: {  	v10 =	vadd.s32 v4, v10;
	_ =	sdelay $0x2  }
0x22a: {  	[tilespmem:v9+s7+$0x0] =	vst.idx.add.f32.msk $0xffff, v2;
	v11 =	vshll.u32 v11, $0x4  }
0x22b: {  	v9 =	vld [tilespmem:s15+$0x810];
	v11 =	vadd.s32 v4, v11  }
0x22c: {  	[tilespmem:v10+s7+$0x0] =	vst.idx.add.f32.msk $0xffff, v2  }
0x22d: {  	v10 =	vld [tilespmem:s16+$0x470];
	_ =	sdelay $0x2  }
0x22e: {  	v9 =	vshll.u32 v9, $0x4;
	[tilespmem:v11+s7+$0x0] =	vst.idx.add.f32.msk $0xffff, v2  }
0x22f: {  	v9 =	vadd.s32 v3, v9;
	v11 =	vld [tilespmem:s17+$0x470]  }
0x230: {  	v10 =	vshll.u32 v10, $0x4  }
0x231: {  	v12 =	vld [tilespmem:s14+$0x800];
	v10 =	vadd.s32 v5, v10;
	_ =	sdelay $0x2  }
0x232: {  	[tilespmem:v9+s7+$0x0] =	vst.idx.add.f32.msk $0xffff, v2;
	v11 =	vshll.u32 v11, $0x4  }
0x233: {  	v9 =	vld [tilespmem:s15+$0x820];
	v11 =	vadd.s32 v5, v11  }
0x234: {  	v12 =	vshll.u32 v12, $0x4;
	[tilespmem:v10+s7+$0x0] =	vst.idx.add.f32.msk $0xffff, v2  }
0x235: {  	v49 =	vor.u32 v1, v12;
	v10 =	vld [tilespmem:s16+$0x800];
	_ =	sdelay $0x2  }
0x236: {  	v9 =	vshll.u32 v9, $0x4;
	[tilespmem:v11+s7+$0x0] =	vst.idx.add.f32.msk $0xffff, v2  }
0x237: {  	v9 =	vadd.s32 v4, v9;
	v50 =	vld [tilespmem:s17+$0x800]  }
0x238: {  	[tilespmem:v49+s7+$0x0] =	vst.idx.add.f32.msk $0xffff, v2;
	v10 =	vshll.u32 v10, $0x4  }
0x239: {  	v52 =	vld [tilespmem:s14+$0x810];
	v10 =	vor.u32 v1, v10;
	_ =	sdelay $0x2  }
0x23a: {  	[tilespmem:v9+s7+$0x0] =	vst.idx.add.f32.msk $0xffff, v2;
	v51 =	vshll.u32 v50, $0x4  }
0x23b: {  	v9 =	vld [tilespmem:s15+$0x830];
	v11 =	vor.u32 v1, v51  }
0x23c: {  	v12 =	vshll.u32 v52, $0x4;
	[tilespmem:v10+s7+$0x0] =	vst.idx.add.f32.msk $0xffff, v2  }
0x23d: {  	v53 =	vadd.s32 v3, v12;
	v10 =	vld [tilespmem:s16+$0x810];
	_ =	sdelay $0x2  }
0x23e: {  	v9 =	vshll.u32 v9, $0x4;
	[tilespmem:v11+s7+$0x0] =	vst.idx.add.f32.msk $0xffff, v2  }
0x23f: {  	v9 =	vadd.s32 v5, v9;
	v54 =	vld [tilespmem:s17+$0x810]  }
0x240: {  	[tilespmem:v53+s7+$0x0] =	vst.idx.add.f32.msk $0xffff, v2;
	v10 =	vshll.u32 v10, $0x4  }
0x241: {  	v56 =	vld [tilespmem:s14+$0x820];
	v10 =	vadd.s32 v3, v10;
	_ =	sdelay $0x2  }
0x242: {  	[tilespmem:v9+s7+$0x0] =	vst.idx.add.f32.msk $0xffff, v2;
	v55 =	vshll.u32 v54, $0x4  }
0x243: {  	v9 =	vld [tilespmem:s15+$0x840];
	v11 =	vadd.s32 v3, v55  }
0x244: {  	v12 =	vshll.u32 v56, $0x4;
	[tilespmem:v10+s7+$0x0] =	vst.idx.add.f32.msk $0xffff, v2  }
0x245: {  	v57 =	vadd.s32 v4, v12;
	v10 =	vld [tilespmem:s16+$0x820];
	_ =	sdelay $0x2  }
0x246: {  	v9 =	vshll.u32 v9, $0x4;
	[tilespmem:v11+s7+$0x0] =	vst.idx.add.f32.msk $0xffff, v2  }
0x247: {  	v9 =	vor.u32 v1, v9;
	v58 =	vld [tilespmem:s17+$0x820]  }
0x248: {  	[tilespmem:v57+s7+$0x0] =	vst.idx.add.f32.msk $0xffff, v2;
	v10 =	vshll.u32 v10, $0x4  }
0x249: {  	v60 =	vld [tilespmem:s14+$0x830];
	v10 =	vadd.s32 v4, v10;
	_ =	sdelay $0x2  }
0x24a: {  	[tilespmem:v9+s7+$0x0] =	vst.idx.add.f32.msk $0xffff, v2;
	v59 =	vshll.u32 v58, $0x4  }
0x24b: {  	v9 =	vld [tilespmem:s15+$0x850];
	v11 =	vadd.s32 v4, v59  }
0x24c: {  	v12 =	vshll.u32 v60, $0x4;
	[tilespmem:v10+s7+$0x0] =	vst.idx.add.f32.msk $0xffff, v2  }
0x24d: {  	v61 =	vadd.s32 v5, v12;
	v10 =	vld [tilespmem:s16+$0x830];
	_ =	sdelay $0x2  }
0x24e: {  	v9 =	vshll.u32 v9, $0x4;
	[tilespmem:v11+s7+$0x0] =	vst.idx.add.f32.msk $0xffff, v2  }
0x24f: {  	v9 =	vadd.s32 v3, v9;
	v62 =	vld [tilespmem:s17+$0x830]  }
0x250: {  	[tilespmem:v61+s7+$0x0] =	vst.idx.add.f32.msk $0xffff, v2;
	v10 =	vshll.u32 v10, $0x4  }
0x251: {  	v16 =	vld [tilespmem:s14+$0x840];
	v10 =	vadd.s32 v5, v10;
	_ =	sdelay $0x2  }
0x252: {  	[tilespmem:v9+s7+$0x0] =	vst.idx.add.f32.msk $0xffff, v2;
	v63 =	vshll.u32 v62, $0x4  }
0x253: {  	v9 =	vld [tilespmem:s15+$0x860];
	v11 =	vadd.s32 v5, v63  }
0x254: {  	v12 =	vshll.u32 v16, $0x4;
	[tilespmem:v10+s7+$0x0] =	vst.idx.add.f32.msk $0xffff, v2  }
0x255: {  	v17 =	vor.u32 v1, v12;
	v10 =	vld [tilespmem:s16+$0x840];
	_ =	sdelay $0x2  }
0x256: {  	v9 =	vshll.u32 v9, $0x4;
	[tilespmem:v11+s7+$0x0] =	vst.idx.add.f32.msk $0xffff, v2  }
0x257: {  	v9 =	vadd.s32 v4, v9;
	v18 =	vld [tilespmem:s17+$0x840]  }
0x258: {  	[tilespmem:v17+s7+$0x0] =	vst.idx.add.f32.msk $0xffff, v2;
	v10 =	vshll.u32 v10, $0x4  }
0x259: {  	v20 =	vld [tilespmem:s14+$0x850];
	v10 =	vor.u32 v1, v10  }
0x25a: {  	v8 =	vshll.u32 v8, $0x4  }
0x25b: {  	v8 =	vadd.s32 v3, v8  }
0x25c: {  	[tilespmem:v9+s7+$0x0] =	vst.idx.add.f32.msk $0xffff, v2;
	v19 =	vshll.u32 v18, $0x4  }
0x25d: {  	v9 =	vld [tilespmem:s15+$0x870];
	v11 =	vor.u32 v1, v19  }
0x25e: {  	v12 =	vshll.u32 v20, $0x4;
	[tilespmem:v10+s7+$0x0] =	vst.idx.add.f32.msk $0xffff, v2  }
0x25f: {  	v21 =	vadd.s32 v3, v12;
	v10 =	vld [tilespmem:s16+$0x850]  }
0x260: {  	[tilespmem:v8+s7+$0x0] =	vst.idx.add.f32.msk $0xffff, v2  }
0x261: {  	v24 =	vld [tilespmem:s13+$0x860]  }
0x262: {  	v9 =	vshll.u32 v9, $0x4;
	[tilespmem:v11+s7+$0x0] =	vst.idx.add.f32.msk $0xffff, v2  }
0x263: {  	v9 =	vadd.s32 v5, v9;
	v22 =	vld [tilespmem:s17+$0x850]  }
0x264: {  	[tilespmem:v21+s7+$0x0] =	vst.idx.add.f32.msk $0xffff, v2;
	v23 =	vshll.u32 v10, $0x4  }
0x265: {  	v26 =	vld [tilespmem:s14+$0x860];
	v8 =	vadd.s32 v3, v23  }
0x266: {  	v10 =	vshll.u32 v24, $0x4  }
0x267: {  	v27 =	vadd.s32 v4, v10  }
0x268: {  	[tilespmem:v9+s7+$0x0] =	vst.idx.add.f32.msk $0xffff, v2;
	v25 =	vshll.u32 v22, $0x4  }
0x269: {  	v9 =	vld [tilespmem:s15+$0xC00];
	v11 =	vadd.s32 v3, v25  }
0x26a: {  	v12 =	vshll.u32 v26, $0x4;
	[tilespmem:v8+s7+$0x0] =	vst.idx.add.f32.msk $0xffff, v2  }
0x26b: {  	v29 =	vadd.s32 v4, v12;
	v28 =	vld [tilespmem:s16+$0x860]  }
0x26c: {  	[tilespmem:v27+s7+$0x0] =	vst.idx.add.f32.msk $0xffff, v2  }
0x26d: {  	v32 =	vld [tilespmem:s13+$0x870]  }
0x26e: {  	v9 =	vshll.u32 v9, $0x4;
	[tilespmem:v11+s7+$0x0] =	vst.idx.add.f32.msk $0xffff, v2  }
0x26f: {  	v9 =	vor.u32 v1, v9;
	v30 =	vld [tilespmem:s17+$0x860]  }
0x270: {  	[tilespmem:v29+s7+$0x0] =	vst.idx.add.f32.msk $0xffff, v2;
	v31 =	vshll.u32 v28, $0x4  }
0x271: {  	v34 =	vld [tilespmem:s14+$0x870];
	v8 =	vadd.s32 v4, v31  }
0x272: {  	v10 =	vshll.u32 v32, $0x4  }
0x273: {  	v35 =	vadd.s32 v5, v10  }
0x274: {  	[tilespmem:v9+s7+$0x0] =	vst.idx.add.f32.msk $0xffff, v2;
	v33 =	vshll.u32 v30, $0x4  }
0x275: {  	v9 =	vld [tilespmem:s15+$0xC10];
	v11 =	vadd.s32 v4, v33  }
0x276: {  	v12 =	vshll.u32 v34, $0x4;
	[tilespmem:v8+s7+$0x0] =	vst.idx.add.f32.msk $0xffff, v2  }
0x277: {  	v37 =	vadd.s32 v5, v12;
	v36 =	vld [tilespmem:s16+$0x870]  }
0x278: {  	[tilespmem:v35+s7+$0x0] =	vst.idx.add.f32.msk $0xffff, v2  }
0x279: {  	v40 =	vld [tilespmem:s13+$0xC00]  }
0x27a: {  	v9 =	vshll.u32 v9, $0x4;
	[tilespmem:v11+s7+$0x0] =	vst.idx.add.f32.msk $0xffff, v2  }
0x27b: {  	v9 =	vadd.s32 v3, v9;
	v38 =	vld [tilespmem:s17+$0x870]  }
0x27c: {  	[tilespmem:v37+s7+$0x0] =	vst.idx.add.f32.msk $0xffff, v2;
	v39 =	vshll.u32 v36, $0x4  }
0x27d: {  	v42 =	vld [tilespmem:s14+$0xC00];
	v8 =	vadd.s32 v5, v39  }
0x27e: {  	v10 =	vshll.u32 v40, $0x4  }
0x27f: {  	[tilespmem:v7+s7+$0x0] =	vst.idx.add.f32.msk $0xffff, v2;
	v43 =	vor.u32 v1, v10  }
0x280: {  	[tilespmem:v9+s7+$0x0] =	vst.idx.add.f32.msk $0xffff, v2;
	v41 =	vshll.u32 v38, $0x4  }
0x281: {  	v9 =	vld [tilespmem:s15+$0xC20];
	v11 =	vadd.s32 v5, v41  }
0x282: {  	v12 =	vshll.u32 v42, $0x4;
	[tilespmem:v8+s7+$0x0] =	vst.idx.add.f32.msk $0xffff, v2  }
0x283: {  	v45 =	vor.u32 v1, v12;
	v44 =	vld [tilespmem:s16+$0xC00]  }
0x284: {  	[tilespmem:v43+s7+$0x0] =	vst.idx.add.f32.msk $0xffff, v2  }
0x285: {  	v48 =	vld [tilespmem:s13+$0xC10]  }
0x286: {  	v7 =	vshll.u32 v9, $0x4;
	[tilespmem:v11+s7+$0x0] =	vst.idx.add.f32.msk $0xffff, v2  }
0x287: {  	v7 =	vadd.s32 v4, v7;
	v46 =	vld [tilespmem:s17+$0xC00]  }
0x288: {  	[tilespmem:v45+s7+$0x0] =	vst.idx.add.f32.msk $0xffff, v2;
	v47 =	vshll.u32 v44, $0x4  }
0x289: {  	v50 =	vld [tilespmem:s14+$0xC10];
	v8 =	vor.u32 v1, v47  }
0x28a: {  	v10 =	vshll.u32 v48, $0x4  }
0x28b: {  	v51 =	vadd.s32 v3, v10  }
0x28c: {  	[tilespmem:v7+s7+$0x0] =	vst.idx.add.f32.msk $0xffff, v2;
	v49 =	vshll.u32 v46, $0x4  }
0x28d: {  	v63 =	vld [tilespmem:s12+$0xC30];
	v11 =	vor.u32 v1, v49  }
0x28e: {  	v12 =	vshll.u32 v50, $0x4;
	[tilespmem:v8+s7+$0x0] =	vst.idx.add.f32.msk $0xffff, v2  }
0x28f: {  	v53 =	vadd.s32 v3, v12;
	v52 =	vld [tilespmem:s16+$0xC10]  }
0x290: {  	[tilespmem:v51+s7+$0x0] =	vst.idx.add.f32.msk $0xffff, v2  }
0x291: {  	v56 =	vld [tilespmem:s13+$0xC20]  }
0x292: {  	[tilespmem:v11+s7+$0x0] =	vst.idx.add.f32.msk $0xffff, v2  }
0x293: {  	v9 =	vshll.u32 v63, $0x4;
	v54 =	vld [tilespmem:s17+$0xC10]  }
0x294: {  	[tilespmem:v53+s7+$0x0] =	vst.idx.add.f32.msk $0xffff, v2;
	v7 =	vadd.s32 v5, v9;
	v55 =	vshll.u32 v52, $0x4  }
0x295: {  	v58 =	vld [tilespmem:s14+$0xC20];
	v8 =	vadd.s32 v3, v55  }
0x296: {  	v10 =	vshll.u32 v56, $0x4  }
0x297: {  	v59 =	vadd.s32 v4, v10  }
0x298: {  	v20 =	vld [tilespmem:s15+$0xC30];
	v57 =	vshll.u32 v54, $0x4  }
0x299: {  	[tilespmem:v7+s7+$0x0] =	vst.idx.add.f32.msk $0xffff, v2;
	v11 =	vadd.s32 v3, v57  }
0x29a: {  	v12 =	vshll.u32 v58, $0x4;
	[tilespmem:v8+s7+$0x0] =	vst.idx.add.f32.msk $0xffff, v2  }
0x29b: {  	v61 =	vadd.s32 v4, v12;
	v60 =	vld [tilespmem:s16+$0xC20]  }
0x29c: {  	[tilespmem:v59+s7+$0x0] =	vst.idx.add.f32.msk $0xffff, v2  }
0x29d: {  	v17 =	vld [tilespmem:s13+$0xC30]  }
0x29e: {  	v7 =	vshll.u32 v20, $0x4;
	[tilespmem:v11+s7+$0x0] =	vst.idx.add.f32.msk $0xffff, v2  }
0x29f: {  	v7 =	vadd.s32 v5, v7;
	v62 =	vld [tilespmem:s17+$0xC20]  }
0x2a0: {  	[tilespmem:v61+s7+$0x0] =	vst.idx.add.f32.msk $0xffff, v2;
	v16 =	vshll.u32 v60, $0x4  }
0x2a1: {  	v19 =	vld [tilespmem:s14+$0xC30];
	v8 =	vadd.s32 v4, v16  }
0x2a2: {  	v10 =	vshll.u32 v17, $0x4  }
0x2a3: {  	v21 =	vadd.s32 v5, v10  }
0x2a4: {  	[tilespmem:v7+s7+$0x0] =	vst.idx.add.f32.msk $0xffff, v2;
	v18 =	vshll.u32 v62, $0x4  }
0x2a5: {  	v25 =	vld [tilespmem:s12+$0xC40];
	v11 =	vadd.s32 v4, v18  }
0x2a6: {  	v12 =	vshll.u32 v19, $0x4;
	[tilespmem:v8+s7+$0x0] =	vst.idx.add.f32.msk $0xffff, v2  }
0x2a7: {  	v23 =	vadd.s32 v5, v12;
	v22 =	vld [tilespmem:s16+$0xC30]  }
0x2a8: {  	[tilespmem:v21+s7+$0x0] =	vst.idx.add.f32.msk $0xffff, v2  }
0x2a9: {  	v27 =	vld [tilespmem:s13+$0xC40]  }
0x2aa: {  	v9 =	vshll.u32 v25, $0x4;
	[tilespmem:v11+s7+$0x0] =	vst.idx.add.f32.msk $0xffff, v2  }
0x2ab: {  	v7 =	vor.u32 v1, v9;
	v24 =	vld [tilespmem:s17+$0xC30]  }
0x2ac: {  	[tilespmem:v23+s7+$0x0] =	vst.idx.add.f32.msk $0xffff, v2;
	v26 =	vshll.u32 v22, $0x4  }
0x2ad: {  	v29 =	vld [tilespmem:s14+$0xC40];
	v8 =	vadd.s32 v5, v26  }
0x2ae: {  	v10 =	vshll.u32 v27, $0x4  }
0x2af: {  	v31 =	vor.u32 v1, v10;
	v30 =	vld [tilespmem:s15+$0xC40]  }
0x2b0: {  	[tilespmem:v7+s7+$0x0] =	vst.idx.add.f32.msk $0xffff, v2;
	v28 =	vshll.u32 v24, $0x4  }
0x2b1: {  	v35 =	vld [tilespmem:s12+$0xC50];
	v11 =	vadd.s32 v5, v28  }
0x2b2: {  	v12 =	vshll.u32 v29, $0x4;
	[tilespmem:v8+s7+$0x0] =	vst.idx.add.f32.msk $0xffff, v2  }
0x2b3: {  	v33 =	vor.u32 v1, v12;
	v32 =	vld [tilespmem:s16+$0xC40]  }
0x2b4: {  	[tilespmem:v31+s7+$0x0] =	vst.idx.add.f32.msk $0xffff, v2;
	v7 =	vshll.u32 v30, $0x4  }
0x2b5: {  	v37 =	vld [tilespmem:s13+$0xC50];
	v7 =	vor.u32 v1, v7  }
0x2b6: {  	[tilespmem:v11+s7+$0x0] =	vst.idx.add.f32.msk $0xffff, v2  }
0x2b7: {  	v34 =	vld [tilespmem:s17+$0xC40]  }
0x2b8: {  	[tilespmem:v33+s7+$0x0] =	vst.idx.add.f32.msk $0xffff, v2;
	v36 =	vshll.u32 v32, $0x4  }
0x2b9: {  	v9 =	vshll.u32 v35, $0x4;
	v39 =	vld [tilespmem:s14+$0xC50];
	v8 =	vor.u32 v1, v36  }
0x2ba: {  	[tilespmem:v7+s7+$0x0] =	vst.idx.add.f32.msk $0xffff, v2;
	v7 =	vadd.s32 v3, v9  }
0x2bb: {  	v40 =	vld [tilespmem:s15+$0xC50]  }
0x2bc: {  	v38 =	vshll.u32 v34, $0x4  }
0x2bd: {  	v11 =	vor.u32 v1, v38  }
0x2be: {  	v10 =	vshll.u32 v37, $0x4;
	[tilespmem:v8+s7+$0x0] =	vst.idx.add.f32.msk $0xffff, v2  }
0x2bf: {  	v12 =	vshll.u32 v39, $0x4;
	v41 =	vadd.s32 v3, v10;
	[tilespmem:v7+s7+$0x0] =	vst.idx.add.f32.msk $0xffff, v2  }
0x2c0: {  	v43 =	vadd.s32 v3, v12;
	v7 =	vshll.u32 v40, $0x4;
	v45 =	vld [tilespmem:s12+$0xC60]  }
0x2c1: {  	v42 =	vld [tilespmem:s16+$0xC50];
	v7 =	vadd.s32 v3, v7  }
0x2c2: {  	[tilespmem:v11+s7+$0x0] =	vst.idx.add.f32.msk $0xffff, v2  }
0x2c3: {  	v44 =	vld [tilespmem:s17+$0xC50]  }
0x2c4: {  	[tilespmem:v41+s7+$0x0] =	vst.idx.add.f32.msk $0xffff, v2  }
0x2c5: {  	[tilespmem:v43+s7+$0x0] =	vst.idx.add.f32.msk $0xffff, v2;
	v9 =	vshll.u32 v45, $0x4  }
0x2c6: {  	[tilespmem:v7+s7+$0x0] =	vst.idx.add.f32.msk $0xffff, v2;
	v7 =	vadd.s32 v4, v9;
	v46 =	vshll.u32 v42, $0x4  }
0x2c7: {  	v47 =	vld [tilespmem:s13+$0xC60];
	v8 =	vadd.s32 v3, v46  }
0x2c8: {  	v50 =	vld [tilespmem:s15+$0xC60];
	v48 =	vshll.u32 v44, $0x4  }
0x2c9: {  	v49 =	vld [tilespmem:s14+$0xC60];
	v11 =	vadd.s32 v3, v48;
	_ =	sdelay $0x1  }
0x2ca: {  	[tilespmem:v7+s7+$0x0] =	vst.idx.add.f32.msk $0xffff, v2  }
0x2cb: {  	v10 =	vshll.u32 v47, $0x4;
	[tilespmem:v8+s7+$0x0] =	vst.idx.add.f32.msk $0xffff, v2  }
0x2cc: {  	v51 =	vadd.s32 v4, v10;
	v7 =	vshll.u32 v50, $0x4;
	v52 =	vld [tilespmem:s16+$0xC60]  }
0x2cd: {  	v12 =	vshll.u32 v49, $0x4;
	v7 =	vadd.s32 v4, v7;
	[tilespmem:v11+s7+$0x0] =	vst.idx.add.f32.msk $0xffff, v2  }
0x2ce: {  	v53 =	vadd.s32 v4, v12;
	v54 =	vld [tilespmem:s17+$0xC60];
	_ =	sdelay $0x1  }
0x2cf: {  	v55 =	vld [tilespmem:s12+$0xC70]  }
0x2d0: {  	[tilespmem:v51+s7+$0x0] =	vst.idx.add.f32.msk $0xffff, v2;
	v56 =	vshll.u32 v52, $0x4  }
0x2d1: {  	[tilespmem:v7+s7+$0x0] =	vst.idx.add.f32.msk $0xffff, v2;
	v8 =	vadd.s32 v4, v56  }
0x2d2: {  	[tilespmem:v53+s7+$0x0] =	vst.idx.add.f32.msk $0xffff, v2;
	v58 =	vshll.u32 v54, $0x4  }
0x2d3: {  	v7 =	vld [tilespmem:s15+$0xC70];
	v11 =	vadd.s32 v4, v58  }
0x2d4: {  	v57 =	vld [tilespmem:s13+$0xC70]  }
0x2d5: {  	v59 =	vld [tilespmem:s14+$0xC70]  }
0x2d6: {  	[tilespmem:v8+s7+$0x0] =	vst.idx.add.f32.msk $0xffff, v2  }
0x2d7: {  	v8 =	vld [tilespmem:s16+$0xC70]  }
0x2d8: {  	[tilespmem:v11+s7+$0x0] =	vst.idx.add.f32.msk $0xffff, v2  }
0x2d9: {  	v9 =	vshll.u32 v55, $0x4;
	v11 =	vld [tilespmem:s17+$0xC70]  }
0x2da: {  	v9 =	vadd.s32 v5, v9;
	v7 =	vshll.u32 v7, $0x4  }
0x2db: {  	v10 =	vshll.u32 v57, $0x4;
	v7 =	vadd.s32 v5, v7  }
0x2dc: {  	v12 =	vshll.u32 v59, $0x4;
	v10 =	vadd.s32 v5, v10  }
0x2dd: {  	v12 =	vadd.s32 v5, v12;
	v8 =	vshll.u32 v8, $0x4  }
0x2de: {  	[tilespmem:v6+s7+$0x0] =	vst.idx.add.f32.msk $0xffff, v2;
	v6 =	vadd.s32 v5, v8;
	v60 =	vshll.u32 v11, $0x4  }
0x2df: {  	[tilespmem:v9+s7+$0x0] =	vst.idx.add.f32.msk $0xffff, v2;
	v8 =	vadd.s32 v5, v60  }
0x2e0: {  	[tilespmem:v7+s7+$0x0] =	vst.idx.add.f32.msk $0xffff, v2  }
0x2e1: {  	[tilespmem:v10+s7+$0x0] =	vst.idx.add.f32.msk $0xffff, v2  }
0x2e2: {  	[tilespmem:v12+s7+$0x0] =	vst.idx.add.f32.msk $0xffff, v2  }
0x2e3: {  	[tilespmem:v6+s7+$0x0] =	vst.idx.add.f32.msk $0xffff, v2  }
0x2e4: {  	[tilespmem:v8+s7+$0x0] =	vst.idx.add.f32.msk $0xffff, v2  }
0x2e5: {  	v6 =	vld [tilespmem:$0x10000]  }
0x2e6: {  	v7 =	vld [tilespmem:$0x10130]  }
0x2e7: {  	v8 =	vld [tilespmem:$0x10260]  }
0x2e8: {  	v9 =	vld [tilespmem:$0x10390]  }
0x2e9: {  	v10 =	vld [tilespmem:$0x10010]  }
0x2ea: {  	v61 =	vld [tilespmem:$0x10140]  }
0x2eb: {  	v12 =	vld [tilespmem:$0x10270]  }
0x2ec: {  	v13 =	vld [tilespmem:$0x103A0]  }
0x2ed: {  	v14 =	vld [tilespmem:$0x10020]  }
0x2ee: {  	v15 =	vld [tilespmem:$0x10150]  }
0x2ef: {  	v16 =	vld [tilespmem:$0x10280]  }
0x2f0: {  	v17 =	vld [tilespmem:$0x103B0]  }
0x2f1: {  	v18 =	vld [tilespmem:$0x10030]  }
0x2f2: {  	v19 =	vld [tilespmem:$0x10160]  }
0x2f3: {  	v20 =	vld [tilespmem:$0x10290]  }
0x2f4: {  	v21 =	vld [tilespmem:$0x103C0]  }
0x2f5: {  	v22 =	vld [tilespmem:$0x10040]  }
0x2f6: {  	v23 =	vld [tilespmem:$0x10170]  }
0x2f7: {  	v24 =	vld [tilespmem:$0x102A0]  }
0x2f8: {  	v25 =	vld [tilespmem:$0x103D0]  }
0x2f9: {  	v26 =	vld [tilespmem:$0x10050]  }
0x2fa: {  	v27 =	vld [tilespmem:$0x10180]  }
0x2fb: {  	v28 =	vld [tilespmem:$0x102B0]  }
0x2fc: {  	v29 =	vld [tilespmem:$0x103E0]  }
0x2fd: {  	v30 =	vld [tilespmem:$0x10060]  }
0x2fe: {  	v31 =	vld [tilespmem:$0x10190]  }
0x2ff: {  	v32 =	vld [tilespmem:$0x102C0]  }
0x300: {  	v33 =	vld [tilespmem:$0x103F0]  }
0x301: {  	v34 =	vld [tilespmem:$0x10070]  }
0x302: {  	v35 =	vld [tilespmem:$0x101A0]  }
0x303: {  	v36 =	vld [tilespmem:$0x102D0]  }
0x304: {  	v37 =	vld [tilespmem:$0x10400]  }
0x305: {  	v38 =	vld [tilespmem:$0x10080]  }
0x306: {  	v39 =	vld [tilespmem:$0x101B0]  }
0x307: {  	v40 =	vld [tilespmem:$0x102E0]  }
0x308: {  	v41 =	vld [tilespmem:$0x10410]  }
0x309: {  	v42 =	vld [tilespmem:$0x10090]  }
0x30a: {  	v43 =	vld [tilespmem:$0x101C0]  }
0x30b: {  	v44 =	vld [tilespmem:$0x102F0]  }
0x30c: {  	v45 =	vld [tilespmem:$0x10420]  }
0x30d: {  	v46 =	vld [tilespmem:$0x100A0]  }
0x30e: {  	v47 =	vld [tilespmem:$0x101D0]  }
0x30f: {  	v48 =	vld [tilespmem:$0x10300]  }
0x310: {  	v49 =	vld [tilespmem:$0x10430]  }
0x311: {  	v50 =	vld [tilespmem:$0x100B0]  }
0x312: {  	v51 =	vld [tilespmem:$0x101E0]  }
0x313: {  	v52 =	vld [tilespmem:$0x10310]  }
0x314: {  	v53 =	vld [tilespmem:$0x10440]  }
0x315: {  	v54 =	vld [tilespmem:$0x100C0]  }
0x316: {  	v55 =	vld [tilespmem:$0x101F0]  }
0x317: {  	v11 =	vld [tilespmem:$0x10450]  }
0x318: {  	v57 =	vld [tilespmem:$0x10220];
	v6 =	vadd.f32 v7, v6  }
0x319: {  	v59 =	vld [tilespmem:$0x10350];
	v10 =	vadd.f32 v61, v10;
	v62 =	vadd.f32 v15, v14  }
0x31a: {  	v7 =	vld [tilespmem:$0x10320];
	v63 =	vadd.f32 v19, v18;
	v23 =	vadd.f32 v23, v22  }
0x31b: {  	v14 =	vld [tilespmem:$0x100D0];
	v27 =	vadd.f32 v27, v26;
	v31 =	vadd.f32 v31, v30  }
0x31c: {  	v15 =	vld [tilespmem:$0x10460];
	v56 =	vadd.f32 v35, v34;
	v58 =	vadd.f32 v39, v38  }
0x31d: {  	v19 =	vld [tilespmem:$0x10210];
	v60 =	vadd.f32 v43, v42;
	v42 =	vadd.f32 v51, v50  }
0x31e: {  	v22 =	vld [tilespmem:$0x10340];
	v6 =	vadd.f32 v8, v6;
	v10 =	vadd.f32 v12, v10  }
0x31f: {  	v61 =	vld [tilespmem:$0x10480];
	v8 =	vadd.f32 v16, v62;
	v16 =	vadd.f32 v24, v23  }
0x320: {  	v38 =	vld [tilespmem:$0x10230];
	v18 =	vadd.f32 v28, v27;
	v24 =	vadd.f32 v36, v56  }
0x321: {  	v43 =	vld [tilespmem:$0x10490];
	v62 =	vadd.f32 v47, v46;
	v46 =	vadd.f32 v52, v42  }
0x322: {  	v51 =	vld [tilespmem:$0x10250];
	v6 =	vadd.f32 v9, v6;
	v10 =	vadd.f32 v13, v10  }
0x323: {  	v12 =	vld [tilespmem:$0x10200];
	v8 =	vadd.f32 v17, v8;
	v13 =	vadd.f32 v20, v63  }
0x324: {  	v23 =	vld [tilespmem:$0x100F0];
	v16 =	vadd.f32 v25, v16;
	v20 =	vadd.f32 v32, v31  }
0x325: {  	v47 =	vld [tilespmem:$0x10240];
	v18 =	vadd.f32 v29, v18;
	v36 =	vadd.f32 v37, v24;
	[tilespmem:$0x10500] =	vst v6  }
0x326: {  	v9 =	vld [tilespmem:$0x10330];
	v37 =	vadd.f32 v44, v60;
	v39 =	vadd.f32 v48, v62;
	[tilespmem:$0x10510] =	vst v10  }
0x327: {  	v17 =	vld [tilespmem:$0x100E0];
	v44 =	vadd.f32 v55, v54;
	v50 =	vadd.f32 v53, v46;
	[tilespmem:$0x10520] =	vst v8  }
0x328: {  	v63 =	vld [tilespmem:$0x10100];
	v13 =	vadd.f32 v21, v13;
	v20 =	vadd.f32 v33, v20;
	[tilespmem:$0x10540] =	vst v16  }
0x329: {  	v21 =	vld [tilespmem:$0x10470];
	v6 =	vadd.f32 v40, v58;
	v8 =	vadd.f32 v49, v39;
	[tilespmem:$0x10550] =	vst v18  }
0x32a: {  	v7 =	vadd.f32 v7, v44;
	v49 =	vld [tilespmem:$0x10120];
	[tilespmem:$0x10570] =	vst v36;
	v12 =	vadd.f32 v12, v14  }
0x32b: {  	[tilespmem:$0x105B0] =	vst v50;
	v6 =	vadd.f32 v41, v6;
	v41 =	vadd.f32 v45, v37;
	v45 =	vld [tilespmem:$0x10110]  }
0x32c: {  	v40 =	vld [tilespmem:$0x10360];
	v53 =	vadd.f32 v57, v23;
	[tilespmem:$0x10530] =	vst v13;
	v48 =	vadd.f32 v19, v17  }
0x32d: {  	v52 =	vld [tilespmem:$0x10370];
	[tilespmem:$0x10560] =	vst v20;
	v9 =	vadd.f32 v9, v12;
	v55 =	vadd.f32 v38, v63  }
0x32e: {  	v54 =	vld [tilespmem:$0x10380];
	v57 =	vadd.f32 v59, v53;
	[tilespmem:$0x10580] =	vst v6;
	v6 =	vadd.f32 v11, v7  }
0x32f: {  	v56 =	vld [tilespmem:$0x104A0];
	[tilespmem:$0x105A0] =	vst v8;
	v7 =	vadd.f32 v22, v48;
	v9 =	vadd.f32 v15, v9  }
0x330: {  	v59 =	vld [tilespmem:$0x104B0];
	[tilespmem:$0x10590] =	vst v41;
	v60 =	vadd.f32 v51, v49;
	v58 =	vadd.f32 v47, v45  }
0x331: {  	[tilespmem:$0x105C0] =	vst v6;
	v6 =	vadd.f32 v40, v55;
	v7 =	vadd.f32 v21, v7  }
0x332: {  	v61 =	vadd.f32 v61, v57;
	[tilespmem:$0x105D0] =	vst v9;
	v62 =	vadd.f32 v52, v58  }
0x333: {  	v6 =	vadd.f32 v43, v6;
	[tilespmem:$0x105E0] =	vst v7;
	v7 =	vadd.f32 v54, v60  }
0x334: {  	[tilespmem:$0x105F0] =	vst v61;
	v63 =	vadd.f32 v56, v62  }
0x335: {  	s11 =	sadd.s32 $0x1, s11;
	[tilespmem:$0x10600] =	vst v6;
	v6 =	vadd.f32 v59, v7  }
0x336: {  	p0 =	sne.s32 s11, s5;
	[tilespmem:$0x10610] =	vst v63  }
.Ltmp1:
0x337: {  	[tilespmem:$0x10620] =	vst v6;
	(pc) =	sbr.rel @p0 .LBB2_1-.Ltmp1, $4  }
0x338: {  	[hbm4b:s4+s8] =	stream.strided.scatter [tilespmem:s10], [sflag:$0x1], $0x180, s9, s8, $0x38;
	[tilespmem:$0x10680] =	vst v63  }
0x339: {  	_ =	swait.ge [sflag:s6], $0x180  }
0x33a: {  	[sflag:s6] =	ssyncset.done $0x0  }
0x33b: {  	[sflag:s6] =	ssyncadd.s32 $0xFFFFFE80  }
0x33c: {  	_ =	sfence.sel $0x180000  }
0x33d: {  	[bflag:$0x0] =	sbarrier.arrive $0xFFFF  }
0x33e: {  	p0 =	sne.s32 s1, $0x0;
	_ =	strace $0x90000047  }
0x33f: {  	s0 =	sadd.s32 @!p0 $0x100000, s0;
	[bflag:$0x2] =	sbarrier.arrive $0xFFFF  }
0x340: {  	[sflag:s0] =	ssyncadd.tile.s32 @!p0 $0x1;
	_ =	shalt  }
.Lfunc_end2:
_tile_overlayer_lowered:
.L_overlay_start_2:
0x341: {  	(tag) =	ssettag $0x2  }
0x342: {  	s0 =	rddreg [dreg:$0x0];
	s2 =	stileid.u32  }
0x343: {  	s1 =	rddreg [dreg:$0x1];
	p0 =	sne.s32 s2, $0x0  }
0x344: {  	s3 =	rddreg [dreg:$0x2];
	[bflag:$0x3] =	sbarrier.arrive $0xFFFF;
	s2 =	simm.s32 @!p0 $0x1C01  }
0x345: {  	[timem:s3], [sflag:s2] =	dma.local @!p0 [hbm:s0], s1  }
0x346: {  	s0 =	simm.s32 @!p0 $0x1  }
0x347: {  	_ =	swait.ge @!p0 [sflag:s0], s1  }
0x348: {  	s1 =	ssub.s32 @!p0 $0x0, s1;
	[sflag:s0] =	ssyncset.done @!p0 $0x0  }
0x349: {  	[sflag:s0] =	ssyncadd.s32 @!p0 s1  }
0x34a: {  	[bflag:$0x3] =	sbarrier.arrive $0xFFFF  }
0x34b: {  	_ =	shalt  }

</sc_bundles>
